<compile_context>
chip_gen: v7x
topology: tpu7x:2x2x1
jax: 0.10.2.dev20260603
libtpu: 0.0.44.dev20260713+nightly
codegen_flags: <defaults>
</compile_context>

<pallas_src>
import functools

import jax
import jax.numpy as jnp
from jax import lax
from jax.experimental import pallas as pl
from jax.experimental.pallas import tpu as pltpu
from jax.experimental.pallas import tpu_sc as plsc

N = 10000
H = 128
E = 320000
NUM_LAYERS = 4
EPS = 1e-5

E_PAD = 327680
GK = 256
NS = E_PAD // (32 * GK)
S_ROWS = 10240
RPT = S_ROWS // 16
DUMP = N
NBUF = 2

BR = 2000


def _dg(a, b):
  return lax.dot_general(a, b, (((1,), (1,)), ((), ())),
                         preferred_element_type=jnp.float32)


def _ln_relu(t, g, b):
  m = jnp.mean(t, axis=-1, keepdims=True)
  v = jnp.mean((t - m) ** 2, axis=-1, keepdims=True)
  return jnp.maximum((t - m) * lax.rsqrt(v + EPS) * g + b, 0.0)


def _sigmoid(z):
  return 1.0 / (1.0 + jnp.exp(-z))



@functools.lru_cache(maxsize=2)
def _build_sc(with_cnt):
  out_type = [jax.ShapeDtypeStruct((2, S_ROWS, H), jnp.bfloat16)]
  scratch = [
      pltpu.VMEM((NS, GK), jnp.int32),
      pltpu.VMEM((NS, GK), jnp.int32),
      [pltpu.VMEM((GK, H), jnp.bfloat16) for _ in range(NBUF)],
      pltpu.VMEM_SHARED((S_ROWS, H), jnp.bfloat16),
      [pltpu.SemaphoreType.DMA for _ in range(NBUF)],
      [pltpu.SemaphoreType.DMA for _ in range(NBUF)],
  ]
  if with_cnt:
    out_type.append(jax.ShapeDtypeStruct((2, S_ROWS, 16), jnp.float32))
    scratch += [
        pltpu.VMEM((GK, 16), jnp.float32),
        pltpu.VMEM_SHARED((S_ROWS, 16), jnp.float32),
    ]

  mesh = plsc.VectorSubcoreMesh(core_axis_name="c", subcore_axis_name="s")

  def body(*refs):
    if with_cnt:
      (xs_hbm, ridx_hbm, cidx_hbm, zblk_hbm, ones_hbm, zcnt_hbm,
       s_out, cnt_out,
       ridx_v, cidx_v, bufs, s_sh, gsem, ssem,
       ones_v, cnt_sh) = refs
    else:
      (xs_hbm, ridx_hbm, cidx_hbm, zblk_hbm,
       s_out,
       ridx_v, cidx_v, bufs, s_sh, gsem, ssem) = refs

    c = lax.axis_index("c")
    s = lax.axis_index("s")

    slab = s * 2 + c
    pltpu.sync_copy(ridx_hbm.at[slab], ridx_v)
    pltpu.sync_copy(cidx_hbm.at[slab], cidx_v)
    pltpu.sync_copy(zblk_hbm, s_sh.at[pl.ds(s * RPT, RPT)])
    if with_cnt:
      pltpu.sync_copy(ones_hbm, ones_v)
      pltpu.sync_copy(zcnt_hbm, cnt_sh.at[pl.ds(s * RPT, RPT)])
    plsc.subcore_barrier()

    cslc = lambda j: cidx_v.at[j]
    rslc = lambda j: ridx_v.at[j]

    def drain_stream(j, b):
      pltpu.make_async_copy(xs_hbm.at[cslc(j)], bufs[b], gsem[b]).wait()
      pltpu.async_copy(bufs[b], s_sh.at[rslc(j)], ssem[b], add=True)
      if with_cnt:
        pltpu.sync_copy(ones_v, cnt_sh.at[rslc(j)], add=True)

    def wait_scatter(j, b):
      pltpu.make_async_copy(bufs[b], s_sh.at[rslc(j)], ssem[b]).wait()

    for b in range(NBUF):
      pltpu.async_copy(xs_hbm.at[cslc(b)], bufs[b], gsem[b])

    def step(j2, carry):
      for b in range(NBUF):
        j = j2 * NBUF + b
        drain_stream(j, b)
        wait_scatter(j, b)
        pltpu.async_copy(xs_hbm.at[cslc(j + NBUF)], bufs[b], gsem[b])
      return carry

    lax.fori_loop(0, NS // NBUF - 1, step, 0)
    for b in range(NBUF):
      j = NS - NBUF + b
      drain_stream(j, b)
      wait_scatter(j, b)

    plsc.subcore_barrier()
    pltpu.sync_copy(s_sh.at[pl.ds(s * RPT, RPT)],
                    s_out.at[c, pl.ds(s * RPT, RPT)])
    if with_cnt:
      pltpu.sync_copy(cnt_sh.at[pl.ds(s * RPT, RPT)],
                      cnt_out.at[c, pl.ds(s * RPT, RPT)])

  return pl.kernel(body,
                   out_type=tuple(out_type) if with_cnt else out_type[0],
                   mesh=mesh,
                   scratch_types=scratch,
                   compiler_params=pltpu.CompilerParams(
                       use_tc_tiling_on_sc=False))



def _pre_body(nf, qf, qe_w, qe_b, qe_g, qe_be, ntw1, ntw2, nt_b, nt_g, nt_be,
              wv, bv, ao_w, ao_b, o):
  q = _ln_relu(_dg(qf[...], qe_w[...]) + qe_b[...], qe_g[...], qe_be[...])
  t = _dg(nf[...], ntw1[...]) + _dg(q, ntw2[...]) + nt_b[...]
  x = _ln_relu(t, nt_g[...], nt_be[...])
  add_row = _dg(_dg(q, wv[...]) + bv[...], ao_w[...]) + ao_b[...]
  o[...] = x + add_row


def _layer_body(x_ref, sp, cp, wa, wb, mb, g, be, o):
  x = x_ref[...]
  ssum = sp[0].astype(jnp.float32) + sp[1].astype(jnp.float32)
  cnt = cp[0, :, 0:1] + cp[1, :, 0:1]
  inv = 1.0 / jnp.maximum(cnt, 1.0)
  t = _dg(x, wa[...]) + _dg(ssum * inv, wb[...]) + mb[...]
  agg = jnp.where(cnt > 0.0, t, x)
  o[...] = _ln_relu(agg, g[...], be[...])


def _heads_body(x_ref, mk_ref, v1a, v1b, v2w, v2b, v3, v3b,
                ema, emb, w32, p1a, p1b, p2w, p2b, p3, p3b, nv, pol):
  x = x_ref[...]
  mk = mk_ref[...]
  t = jnp.maximum(_dg(x, v1a[...]) + v1b[...], 0.0)
  t = jnp.maximum(_dg(t, v2w[...]) + v2b[...], 0.0)
  zv = jnp.sum(t * v3[...], axis=1, keepdims=True) + v3b[...]
  nv[...] = _sigmoid(zv)
  mp = mk * ema[...] + emb[...]
  u = jnp.maximum(_dg(x, p1a[...]) - _dg(mp, w32[...]) + p1b[...], 0.0)
  u = jnp.maximum(_dg(u, p2w[...]) + p2b[...], 0.0)
  zp = jnp.sum(u * p3[...], axis=1, keepdims=True) + p3b[...]
  pol[...] = _sigmoid(zp) * (1.0 - mk)


def _full(shape):
  nd = len(shape)
  return pl.BlockSpec(shape, lambda i: (0,) * nd)


def _pre_tc(nf, qf, *ws):
  grid = (N // BR,)
  in_specs = ([pl.BlockSpec((BR, H), lambda i: (i, 0)), _full(qf.shape)]
              + [_full(w.shape) for w in ws])
  return pl.pallas_call(
      _pre_body, grid=grid, in_specs=in_specs,
      out_specs=pl.BlockSpec((BR, H), lambda i: (i, 0)),
      out_shape=jax.ShapeDtypeStruct((N, H), jnp.float32),
  )(nf, qf, *ws)


def _layer_tc(x, sp, cp, *ws):
  grid = (N // BR,)
  in_specs = ([pl.BlockSpec((BR, H), lambda i: (i, 0)),
               pl.BlockSpec((2, BR, H), lambda i: (0, i, 0)),
               pl.BlockSpec((2, BR, 16), lambda i: (0, i, 0))]
              + [_full(w.shape) for w in ws])
  return pl.pallas_call(
      _layer_body, grid=grid, in_specs=in_specs,
      out_specs=pl.BlockSpec((BR, H), lambda i: (i, 0)),
      out_shape=jax.ShapeDtypeStruct((N, H), jnp.float32),
  )(x, sp, cp, *ws)


def _heads_tc(x, mk, *ws):
  grid = (N // BR,)
  in_specs = ([pl.BlockSpec((BR, H), lambda i: (i, 0)),
               pl.BlockSpec((BR, 1), lambda i: (i, 0))]
              + [_full(w.shape) for w in ws])
  out_specs = [pl.BlockSpec((BR, 1), lambda i: (i, 0))] * 2
  return pl.pallas_call(
      _heads_body, grid=grid, in_specs=in_specs, out_specs=out_specs,
      out_shape=[jax.ShapeDtypeStruct((N, 1), jnp.float32)] * 2,
  )(x, mk, *ws)



def kernel(node_features, edge_index, question_features, expansion_mask,
           params):
  p = params
  f32 = jnp.float32
  r2 = lambda a: a.reshape(1, -1).astype(f32)

  row = edge_index[0].astype(jnp.int32)
  col = edge_index[1].astype(jnp.int32)
  pad = E_PAD - E
  ridx = jnp.concatenate([row, jnp.full((pad,), DUMP, jnp.int32)]
                         ).reshape(32, NS, GK)
  cidx = jnp.concatenate([col, jnp.zeros((pad,), jnp.int32)]
                         ).reshape(32, NS, GK)
  zblk = jnp.zeros((RPT, H), jnp.bfloat16)
  ones16 = jnp.ones((GK, 16), f32)
  zcnt = jnp.zeros((RPT, 16), f32)

  x = _pre_tc(node_features.astype(f32), question_features.astype(f32),
              p['qe_w'], r2(p['qe_b']), r2(p['qe_g']), r2(p['qe_be']),
              p['nt_w'][:, :H], p['nt_w'][:, H:], r2(p['nt_b']),
              r2(p['nt_g']), r2(p['nt_be']),
              p['in_w'][2 * H:3 * H], r2(p['in_b'][2 * H:3 * H]),
              p['ao_w'], r2(p['ao_b']))

  cp = None
  for l in range(NUM_LAYERS):
    xs = x.astype(jnp.bfloat16)
    if l == 0:
      sp, cp = _build_sc(True)(xs, ridx, cidx, zblk, ones16, zcnt)
    else:
      sp = _build_sc(False)(xs, ridx, cidx, zblk)
    x = _layer_tc(x, sp, cp,
                  p['msg_w'][l][:, :H], p['msg_w'][l][:, H:2 * H],
                  r2(p['msg_b'][l]), r2(p['nu_g'][l]), r2(p['nu_be'][l]))

  w32 = (p['p1_w'][:, :H] + p['p1_w'][:, H:])[:, :H // 4]
  nv, pol = _heads_tc(
      x, expansion_mask.reshape(N, 1).astype(f32),
      p['v1_w'][:, :H], r2(p['v1_b']), p['v2_w'], r2(p['v2_b']),
      p['v3_w'], p['v3_b'].reshape(1, 1),
      p['em_w'].reshape(1, H // 4), r2(p['em_b']), w32,
      p['p1_w'][:, :H], r2(p['p1_b']), p['p2_w'], r2(p['p2_b']),
      p['p3_w'], p['p3_b'].reshape(1, 1))
  return nv, pol

# --- scband reference (transcript-rebuilt; emitter-appended) ---
"""Pipeline reference for scband-improved-gnncore-57818849738883 (READ-ONLY COPY).

The authoritative reference and input builder live on the scoring server;
editing this copy changes nothing except your own understanding.
"""

import jax, jax.numpy as jnp
import numpy as np

H = 128
NUM_LAYERS = 4

def _ln(x, g, b, eps=1e-5):
    m = jnp.mean(x, axis=-1, keepdims=True)
    v = jnp.mean((x - m) ** 2, axis=-1, keepdims=True)
    return (x - m) / jnp.sqrt(v + eps) * g + b

def _head(f, w1, b1, w2, b2, w3, b3):
    t = jnp.maximum(f @ w1.T + b1, 0.0)
    t = jnp.maximum(t @ w2.T + b2, 0.0)
    return jax.nn.sigmoid(t @ w3.T + b3)

def _forward(node_features, question_features, expansion_mask, params, edge_index):
    N = node_features.shape[0]
    E = edge_index.shape[1]
    p = params
    q = jnp.maximum(_ln(question_features @ p['qe_w'].T + p['qe_b'], p['qe_g'], p['qe_be']), 0.0)
    q_exp = jnp.broadcast_to(q, (N, H))
    x = jnp.maximum(_ln(jnp.concatenate([node_features, q_exp], axis=1) @ p['nt_w'].T + p['nt_b'], p['nt_g'], p['nt_be']), 0.0)
    wq, wk, wv = jnp.split(p['in_w'], 3, axis=0)
    bq, bk, bv = jnp.split(p['in_b'], 3, axis=0)
    nh, hd = 8, H // 8
    qh = (x @ wq.T + bq).reshape(N, nh, hd)
    kh = (q @ wk.T + bk).reshape(1, nh, hd)
    vh = (q @ wv.T + bv).reshape(1, nh, hd)
    scores = jnp.einsum('nhd,khd->hnk', qh, kh) / jnp.sqrt(float(hd))
    attn = jax.nn.softmax(scores, axis=-1)
    ao = jnp.einsum('hnk,khd->nhd', attn, vh).reshape(N, H)
    x = x + ao @ p['ao_w'].T + p['ao_b']
    row, col = edge_index[0], edge_index[1]
    for l in range(NUM_LAYERS):
        comb = jnp.concatenate([x[row], x[col], jnp.zeros((E, 64), x.dtype)], axis=1)
        msgs = comb @ p['msg_w'][l].T + p['msg_b'][l]
        sums = jnp.zeros((N, H), x.dtype).at[row].add(msgs)
        cnt = jnp.zeros((N,), x.dtype).at[row].add(1.0)
        agg = jnp.where(cnt[:, None] > 0, sums / jnp.maximum(cnt, 1.0)[:, None], x)
        x = jnp.maximum(_ln(agg, p['nu_g'][l], p['nu_be'][l]), 0.0)
    hist = jnp.zeros((N, H), x.dtype)
    mp = expansion_mask[:, None] @ p['em_w'].T + p['em_b']
    mp = jnp.pad(mp, ((0, 0), (0, H - H // 4)))
    final = jnp.concatenate([x, hist], axis=1)
    node_values = _head(final, p['v1_w'], p['v1_b'], p['v2_w'], p['v2_b'], p['v3_w'], p['v3_b'])
    exp_feat = final - jnp.tile(mp, (1, 2))
    pol = _head(exp_feat, p['p1_w'], p['p1_b'], p['p2_w'], p['p2_b'], p['p3_w'], p['p3_b'])
    pol = pol * (1.0 - expansion_mask[:, None])
    return node_values, pol

def setup_inputs(seed: int = 0):
    key = jax.random.key(seed)
    ks = jax.random.split(key, 32)
    N, E, D = 10000, 320000, 128
    s = 0.02
    def w(i, shape):
        return jax.random.normal(ks[i], shape, jnp.float32) * s
    params = {
        'qe_w': w(4, (H, D)), 'qe_b': jnp.zeros((H,)), 'qe_g': jnp.ones((H,)), 'qe_be': jnp.zeros((H,)),
        'nt_w': w(5, (H, D + H)), 'nt_b': jnp.zeros((H,)), 'nt_g': jnp.ones((H,)), 'nt_be': jnp.zeros((H,)),
        'in_w': w(6, (3 * H, H)), 'in_b': jnp.zeros((3 * H,)),
        'ao_w': w(7, (H, H)), 'ao_b': jnp.zeros((H,)),
        'msg_w': w(8, (NUM_LAYERS, H, 2 * H + 64)), 'msg_b': jnp.zeros((NUM_LAYERS, H)),
        'nu_g': jnp.ones((NUM_LAYERS, H)), 'nu_be': jnp.zeros((NUM_LAYERS, H)),
        'em_w': w(9, (H // 4, 1)), 'em_b': jnp.zeros((H // 4,)),
        'v1_w': w(10, (H, 2 * H)), 'v1_b': jnp.zeros((H,)),
        'v2_w': w(11, (H // 2, H)), 'v2_b': jnp.zeros((H // 2,)),
        'v3_w': w(12, (1, H // 2)), 'v3_b': jnp.zeros((1,)),
        'p1_w': w(13, (H, 2 * H)), 'p1_b': jnp.zeros((H,)),
        'p2_w': w(14, (H // 2, H)), 'p2_b': jnp.zeros((H // 2,)),
        'p3_w': w(15, (1, H // 2)), 'p3_b': jnp.zeros((1,)),
    }
    return {
        'node_features': jax.random.normal(ks[0], (N, D), jnp.float32),
        'edge_index': jax.random.randint(ks[1], (2, E), 0, N),
        'question_features': jax.random.normal(ks[2], (1, D), jnp.float32),
        'expansion_mask': jax.random.uniform(ks[3], (N,), jnp.float32),
        'params': params,
    }

def reference(node_features, edge_index, question_features, expansion_mask, params):
    return _forward(node_features, question_features, expansion_mask, params, edge_index)

if __name__ == "__main__":
    import jax
    _d = setup_inputs()
    print(jax.jit(kernel)(*tuple(_d.values())))

</pallas_src>

<mosaic_0001>
#map = affine_map<(d0, d1) -> (0, 0)>
#map1 = affine_map<(d0, d1) -> (0, 0, 0)>
module attributes {stable_mosaic.version = 14 : i64} {
  func.func @body(%arg0: i32, %arg1: i32, %arg2: memref<10000x128xbf16, #tpu.memory_space<hbm>>, %arg3: memref<32x40x256xi32, #tpu.memory_space<hbm>>, %arg4: memref<32x40x256xi32, #tpu.memory_space<hbm>>, %arg5: memref<640x128xbf16, #tpu.memory_space<hbm>>, %arg6: memref<256x16xf32, #tpu.memory_space<hbm>>, %arg7: memref<640x16xf32, #tpu.memory_space<hbm>>, %arg8: memref<2x10240x128xbf16, #tpu.memory_space<hbm>>, %arg9: memref<2x10240x16xf32, #tpu.memory_space<hbm>>, %arg10: memref<40x256xi32, #tpu.memory_space<vmem>>, %arg11: memref<40x256xi32, #tpu.memory_space<vmem>>, %arg12: memref<256x128xbf16, #tpu.memory_space<vmem>>, %arg13: memref<256x128xbf16, #tpu.memory_space<vmem>>, %arg14: memref<10240x128xbf16, #tpu.memory_space<vmem_shared>>, %arg15: memref<!tpu.dma_semaphore, #tpu.memory_space<semaphore_mem>>, %arg16: memref<!tpu.dma_semaphore, #tpu.memory_space<semaphore_mem>>, %arg17: memref<!tpu.dma_semaphore, #tpu.memory_space<semaphore_mem>>, %arg18: memref<!tpu.dma_semaphore, #tpu.memory_space<semaphore_mem>>, %arg19: memref<256x16xf32, #tpu.memory_space<vmem>>, %arg20: memref<10240x16xf32, #tpu.memory_space<vmem_shared>>) attributes {dimension_semantics = [#tpu.dimension_semantics<core_parallel>, #tpu.dimension_semantics<subcore_parallel>], iteration_bounds = array<i64: 2, 16>, scalar_prefetch = 0 : i64, scratch_operands = 11 : i64, tpu.core_type = #tpu.core_type<sc_vector_subcore>, window_params = [{transform_indices = #map}, {transform_indices = #map1}, {transform_indices = #map1}, {transform_indices = #map}, {transform_indices = #map}, {transform_indices = #map}, {transform_indices = #map1}, {transform_indices = #map1}]} {
    %mul3A = arith.constant 2 : i32
    %mul3A_0 = arith.muli %arg1, %mul3A : i32
    %add3A = arith.addi %mul3A_0, %arg0 : i32
    "tpu.region"() ({
      %run_scoped3A_74 = tpu.sem_alloc : memref<!tpu.dma_semaphore, #tpu.memory_space<semaphore_mem>>
      %dma_start3A_75 = arith.constant 0 : i32
      %dma_start3A_76 = arith.constant 0 : i32
      %dma_start3A_77 = tpu.memref_slice %arg3[%add3A, %dma_start3A_75, %dma_start3A_76] : memref<32x40x256xi32, #tpu.memory_space<hbm>> -> memref<1x40x256xi32, #tpu.memory_space<hbm>>
      %dma_start3A_78 = tpu.memref_squeeze %dma_start3A_77 : memref<1x40x256xi32, #tpu.memory_space<hbm>> -> memref<40x256xi32, #tpu.memory_space<hbm>>
      %dma_start3A_79 = arith.constant 0 : i32
      %dma_start3A_80 = arith.constant 0 : i32
      %dma_start3A_81 = tpu.memref_slice %arg3[%add3A, %dma_start3A_79, %dma_start3A_80] : memref<32x40x256xi32, #tpu.memory_space<hbm>> -> memref<1x40x256xi32, #tpu.memory_space<hbm>>
      %dma_start3A_82 = tpu.memref_squeeze %dma_start3A_81 : memref<1x40x256xi32, #tpu.memory_space<hbm>> -> memref<40x256xi32, #tpu.memory_space<hbm>>
      tpu.enqueue_dma source(%dma_start3A_82 : memref<40x256xi32, #tpu.memory_space<hbm>>) target(%arg10 : memref<40x256xi32, #tpu.memory_space<vmem>>) target_semaphore(%run_scoped3A_74 : memref<!tpu.dma_semaphore, #tpu.memory_space<semaphore_mem>>)
      %dma_wait3A_83 = arith.constant 0 : i32
      %dma_wait3A_84 = arith.constant 0 : i32
      %dma_wait3A_85 = tpu.memref_slice %arg3[%add3A, %dma_wait3A_83, %dma_wait3A_84] : memref<32x40x256xi32, #tpu.memory_space<hbm>> -> memref<1x40x256xi32, #tpu.memory_space<hbm>>
      %dma_wait3A_86 = tpu.memref_squeeze %dma_wait3A_85 : memref<1x40x256xi32, #tpu.memory_space<hbm>> -> memref<40x256xi32, #tpu.memory_space<hbm>>
      %dma_wait3A_87 = arith.constant 0 : i32
      %dma_wait3A_88 = arith.constant 0 : i32
      %dma_wait3A_89 = tpu.memref_slice %arg3[%add3A, %dma_wait3A_87, %dma_wait3A_88] : memref<32x40x256xi32, #tpu.memory_space<hbm>> -> memref<1x40x256xi32, #tpu.memory_space<hbm>>
      %dma_wait3A_90 = tpu.memref_squeeze %dma_wait3A_89 : memref<1x40x256xi32, #tpu.memory_space<hbm>> -> memref<40x256xi32, #tpu.memory_space<hbm>>
      tpu.wait_dma2 semaphore(%run_scoped3A_74 : memref<!tpu.dma_semaphore, #tpu.memory_space<semaphore_mem>>) src(%dma_wait3A_90 : memref<40x256xi32, #tpu.memory_space<hbm>>) dst(%arg10 : memref<40x256xi32, #tpu.memory_space<vmem>>)
      tpu.yield
    }) : () -> ()
    "tpu.region"() ({
      %run_scoped3A_74 = tpu.sem_alloc : memref<!tpu.dma_semaphore, #tpu.memory_space<semaphore_mem>>
      %dma_start3A_75 = arith.constant 0 : i32
      %dma_start3A_76 = arith.constant 0 : i32
      %dma_start3A_77 = tpu.memref_slice %arg4[%add3A, %dma_start3A_75, %dma_start3A_76] : memref<32x40x256xi32, #tpu.memory_space<hbm>> -> memref<1x40x256xi32, #tpu.memory_space<hbm>>
      %dma_start3A_78 = tpu.memref_squeeze %dma_start3A_77 : memref<1x40x256xi32, #tpu.memory_space<hbm>> -> memref<40x256xi32, #tpu.memory_space<hbm>>
      %dma_start3A_79 = arith.constant 0 : i32
      %dma_start3A_80 = arith.constant 0 : i32
      %dma_start3A_81 = tpu.memref_slice %arg4[%add3A, %dma_start3A_79, %dma_start3A_80] : memref<32x40x256xi32, #tpu.memory_space<hbm>> -> memref<1x40x256xi32, #tpu.memory_space<hbm>>
      %dma_start3A_82 = tpu.memref_squeeze %dma_start3A_81 : memref<1x40x256xi32, #tpu.memory_space<hbm>> -> memref<40x256xi32, #tpu.memory_space<hbm>>
      tpu.enqueue_dma source(%dma_start3A_82 : memref<40x256xi32, #tpu.memory_space<hbm>>) target(%arg11 : memref<40x256xi32, #tpu.memory_space<vmem>>) target_semaphore(%run_scoped3A_74 : memref<!tpu.dma_semaphore, #tpu.memory_space<semaphore_mem>>)
      %dma_wait3A_83 = arith.constant 0 : i32
      %dma_wait3A_84 = arith.constant 0 : i32
      %dma_wait3A_85 = tpu.memref_slice %arg4[%add3A, %dma_wait3A_83, %dma_wait3A_84] : memref<32x40x256xi32, #tpu.memory_space<hbm>> -> memref<1x40x256xi32, #tpu.memory_space<hbm>>
      %dma_wait3A_86 = tpu.memref_squeeze %dma_wait3A_85 : memref<1x40x256xi32, #tpu.memory_space<hbm>> -> memref<40x256xi32, #tpu.memory_space<hbm>>
      %dma_wait3A_87 = arith.constant 0 : i32
      %dma_wait3A_88 = arith.constant 0 : i32
      %dma_wait3A_89 = tpu.memref_slice %arg4[%add3A, %dma_wait3A_87, %dma_wait3A_88] : memref<32x40x256xi32, #tpu.memory_space<hbm>> -> memref<1x40x256xi32, #tpu.memory_space<hbm>>
      %dma_wait3A_90 = tpu.memref_squeeze %dma_wait3A_89 : memref<1x40x256xi32, #tpu.memory_space<hbm>> -> memref<40x256xi32, #tpu.memory_space<hbm>>
      tpu.wait_dma2 semaphore(%run_scoped3A_74 : memref<!tpu.dma_semaphore, #tpu.memory_space<semaphore_mem>>) src(%dma_wait3A_90 : memref<40x256xi32, #tpu.memory_space<hbm>>) dst(%arg11 : memref<40x256xi32, #tpu.memory_space<vmem>>)
      tpu.yield
    }) : () -> ()
    %mul3A_1 = arith.constant 640 : i32
    %mul3A_2 = arith.muli %arg1, %mul3A_1 : i32
    "tpu.region"() ({
      %run_scoped3A_74 = tpu.sem_alloc : memref<!tpu.dma_semaphore, #tpu.memory_space<semaphore_mem>>
      %dma_start3A_75 = arith.constant 0 : i32
      %dma_start3A_76 = tpu.memref_slice %arg14[%mul3A_2, %dma_start3A_75] : memref<10240x128xbf16, #tpu.memory_space<vmem_shared>> -> memref<640x128xbf16, #tpu.memory_space<vmem_shared>>
      tpu.enqueue_dma source(%arg5 : memref<640x128xbf16, #tpu.memory_space<hbm>>) target(%dma_start3A_76 : memref<640x128xbf16, #tpu.memory_space<vmem_shared>>) target_semaphore(%run_scoped3A_74 : memref<!tpu.dma_semaphore, #tpu.memory_space<semaphore_mem>>)
      %dma_wait3A_77 = arith.constant 0 : i32
      %dma_wait3A_78 = tpu.memref_slice %arg14[%mul3A_2, %dma_wait3A_77] : memref<10240x128xbf16, #tpu.memory_space<vmem_shared>> -> memref<640x128xbf16, #tpu.memory_space<vmem_shared>>
      tpu.wait_dma2 semaphore(%run_scoped3A_74 : memref<!tpu.dma_semaphore, #tpu.memory_space<semaphore_mem>>) src(%arg5 : memref<640x128xbf16, #tpu.memory_space<hbm>>) dst(%dma_wait3A_78 : memref<640x128xbf16, #tpu.memory_space<vmem_shared>>)
      tpu.yield
    }) : () -> ()
    "tpu.region"() ({
      %run_scoped3A_74 = tpu.sem_alloc : memref<!tpu.dma_semaphore, #tpu.memory_space<semaphore_mem>>
      tpu.enqueue_dma source(%arg6 : memref<256x16xf32, #tpu.memory_space<hbm>>) target(%arg19 : memref<256x16xf32, #tpu.memory_space<vmem>>) target_semaphore(%run_scoped3A_74 : memref<!tpu.dma_semaphore, #tpu.memory_space<semaphore_mem>>)
      tpu.wait_dma2 semaphore(%run_scoped3A_74 : memref<!tpu.dma_semaphore, #tpu.memory_space<semaphore_mem>>) src(%arg6 : memref<256x16xf32, #tpu.memory_space<hbm>>) dst(%arg19 : memref<256x16xf32, #tpu.memory_space<vmem>>)
      tpu.yield
    }) : () -> ()
    %mul3A_3 = arith.constant 640 : i32
    %mul3A_4 = arith.muli %arg1, %mul3A_3 : i32
    "tpu.region"() ({
      %run_scoped3A_74 = tpu.sem_alloc : memref<!tpu.dma_semaphore, #tpu.memory_space<semaphore_mem>>
      %dma_start3A_75 = arith.constant 0 : i32
      %dma_start3A_76 = tpu.memref_slice %arg20[%mul3A_4, %dma_start3A_75] : memref<10240x16xf32, #tpu.memory_space<vmem_shared>> -> memref<640x16xf32, #tpu.memory_space<vmem_shared>>
      tpu.enqueue_dma source(%arg7 : memref<640x16xf32, #tpu.memory_space<hbm>>) target(%dma_start3A_76 : memref<640x16xf32, #tpu.memory_space<vmem_shared>>) target_semaphore(%run_scoped3A_74 : memref<!tpu.dma_semaphore, #tpu.memory_space<semaphore_mem>>)
      %dma_wait3A_77 = arith.constant 0 : i32
      %dma_wait3A_78 = tpu.memref_slice %arg20[%mul3A_4, %dma_wait3A_77] : memref<10240x16xf32, #tpu.memory_space<vmem_shared>> -> memref<640x16xf32, #tpu.memory_space<vmem_shared>>
      tpu.wait_dma2 semaphore(%run_scoped3A_74 : memref<!tpu.dma_semaphore, #tpu.memory_space<semaphore_mem>>) src(%arg7 : memref<640x16xf32, #tpu.memory_space<hbm>>) dst(%dma_wait3A_78 : memref<640x16xf32, #tpu.memory_space<vmem_shared>>)
      tpu.yield
    }) : () -> ()
    %barrier3A = arith.constant 0 : index
    tpu.barrier barrier_id(%barrier3A)
    %dma_start3A = arith.constant 0 : i32
    %dma_start3A_5 = arith.constant 0 : i32
    %dma_start3A_6 = tpu.memref_slice %arg11[%dma_start3A, %dma_start3A_5] : memref<40x256xi32, #tpu.memory_space<vmem>> -> memref<1x256xi32, #tpu.memory_space<vmem>>
    %dma_start3A_7 = tpu.memref_squeeze %dma_start3A_6 : memref<1x256xi32, #tpu.memory_space<vmem>> -> memref<256xi32, #tpu.memory_space<vmem>>
    %dma_start3A_8 = arith.constant 0 : i32
    %dma_start3A_9 = arith.constant 0 : i32
    %dma_start3A_10 = tpu.memref_slice %arg2[%dma_start3A_8, %dma_start3A_9] : memref<10000x128xbf16, #tpu.memory_space<hbm>> -> memref<10000x128xbf16, #tpu.memory_space<hbm>>
    tpu.enqueue_indirect_dma source(%dma_start3A_10 : memref<10000x128xbf16, #tpu.memory_space<hbm>>) target(%arg12 : memref<256x128xbf16, #tpu.memory_space<vmem>>) offsets(%dma_start3A_7 : memref<256xi32, #tpu.memory_space<vmem>>) semaphore(%arg15 : memref<!tpu.dma_semaphore, #tpu.memory_space<semaphore_mem>>)
    %dma_start3A_11 = arith.constant 1 : i32
    %dma_start3A_12 = arith.constant 0 : i32
    %dma_start3A_13 = tpu.memref_slice %arg11[%dma_start3A_11, %dma_start3A_12] : memref<40x256xi32, #tpu.memory_space<vmem>> -> memref<1x256xi32, #tpu.memory_space<vmem>>
    %dma_start3A_14 = tpu.memref_squeeze %dma_start3A_13 : memref<1x256xi32, #tpu.memory_space<vmem>> -> memref<256xi32, #tpu.memory_space<vmem>>
    %dma_start3A_15 = arith.constant 0 : i32
    %dma_start3A_16 = arith.constant 0 : i32
    %dma_start3A_17 = tpu.memref_slice %arg2[%dma_start3A_15, %dma_start3A_16] : memref<10000x128xbf16, #tpu.memory_space<hbm>> -> memref<10000x128xbf16, #tpu.memory_space<hbm>>
    tpu.enqueue_indirect_dma source(%dma_start3A_17 : memref<10000x128xbf16, #tpu.memory_space<hbm>>) target(%arg13 : memref<256x128xbf16, #tpu.memory_space<vmem>>) offsets(%dma_start3A_14 : memref<256xi32, #tpu.memory_space<vmem>>) semaphore(%arg16 : memref<!tpu.dma_semaphore, #tpu.memory_space<semaphore_mem>>)
    %scan3A = arith.constant 0 : i32
    %scan3A_18 = arith.constant 0 : i32
    %scan3A_19 = arith.constant 19 : i32
    %scan3A_20 = arith.addi %scan3A_18, %scan3A_19 : i32
    %scan3A_21 = arith.constant 1 : i32
    scf.for %scan3A_74 = %scan3A_18 to %scan3A_20 step %scan3A_21  : i32 {
      %mul3A_75 = arith.constant 2 : i32
      %mul3A_76 = arith.muli %scan3A_74, %mul3A_75 : i32
      %add3A_77 = arith.constant 0 : i32
      %add3A_78 = arith.addi %mul3A_76, %add3A_77 : i32
      %dma_wait3A_79 = arith.constant 0 : i32
      %dma_wait3A_80 = tpu.memref_slice %arg11[%add3A_78, %dma_wait3A_79] : memref<40x256xi32, #tpu.memory_space<vmem>> -> memref<1x256xi32, #tpu.memory_space<vmem>>
      %dma_wait3A_81 = tpu.memref_squeeze %dma_wait3A_80 : memref<1x256xi32, #tpu.memory_space<vmem>> -> memref<256xi32, #tpu.memory_space<vmem>>
      %dma_wait3A_82 = arith.constant 0 : i32
      %dma_wait3A_83 = arith.constant 0 : i32
      %dma_wait3A_84 = tpu.memref_slice %arg2[%dma_wait3A_82, %dma_wait3A_83] : memref<10000x128xbf16, #tpu.memory_space<hbm>> -> memref<10000x128xbf16, #tpu.memory_space<hbm>>
      tpu.wait_indirect_dma semaphore(%arg15 : memref<!tpu.dma_semaphore, #tpu.memory_space<semaphore_mem>>) src(%dma_wait3A_84 : memref<10000x128xbf16, #tpu.memory_space<hbm>>) dst(%arg12 : memref<256x128xbf16, #tpu.memory_space<vmem>>)
      %dma_start3A_85 = arith.constant 0 : i32
      %dma_start3A_86 = tpu.memref_slice %arg10[%add3A_78, %dma_start3A_85] : memref<40x256xi32, #tpu.memory_space<vmem>> -> memref<1x256xi32, #tpu.memory_space<vmem>>
      %dma_start3A_87 = tpu.memref_squeeze %dma_start3A_86 : memref<1x256xi32, #tpu.memory_space<vmem>> -> memref<256xi32, #tpu.memory_space<vmem>>
      %dma_start3A_88 = arith.constant 0 : i32
      %dma_start3A_89 = arith.constant 0 : i32
      %dma_start3A_90 = tpu.memref_slice %arg14[%dma_start3A_88, %dma_start3A_89] : memref<10240x128xbf16, #tpu.memory_space<vmem_shared>> -> memref<10240x128xbf16, #tpu.memory_space<vmem_shared>>
      tpu.enqueue_indirect_dma source(%arg12 : memref<256x128xbf16, #tpu.memory_space<vmem>>) target(%dma_start3A_90 : memref<10240x128xbf16, #tpu.memory_space<vmem_shared>>) offsets(%dma_start3A_87 : memref<256xi32, #tpu.memory_space<vmem>>) semaphore(%arg17 : memref<!tpu.dma_semaphore, #tpu.memory_space<semaphore_mem>>) {add = true}
      "tpu.region"() ({
        %run_scoped3A_135 = tpu.sem_alloc : memref<!tpu.dma_semaphore, #tpu.memory_space<semaphore_mem>>
        %dma_start3A_136 = arith.constant 0 : i32
        %dma_start3A_137 = tpu.memref_slice %arg10[%add3A_78, %dma_start3A_136] : memref<40x256xi32, #tpu.memory_space<vmem>> -> memref<1x256xi32, #tpu.memory_space<vmem>>
        %dma_start3A_138 = tpu.memref_squeeze %dma_start3A_137 : memref<1x256xi32, #tpu.memory_space<vmem>> -> memref<256xi32, #tpu.memory_space<vmem>>
        %dma_start3A_139 = arith.constant 0 : i32
        %dma_start3A_140 = arith.constant 0 : i32
        %dma_start3A_141 = tpu.memref_slice %arg20[%dma_start3A_139, %dma_start3A_140] : memref<10240x16xf32, #tpu.memory_space<vmem_shared>> -> memref<10240x16xf32, #tpu.memory_space<vmem_shared>>
        tpu.enqueue_indirect_dma source(%arg19 : memref<256x16xf32, #tpu.memory_space<vmem>>) target(%dma_start3A_141 : memref<10240x16xf32, #tpu.memory_space<vmem_shared>>) offsets(%dma_start3A_138 : memref<256xi32, #tpu.memory_space<vmem>>) semaphore(%run_scoped3A_135 : memref<!tpu.dma_semaphore, #tpu.memory_space<semaphore_mem>>) {add = true}
        %dma_wait3A_142 = arith.constant 0 : i32
        %dma_wait3A_143 = tpu.memref_slice %arg10[%add3A_78, %dma_wait3A_142] : memref<40x256xi32, #tpu.memory_space<vmem>> -> memref<1x256xi32, #tpu.memory_space<vmem>>
        %dma_wait3A_144 = tpu.memref_squeeze %dma_wait3A_143 : memref<1x256xi32, #tpu.memory_space<vmem>> -> memref<256xi32, #tpu.memory_space<vmem>>
        %dma_wait3A_145 = arith.constant 0 : i32
        %dma_wait3A_146 = arith.constant 0 : i32
        %dma_wait3A_147 = tpu.memref_slice %arg20[%dma_wait3A_145, %dma_wait3A_146] : memref<10240x16xf32, #tpu.memory_space<vmem_shared>> -> memref<10240x16xf32, #tpu.memory_space<vmem_shared>>
        tpu.wait_indirect_dma semaphore(%run_scoped3A_135 : memref<!tpu.dma_semaphore, #tpu.memory_space<semaphore_mem>>) src(%arg19 : memref<256x16xf32, #tpu.memory_space<vmem>>) dst(%dma_wait3A_147 : memref<10240x16xf32, #tpu.memory_space<vmem_shared>>)
        tpu.yield
      }) : () -> ()
      %dma_wait3A_91 = arith.constant 0 : i32
      %dma_wait3A_92 = tpu.memref_slice %arg10[%add3A_78, %dma_wait3A_91] : memref<40x256xi32, #tpu.memory_space<vmem>> -> memref<1x256xi32, #tpu.memory_space<vmem>>
      %dma_wait3A_93 = tpu.memref_squeeze %dma_wait3A_92 : memref<1x256xi32, #tpu.memory_space<vmem>> -> memref<256xi32, #tpu.memory_space<vmem>>
      %dma_wait3A_94 = arith.constant 0 : i32
      %dma_wait3A_95 = arith.constant 0 : i32
      %dma_wait3A_96 = tpu.memref_slice %arg14[%dma_wait3A_94, %dma_wait3A_95] : memref<10240x128xbf16, #tpu.memory_space<vmem_shared>> -> memref<10240x128xbf16, #tpu.memory_space<vmem_shared>>
      tpu.wait_indirect_dma semaphore(%arg17 : memref<!tpu.dma_semaphore, #tpu.memory_space<semaphore_mem>>) src(%arg12 : memref<256x128xbf16, #tpu.memory_space<vmem>>) dst(%dma_wait3A_96 : memref<10240x128xbf16, #tpu.memory_space<vmem_shared>>)
      %add3A_97 = arith.constant 2 : i32
      %add3A_98 = arith.addi %add3A_78, %add3A_97 : i32
      %dma_start3A_99 = arith.constant 0 : i32
      %dma_start3A_100 = tpu.memref_slice %arg11[%add3A_98, %dma_start3A_99] : memref<40x256xi32, #tpu.memory_space<vmem>> -> memref<1x256xi32, #tpu.memory_space<vmem>>
      %dma_start3A_101 = tpu.memref_squeeze %dma_start3A_100 : memref<1x256xi32, #tpu.memory_space<vmem>> -> memref<256xi32, #tpu.memory_space<vmem>>
      %dma_start3A_102 = arith.constant 0 : i32
      %dma_start3A_103 = arith.constant 0 : i32
      %dma_start3A_104 = tpu.memref_slice %arg2[%dma_start3A_102, %dma_start3A_103] : memref<10000x128xbf16, #tpu.memory_space<hbm>> -> memref<10000x128xbf16, #tpu.memory_space<hbm>>
      tpu.enqueue_indirect_dma source(%dma_start3A_104 : memref<10000x128xbf16, #tpu.memory_space<hbm>>) target(%arg12 : memref<256x128xbf16, #tpu.memory_space<vmem>>) offsets(%dma_start3A_101 : memref<256xi32, #tpu.memory_space<vmem>>) semaphore(%arg15 : memref<!tpu.dma_semaphore, #tpu.memory_space<semaphore_mem>>)
      %mul3A_105 = arith.constant 2 : i32
      %mul3A_106 = arith.muli %scan3A_74, %mul3A_105 : i32
      %add3A_107 = arith.constant 1 : i32
      %add3A_108 = arith.addi %mul3A_106, %add3A_107 : i32
      %dma_wait3A_109 = arith.constant 0 : i32
      %dma_wait3A_110 = tpu.memref_slice %arg11[%add3A_108, %dma_wait3A_109] : memref<40x256xi32, #tpu.memory_space<vmem>> -> memref<1x256xi32, #tpu.memory_space<vmem>>
      %dma_wait3A_111 = tpu.memref_squeeze %dma_wait3A_110 : memref<1x256xi32, #tpu.memory_space<vmem>> -> memref<256xi32, #tpu.memory_space<vmem>>
      %dma_wait3A_112 = arith.constant 0 : i32
      %dma_wait3A_113 = arith.constant 0 : i32
      %dma_wait3A_114 = tpu.memref_slice %arg2[%dma_wait3A_112, %dma_wait3A_113] : memref<10000x128xbf16, #tpu.memory_space<hbm>> -> memref<10000x128xbf16, #tpu.memory_space<hbm>>
      tpu.wait_indirect_dma semaphore(%arg16 : memref<!tpu.dma_semaphore, #tpu.memory_space<semaphore_mem>>) src(%dma_wait3A_114 : memref<10000x128xbf16, #tpu.memory_space<hbm>>) dst(%arg13 : memref<256x128xbf16, #tpu.memory_space<vmem>>)
      %dma_start3A_115 = arith.constant 0 : i32
      %dma_start3A_116 = tpu.memref_slice %arg10[%add3A_108, %dma_start3A_115] : memref<40x256xi32, #tpu.memory_space<vmem>> -> memref<1x256xi32, #tpu.memory_space<vmem>>
      %dma_start3A_117 = tpu.memref_squeeze %dma_start3A_116 : memref<1x256xi32, #tpu.memory_space<vmem>> -> memref<256xi32, #tpu.memory_space<vmem>>
      %dma_start3A_118 = arith.constant 0 : i32
      %dma_start3A_119 = arith.constant 0 : i32
      %dma_start3A_120 = tpu.memref_slice %arg14[%dma_start3A_118, %dma_start3A_119] : memref<10240x128xbf16, #tpu.memory_space<vmem_shared>> -> memref<10240x128xbf16, #tpu.memory_space<vmem_shared>>
      tpu.enqueue_indirect_dma source(%arg13 : memref<256x128xbf16, #tpu.memory_space<vmem>>) target(%dma_start3A_120 : memref<10240x128xbf16, #tpu.memory_space<vmem_shared>>) offsets(%dma_start3A_117 : memref<256xi32, #tpu.memory_space<vmem>>) semaphore(%arg18 : memref<!tpu.dma_semaphore, #tpu.memory_space<semaphore_mem>>) {add = true}
      "tpu.region"() ({
        %run_scoped3A_135 = tpu.sem_alloc : memref<!tpu.dma_semaphore, #tpu.memory_space<semaphore_mem>>
        %dma_start3A_136 = arith.constant 0 : i32
        %dma_start3A_137 = tpu.memref_slice %arg10[%add3A_108, %dma_start3A_136] : memref<40x256xi32, #tpu.memory_space<vmem>> -> memref<1x256xi32, #tpu.memory_space<vmem>>
        %dma_start3A_138 = tpu.memref_squeeze %dma_start3A_137 : memref<1x256xi32, #tpu.memory_space<vmem>> -> memref<256xi32, #tpu.memory_space<vmem>>
        %dma_start3A_139 = arith.constant 0 : i32
        %dma_start3A_140 = arith.constant 0 : i32
        %dma_start3A_141 = tpu.memref_slice %arg20[%dma_start3A_139, %dma_start3A_140] : memref<10240x16xf32, #tpu.memory_space<vmem_shared>> -> memref<10240x16xf32, #tpu.memory_space<vmem_shared>>
        tpu.enqueue_indirect_dma source(%arg19 : memref<256x16xf32, #tpu.memory_space<vmem>>) target(%dma_start3A_141 : memref<10240x16xf32, #tpu.memory_space<vmem_shared>>) offsets(%dma_start3A_138 : memref<256xi32, #tpu.memory_space<vmem>>) semaphore(%run_scoped3A_135 : memref<!tpu.dma_semaphore, #tpu.memory_space<semaphore_mem>>) {add = true}
        %dma_wait3A_142 = arith.constant 0 : i32
        %dma_wait3A_143 = tpu.memref_slice %arg10[%add3A_108, %dma_wait3A_142] : memref<40x256xi32, #tpu.memory_space<vmem>> -> memref<1x256xi32, #tpu.memory_space<vmem>>
        %dma_wait3A_144 = tpu.memref_squeeze %dma_wait3A_143 : memref<1x256xi32, #tpu.memory_space<vmem>> -> memref<256xi32, #tpu.memory_space<vmem>>
        %dma_wait3A_145 = arith.constant 0 : i32
        %dma_wait3A_146 = arith.constant 0 : i32
        %dma_wait3A_147 = tpu.memref_slice %arg20[%dma_wait3A_145, %dma_wait3A_146] : memref<10240x16xf32, #tpu.memory_space<vmem_shared>> -> memref<10240x16xf32, #tpu.memory_space<vmem_shared>>
        tpu.wait_indirect_dma semaphore(%run_scoped3A_135 : memref<!tpu.dma_semaphore, #tpu.memory_space<semaphore_mem>>) src(%arg19 : memref<256x16xf32, #tpu.memory_space<vmem>>) dst(%dma_wait3A_147 : memref<10240x16xf32, #tpu.memory_space<vmem_shared>>)
        tpu.yield
      }) : () -> ()
      %dma_wait3A_121 = arith.constant 0 : i32
      %dma_wait3A_122 = tpu.memref_slice %arg10[%add3A_108, %dma_wait3A_121] : memref<40x256xi32, #tpu.memory_space<vmem>> -> memref<1x256xi32, #tpu.memory_space<vmem>>
      %dma_wait3A_123 = tpu.memref_squeeze %dma_wait3A_122 : memref<1x256xi32, #tpu.memory_space<vmem>> -> memref<256xi32, #tpu.memory_space<vmem>>
      %dma_wait3A_124 = arith.constant 0 : i32
      %dma_wait3A_125 = arith.constant 0 : i32
      %dma_wait3A_126 = tpu.memref_slice %arg14[%dma_wait3A_124, %dma_wait3A_125] : memref<10240x128xbf16, #tpu.memory_space<vmem_shared>> -> memref<10240x128xbf16, #tpu.memory_space<vmem_shared>>
      tpu.wait_indirect_dma semaphore(%arg18 : memref<!tpu.dma_semaphore, #tpu.memory_space<semaphore_mem>>) src(%arg13 : memref<256x128xbf16, #tpu.memory_space<vmem>>) dst(%dma_wait3A_126 : memref<10240x128xbf16, #tpu.memory_space<vmem_shared>>)
      %add3A_127 = arith.constant 2 : i32
      %add3A_128 = arith.addi %add3A_108, %add3A_127 : i32
      %dma_start3A_129 = arith.constant 0 : i32
      %dma_start3A_130 = tpu.memref_slice %arg11[%add3A_128, %dma_start3A_129] : memref<40x256xi32, #tpu.memory_space<vmem>> -> memref<1x256xi32, #tpu.memory_space<vmem>>
      %dma_start3A_131 = tpu.memref_squeeze %dma_start3A_130 : memref<1x256xi32, #tpu.memory_space<vmem>> -> memref<256xi32, #tpu.memory_space<vmem>>
      %dma_start3A_132 = arith.constant 0 : i32
      %dma_start3A_133 = arith.constant 0 : i32
      %dma_start3A_134 = tpu.memref_slice %arg2[%dma_start3A_132, %dma_start3A_133] : memref<10000x128xbf16, #tpu.memory_space<hbm>> -> memref<10000x128xbf16, #tpu.memory_space<hbm>>
      tpu.enqueue_indirect_dma source(%dma_start3A_134 : memref<10000x128xbf16, #tpu.memory_space<hbm>>) target(%arg13 : memref<256x128xbf16, #tpu.memory_space<vmem>>) offsets(%dma_start3A_131 : memref<256xi32, #tpu.memory_space<vmem>>) semaphore(%arg16 : memref<!tpu.dma_semaphore, #tpu.memory_space<semaphore_mem>>)
    }
    %scan3A_22 = arith.constant 19 : i32
    %dma_wait3A = arith.constant 38 : i32
    %dma_wait3A_23 = arith.constant 0 : i32
    %dma_wait3A_24 = tpu.memref_slice %arg11[%dma_wait3A, %dma_wait3A_23] : memref<40x256xi32, #tpu.memory_space<vmem>> -> memref<1x256xi32, #tpu.memory_space<vmem>>
    %dma_wait3A_25 = tpu.memref_squeeze %dma_wait3A_24 : memref<1x256xi32, #tpu.memory_space<vmem>> -> memref<256xi32, #tpu.memory_space<vmem>>
    %dma_wait3A_26 = arith.constant 0 : i32
    %dma_wait3A_27 = arith.constant 0 : i32
    %dma_wait3A_28 = tpu.memref_slice %arg2[%dma_wait3A_26, %dma_wait3A_27] : memref<10000x128xbf16, #tpu.memory_space<hbm>> -> memref<10000x128xbf16, #tpu.memory_space<hbm>>
    tpu.wait_indirect_dma semaphore(%arg15 : memref<!tpu.dma_semaphore, #tpu.memory_space<semaphore_mem>>) src(%dma_wait3A_28 : memref<10000x128xbf16, #tpu.memory_space<hbm>>) dst(%arg12 : memref<256x128xbf16, #tpu.memory_space<vmem>>)
    %dma_start3A_29 = arith.constant 38 : i32
    %dma_start3A_30 = arith.constant 0 : i32
    %dma_start3A_31 = tpu.memref_slice %arg10[%dma_start3A_29, %dma_start3A_30] : memref<40x256xi32, #tpu.memory_space<vmem>> -> memref<1x256xi32, #tpu.memory_space<vmem>>
    %dma_start3A_32 = tpu.memref_squeeze %dma_start3A_31 : memref<1x256xi32, #tpu.memory_space<vmem>> -> memref<256xi32, #tpu.memory_space<vmem>>
    %dma_start3A_33 = arith.constant 0 : i32
    %dma_start3A_34 = arith.constant 0 : i32
    %dma_start3A_35 = tpu.memref_slice %arg14[%dma_start3A_33, %dma_start3A_34] : memref<10240x128xbf16, #tpu.memory_space<vmem_shared>> -> memref<10240x128xbf16, #tpu.memory_space<vmem_shared>>
    tpu.enqueue_indirect_dma source(%arg12 : memref<256x128xbf16, #tpu.memory_space<vmem>>) target(%dma_start3A_35 : memref<10240x128xbf16, #tpu.memory_space<vmem_shared>>) offsets(%dma_start3A_32 : memref<256xi32, #tpu.memory_space<vmem>>) semaphore(%arg17 : memref<!tpu.dma_semaphore, #tpu.memory_space<semaphore_mem>>) {add = true}
    %run_scoped3A = arith.constant 38 : i32
    "tpu.region"() ({
      %run_scoped3A_74 = tpu.sem_alloc : memref<!tpu.dma_semaphore, #tpu.memory_space<semaphore_mem>>
      %dma_start3A_75 = arith.constant 0 : i32
      %dma_start3A_76 = tpu.memref_slice %arg10[%run_scoped3A, %dma_start3A_75] : memref<40x256xi32, #tpu.memory_space<vmem>> -> memref<1x256xi32, #tpu.memory_space<vmem>>
      %dma_start3A_77 = tpu.memref_squeeze %dma_start3A_76 : memref<1x256xi32, #tpu.memory_space<vmem>> -> memref<256xi32, #tpu.memory_space<vmem>>
      %dma_start3A_78 = arith.constant 0 : i32
      %dma_start3A_79 = arith.constant 0 : i32
      %dma_start3A_80 = tpu.memref_slice %arg20[%dma_start3A_78, %dma_start3A_79] : memref<10240x16xf32, #tpu.memory_space<vmem_shared>> -> memref<10240x16xf32, #tpu.memory_space<vmem_shared>>
      tpu.enqueue_indirect_dma source(%arg19 : memref<256x16xf32, #tpu.memory_space<vmem>>) target(%dma_start3A_80 : memref<10240x16xf32, #tpu.memory_space<vmem_shared>>) offsets(%dma_start3A_77 : memref<256xi32, #tpu.memory_space<vmem>>) semaphore(%run_scoped3A_74 : memref<!tpu.dma_semaphore, #tpu.memory_space<semaphore_mem>>) {add = true}
      %dma_wait3A_81 = arith.constant 0 : i32
      %dma_wait3A_82 = tpu.memref_slice %arg10[%run_scoped3A, %dma_wait3A_81] : memref<40x256xi32, #tpu.memory_space<vmem>> -> memref<1x256xi32, #tpu.memory_space<vmem>>
      %dma_wait3A_83 = tpu.memref_squeeze %dma_wait3A_82 : memref<1x256xi32, #tpu.memory_space<vmem>> -> memref<256xi32, #tpu.memory_space<vmem>>
      %dma_wait3A_84 = arith.constant 0 : i32
      %dma_wait3A_85 = arith.constant 0 : i32
      %dma_wait3A_86 = tpu.memref_slice %arg20[%dma_wait3A_84, %dma_wait3A_85] : memref<10240x16xf32, #tpu.memory_space<vmem_shared>> -> memref<10240x16xf32, #tpu.memory_space<vmem_shared>>
      tpu.wait_indirect_dma semaphore(%run_scoped3A_74 : memref<!tpu.dma_semaphore, #tpu.memory_space<semaphore_mem>>) src(%arg19 : memref<256x16xf32, #tpu.memory_space<vmem>>) dst(%dma_wait3A_86 : memref<10240x16xf32, #tpu.memory_space<vmem_shared>>)
      tpu.yield
    }) : () -> ()
    %dma_wait3A_36 = arith.constant 38 : i32
    %dma_wait3A_37 = arith.constant 0 : i32
    %dma_wait3A_38 = tpu.memref_slice %arg10[%dma_wait3A_36, %dma_wait3A_37] : memref<40x256xi32, #tpu.memory_space<vmem>> -> memref<1x256xi32, #tpu.memory_space<vmem>>
    %dma_wait3A_39 = tpu.memref_squeeze %dma_wait3A_38 : memref<1x256xi32, #tpu.memory_space<vmem>> -> memref<256xi32, #tpu.memory_space<vmem>>
    %dma_wait3A_40 = arith.constant 0 : i32
    %dma_wait3A_41 = arith.constant 0 : i32
    %dma_wait3A_42 = tpu.memref_slice %arg14[%dma_wait3A_40, %dma_wait3A_41] : memref<10240x128xbf16, #tpu.memory_space<vmem_shared>> -> memref<10240x128xbf16, #tpu.memory_space<vmem_shared>>
    tpu.wait_indirect_dma semaphore(%arg17 : memref<!tpu.dma_semaphore, #tpu.memory_space<semaphore_mem>>) src(%arg12 : memref<256x128xbf16, #tpu.memory_space<vmem>>) dst(%dma_wait3A_42 : memref<10240x128xbf16, #tpu.memory_space<vmem_shared>>)
    %dma_wait3A_43 = arith.constant 39 : i32
    %dma_wait3A_44 = arith.constant 0 : i32
    %dma_wait3A_45 = tpu.memref_slice %arg11[%dma_wait3A_43, %dma_wait3A_44] : memref<40x256xi32, #tpu.memory_space<vmem>> -> memref<1x256xi32, #tpu.memory_space<vmem>>
    %dma_wait3A_46 = tpu.memref_squeeze %dma_wait3A_45 : memref<1x256xi32, #tpu.memory_space<vmem>> -> memref<256xi32, #tpu.memory_space<vmem>>
    %dma_wait3A_47 = arith.constant 0 : i32
    %dma_wait3A_48 = arith.constant 0 : i32
    %dma_wait3A_49 = tpu.memref_slice %arg2[%dma_wait3A_47, %dma_wait3A_48] : memref<10000x128xbf16, #tpu.memory_space<hbm>> -> memref<10000x128xbf16, #tpu.memory_space<hbm>>
    tpu.wait_indirect_dma semaphore(%arg16 : memref<!tpu.dma_semaphore, #tpu.memory_space<semaphore_mem>>) src(%dma_wait3A_49 : memref<10000x128xbf16, #tpu.memory_space<hbm>>) dst(%arg13 : memref<256x128xbf16, #tpu.memory_space<vmem>>)
    %dma_start3A_50 = arith.constant 39 : i32
    %dma_start3A_51 = arith.constant 0 : i32
    %dma_start3A_52 = tpu.memref_slice %arg10[%dma_start3A_50, %dma_start3A_51] : memref<40x256xi32, #tpu.memory_space<vmem>> -> memref<1x256xi32, #tpu.memory_space<vmem>>
    %dma_start3A_53 = tpu.memref_squeeze %dma_start3A_52 : memref<1x256xi32, #tpu.memory_space<vmem>> -> memref<256xi32, #tpu.memory_space<vmem>>
    %dma_start3A_54 = arith.constant 0 : i32
    %dma_start3A_55 = arith.constant 0 : i32
    %dma_start3A_56 = tpu.memref_slice %arg14[%dma_start3A_54, %dma_start3A_55] : memref<10240x128xbf16, #tpu.memory_space<vmem_shared>> -> memref<10240x128xbf16, #tpu.memory_space<vmem_shared>>
    tpu.enqueue_indirect_dma source(%arg13 : memref<256x128xbf16, #tpu.memory_space<vmem>>) target(%dma_start3A_56 : memref<10240x128xbf16, #tpu.memory_space<vmem_shared>>) offsets(%dma_start3A_53 : memref<256xi32, #tpu.memory_space<vmem>>) semaphore(%arg18 : memref<!tpu.dma_semaphore, #tpu.memory_space<semaphore_mem>>) {add = true}
    %run_scoped3A_57 = arith.constant 39 : i32
    "tpu.region"() ({
      %run_scoped3A_74 = tpu.sem_alloc : memref<!tpu.dma_semaphore, #tpu.memory_space<semaphore_mem>>
      %dma_start3A_75 = arith.constant 0 : i32
      %dma_start3A_76 = tpu.memref_slice %arg10[%run_scoped3A_57, %dma_start3A_75] : memref<40x256xi32, #tpu.memory_space<vmem>> -> memref<1x256xi32, #tpu.memory_space<vmem>>
      %dma_start3A_77 = tpu.memref_squeeze %dma_start3A_76 : memref<1x256xi32, #tpu.memory_space<vmem>> -> memref<256xi32, #tpu.memory_space<vmem>>
      %dma_start3A_78 = arith.constant 0 : i32
      %dma_start3A_79 = arith.constant 0 : i32
      %dma_start3A_80 = tpu.memref_slice %arg20[%dma_start3A_78, %dma_start3A_79] : memref<10240x16xf32, #tpu.memory_space<vmem_shared>> -> memref<10240x16xf32, #tpu.memory_space<vmem_shared>>
      tpu.enqueue_indirect_dma source(%arg19 : memref<256x16xf32, #tpu.memory_space<vmem>>) target(%dma_start3A_80 : memref<10240x16xf32, #tpu.memory_space<vmem_shared>>) offsets(%dma_start3A_77 : memref<256xi32, #tpu.memory_space<vmem>>) semaphore(%run_scoped3A_74 : memref<!tpu.dma_semaphore, #tpu.memory_space<semaphore_mem>>) {add = true}
      %dma_wait3A_81 = arith.constant 0 : i32
      %dma_wait3A_82 = tpu.memref_slice %arg10[%run_scoped3A_57, %dma_wait3A_81] : memref<40x256xi32, #tpu.memory_space<vmem>> -> memref<1x256xi32, #tpu.memory_space<vmem>>
      %dma_wait3A_83 = tpu.memref_squeeze %dma_wait3A_82 : memref<1x256xi32, #tpu.memory_space<vmem>> -> memref<256xi32, #tpu.memory_space<vmem>>
      %dma_wait3A_84 = arith.constant 0 : i32
      %dma_wait3A_85 = arith.constant 0 : i32
      %dma_wait3A_86 = tpu.memref_slice %arg20[%dma_wait3A_84, %dma_wait3A_85] : memref<10240x16xf32, #tpu.memory_space<vmem_shared>> -> memref<10240x16xf32, #tpu.memory_space<vmem_shared>>
      tpu.wait_indirect_dma semaphore(%run_scoped3A_74 : memref<!tpu.dma_semaphore, #tpu.memory_space<semaphore_mem>>) src(%arg19 : memref<256x16xf32, #tpu.memory_space<vmem>>) dst(%dma_wait3A_86 : memref<10240x16xf32, #tpu.memory_space<vmem_shared>>)
      tpu.yield
    }) : () -> ()
    %dma_wait3A_58 = arith.constant 39 : i32
    %dma_wait3A_59 = arith.constant 0 : i32
    %dma_wait3A_60 = tpu.memref_slice %arg10[%dma_wait3A_58, %dma_wait3A_59] : memref<40x256xi32, #tpu.memory_space<vmem>> -> memref<1x256xi32, #tpu.memory_space<vmem>>
    %dma_wait3A_61 = tpu.memref_squeeze %dma_wait3A_60 : memref<1x256xi32, #tpu.memory_space<vmem>> -> memref<256xi32, #tpu.memory_space<vmem>>
    %dma_wait3A_62 = arith.constant 0 : i32
    %dma_wait3A_63 = arith.constant 0 : i32
    %dma_wait3A_64 = tpu.memref_slice %arg14[%dma_wait3A_62, %dma_wait3A_63] : memref<10240x128xbf16, #tpu.memory_space<vmem_shared>> -> memref<10240x128xbf16, #tpu.memory_space<vmem_shared>>
    tpu.wait_indirect_dma semaphore(%arg18 : memref<!tpu.dma_semaphore, #tpu.memory_space<semaphore_mem>>) src(%arg13 : memref<256x128xbf16, #tpu.memory_space<vmem>>) dst(%dma_wait3A_64 : memref<10240x128xbf16, #tpu.memory_space<vmem_shared>>)
    %barrier3A_65 = arith.constant 0 : index
    tpu.barrier barrier_id(%barrier3A_65)
    %mul3A_66 = arith.constant 640 : i32
    %mul3A_67 = arith.muli %arg1, %mul3A_66 : i32
    %mul3A_68 = arith.constant 640 : i32
    %mul3A_69 = arith.muli %arg1, %mul3A_68 : i32
    "tpu.region"() ({
      %run_scoped3A_74 = tpu.sem_alloc : memref<!tpu.dma_semaphore, #tpu.memory_space<semaphore_mem>>
      %dma_start3A_75 = arith.constant 0 : i32
      %dma_start3A_76 = tpu.memref_slice %arg8[%arg0, %mul3A_69, %dma_start3A_75] : memref<2x10240x128xbf16, #tpu.memory_space<hbm>> -> memref<1x640x128xbf16, #tpu.memory_space<hbm>>
      %dma_start3A_77 = tpu.memref_squeeze %dma_start3A_76 : memref<1x640x128xbf16, #tpu.memory_space<hbm>> -> memref<640x128xbf16, #tpu.memory_space<hbm>>
      %dma_start3A_78 = arith.constant 0 : i32
      %dma_start3A_79 = tpu.memref_slice %arg14[%mul3A_67, %dma_start3A_78] : memref<10240x128xbf16, #tpu.memory_space<vmem_shared>> -> memref<640x128xbf16, #tpu.memory_space<vmem_shared>>
      tpu.enqueue_dma source(%dma_start3A_79 : memref<640x128xbf16, #tpu.memory_space<vmem_shared>>) target(%dma_start3A_77 : memref<640x128xbf16, #tpu.memory_space<hbm>>) target_semaphore(%run_scoped3A_74 : memref<!tpu.dma_semaphore, #tpu.memory_space<semaphore_mem>>)
      %dma_wait3A_80 = arith.constant 0 : i32
      %dma_wait3A_81 = tpu.memref_slice %arg8[%arg0, %mul3A_69, %dma_wait3A_80] : memref<2x10240x128xbf16, #tpu.memory_space<hbm>> -> memref<1x640x128xbf16, #tpu.memory_space<hbm>>
      %dma_wait3A_82 = tpu.memref_squeeze %dma_wait3A_81 : memref<1x640x128xbf16, #tpu.memory_space<hbm>> -> memref<640x128xbf16, #tpu.memory_space<hbm>>
      %dma_wait3A_83 = arith.constant 0 : i32
      %dma_wait3A_84 = tpu.memref_slice %arg14[%mul3A_67, %dma_wait3A_83] : memref<10240x128xbf16, #tpu.memory_space<vmem_shared>> -> memref<640x128xbf16, #tpu.memory_space<vmem_shared>>
      tpu.wait_dma2 semaphore(%run_scoped3A_74 : memref<!tpu.dma_semaphore, #tpu.memory_space<semaphore_mem>>) src(%dma_wait3A_84 : memref<640x128xbf16, #tpu.memory_space<vmem_shared>>) dst(%dma_wait3A_82 : memref<640x128xbf16, #tpu.memory_space<hbm>>)
      tpu.yield
    }) : () -> ()
    %mul3A_70 = arith.constant 640 : i32
    %mul3A_71 = arith.muli %arg1, %mul3A_70 : i32
    %mul3A_72 = arith.constant 640 : i32
    %mul3A_73 = arith.muli %arg1, %mul3A_72 : i32
    "tpu.region"() ({
      %run_scoped3A_74 = tpu.sem_alloc : memref<!tpu.dma_semaphore, #tpu.memory_space<semaphore_mem>>
      %dma_start3A_75 = arith.constant 0 : i32
      %dma_start3A_76 = tpu.memref_slice %arg9[%arg0, %mul3A_73, %dma_start3A_75] : memref<2x10240x16xf32, #tpu.memory_space<hbm>> -> memref<1x640x16xf32, #tpu.memory_space<hbm>>
      %dma_start3A_77 = tpu.memref_squeeze %dma_start3A_76 : memref<1x640x16xf32, #tpu.memory_space<hbm>> -> memref<640x16xf32, #tpu.memory_space<hbm>>
      %dma_start3A_78 = arith.constant 0 : i32
      %dma_start3A_79 = tpu.memref_slice %arg20[%mul3A_71, %dma_start3A_78] : memref<10240x16xf32, #tpu.memory_space<vmem_shared>> -> memref<640x16xf32, #tpu.memory_space<vmem_shared>>
      tpu.enqueue_dma source(%dma_start3A_79 : memref<640x16xf32, #tpu.memory_space<vmem_shared>>) target(%dma_start3A_77 : memref<640x16xf32, #tpu.memory_space<hbm>>) target_semaphore(%run_scoped3A_74 : memref<!tpu.dma_semaphore, #tpu.memory_space<semaphore_mem>>)
      %dma_wait3A_80 = arith.constant 0 : i32
      %dma_wait3A_81 = tpu.memref_slice %arg9[%arg0, %mul3A_73, %dma_wait3A_80] : memref<2x10240x16xf32, #tpu.memory_space<hbm>> -> memref<1x640x16xf32, #tpu.memory_space<hbm>>
      %dma_wait3A_82 = tpu.memref_squeeze %dma_wait3A_81 : memref<1x640x16xf32, #tpu.memory_space<hbm>> -> memref<640x16xf32, #tpu.memory_space<hbm>>
      %dma_wait3A_83 = arith.constant 0 : i32
      %dma_wait3A_84 = tpu.memref_slice %arg20[%mul3A_71, %dma_wait3A_83] : memref<10240x16xf32, #tpu.memory_space<vmem_shared>> -> memref<640x16xf32, #tpu.memory_space<vmem_shared>>
      tpu.wait_dma2 semaphore(%run_scoped3A_74 : memref<!tpu.dma_semaphore, #tpu.memory_space<semaphore_mem>>) src(%dma_wait3A_84 : memref<640x16xf32, #tpu.memory_space<vmem_shared>>) dst(%dma_wait3A_82 : memref<640x16xf32, #tpu.memory_space<hbm>>)
      tpu.yield
    }) : () -> ()
    return
  }
}

#map = affine_map<(d0, d1) -> (0, 0)>
#map1 = affine_map<(d0, d1) -> (0, 0, 0)>
module attributes {stable_mosaic.version = 14 : i64} {
  func.func @body(%arg0: i32, %arg1: i32, %arg2: memref<10000x128xbf16, #tpu.memory_space<hbm>>, %arg3: memref<32x40x256xi32, #tpu.memory_space<hbm>>, %arg4: memref<32x40x256xi32, #tpu.memory_space<hbm>>, %arg5: memref<640x128xbf16, #tpu.memory_space<hbm>>, %arg6: memref<2x10240x128xbf16, #tpu.memory_space<hbm>>, %arg7: memref<40x256xi32, #tpu.memory_space<vmem>>, %arg8: memref<40x256xi32, #tpu.memory_space<vmem>>, %arg9: memref<256x128xbf16, #tpu.memory_space<vmem>>, %arg10: memref<256x128xbf16, #tpu.memory_space<vmem>>, %arg11: memref<10240x128xbf16, #tpu.memory_space<vmem_shared>>, %arg12: memref<!tpu.dma_semaphore, #tpu.memory_space<semaphore_mem>>, %arg13: memref<!tpu.dma_semaphore, #tpu.memory_space<semaphore_mem>>, %arg14: memref<!tpu.dma_semaphore, #tpu.memory_space<semaphore_mem>>, %arg15: memref<!tpu.dma_semaphore, #tpu.memory_space<semaphore_mem>>) attributes {dimension_semantics = [#tpu.dimension_semantics<core_parallel>, #tpu.dimension_semantics<subcore_parallel>], iteration_bounds = array<i64: 2, 16>, scalar_prefetch = 0 : i64, scratch_operands = 9 : i64, tpu.core_type = #tpu.core_type<sc_vector_subcore>, window_params = [{transform_indices = #map}, {transform_indices = #map1}, {transform_indices = #map1}, {transform_indices = #map}, {transform_indices = #map1}]} {
    %mul3A = arith.constant 2 : i32
    %mul3A_0 = arith.muli %arg1, %mul3A : i32
    %add3A = arith.addi %mul3A_0, %arg0 : i32
    "tpu.region"() ({
      %run_scoped3A = tpu.sem_alloc : memref<!tpu.dma_semaphore, #tpu.memory_space<semaphore_mem>>
      %dma_start3A_67 = arith.constant 0 : i32
      %dma_start3A_68 = arith.constant 0 : i32
      %dma_start3A_69 = tpu.memref_slice %arg3[%add3A, %dma_start3A_67, %dma_start3A_68] : memref<32x40x256xi32, #tpu.memory_space<hbm>> -> memref<1x40x256xi32, #tpu.memory_space<hbm>>
      %dma_start3A_70 = tpu.memref_squeeze %dma_start3A_69 : memref<1x40x256xi32, #tpu.memory_space<hbm>> -> memref<40x256xi32, #tpu.memory_space<hbm>>
      %dma_start3A_71 = arith.constant 0 : i32
      %dma_start3A_72 = arith.constant 0 : i32
      %dma_start3A_73 = tpu.memref_slice %arg3[%add3A, %dma_start3A_71, %dma_start3A_72] : memref<32x40x256xi32, #tpu.memory_space<hbm>> -> memref<1x40x256xi32, #tpu.memory_space<hbm>>
      %dma_start3A_74 = tpu.memref_squeeze %dma_start3A_73 : memref<1x40x256xi32, #tpu.memory_space<hbm>> -> memref<40x256xi32, #tpu.memory_space<hbm>>
      tpu.enqueue_dma source(%dma_start3A_74 : memref<40x256xi32, #tpu.memory_space<hbm>>) target(%arg7 : memref<40x256xi32, #tpu.memory_space<vmem>>) target_semaphore(%run_scoped3A : memref<!tpu.dma_semaphore, #tpu.memory_space<semaphore_mem>>)
      %dma_wait3A_75 = arith.constant 0 : i32
      %dma_wait3A_76 = arith.constant 0 : i32
      %dma_wait3A_77 = tpu.memref_slice %arg3[%add3A, %dma_wait3A_75, %dma_wait3A_76] : memref<32x40x256xi32, #tpu.memory_space<hbm>> -> memref<1x40x256xi32, #tpu.memory_space<hbm>>
      %dma_wait3A_78 = tpu.memref_squeeze %dma_wait3A_77 : memref<1x40x256xi32, #tpu.memory_space<hbm>> -> memref<40x256xi32, #tpu.memory_space<hbm>>
      %dma_wait3A_79 = arith.constant 0 : i32
      %dma_wait3A_80 = arith.constant 0 : i32
      %dma_wait3A_81 = tpu.memref_slice %arg3[%add3A, %dma_wait3A_79, %dma_wait3A_80] : memref<32x40x256xi32, #tpu.memory_space<hbm>> -> memref<1x40x256xi32, #tpu.memory_space<hbm>>
      %dma_wait3A_82 = tpu.memref_squeeze %dma_wait3A_81 : memref<1x40x256xi32, #tpu.memory_space<hbm>> -> memref<40x256xi32, #tpu.memory_space<hbm>>
      tpu.wait_dma2 semaphore(%run_scoped3A : memref<!tpu.dma_semaphore, #tpu.memory_space<semaphore_mem>>) src(%dma_wait3A_82 : memref<40x256xi32, #tpu.memory_space<hbm>>) dst(%arg7 : memref<40x256xi32, #tpu.memory_space<vmem>>)
      tpu.yield
    }) : () -> ()
    "tpu.region"() ({
      %run_scoped3A = tpu.sem_alloc : memref<!tpu.dma_semaphore, #tpu.memory_space<semaphore_mem>>
      %dma_start3A_67 = arith.constant 0 : i32
      %dma_start3A_68 = arith.constant 0 : i32
      %dma_start3A_69 = tpu.memref_slice %arg4[%add3A, %dma_start3A_67, %dma_start3A_68] : memref<32x40x256xi32, #tpu.memory_space<hbm>> -> memref<1x40x256xi32, #tpu.memory_space<hbm>>
      %dma_start3A_70 = tpu.memref_squeeze %dma_start3A_69 : memref<1x40x256xi32, #tpu.memory_space<hbm>> -> memref<40x256xi32, #tpu.memory_space<hbm>>
      %dma_start3A_71 = arith.constant 0 : i32
      %dma_start3A_72 = arith.constant 0 : i32
      %dma_start3A_73 = tpu.memref_slice %arg4[%add3A, %dma_start3A_71, %dma_start3A_72] : memref<32x40x256xi32, #tpu.memory_space<hbm>> -> memref<1x40x256xi32, #tpu.memory_space<hbm>>
      %dma_start3A_74 = tpu.memref_squeeze %dma_start3A_73 : memref<1x40x256xi32, #tpu.memory_space<hbm>> -> memref<40x256xi32, #tpu.memory_space<hbm>>
      tpu.enqueue_dma source(%dma_start3A_74 : memref<40x256xi32, #tpu.memory_space<hbm>>) target(%arg8 : memref<40x256xi32, #tpu.memory_space<vmem>>) target_semaphore(%run_scoped3A : memref<!tpu.dma_semaphore, #tpu.memory_space<semaphore_mem>>)
      %dma_wait3A_75 = arith.constant 0 : i32
      %dma_wait3A_76 = arith.constant 0 : i32
      %dma_wait3A_77 = tpu.memref_slice %arg4[%add3A, %dma_wait3A_75, %dma_wait3A_76] : memref<32x40x256xi32, #tpu.memory_space<hbm>> -> memref<1x40x256xi32, #tpu.memory_space<hbm>>
      %dma_wait3A_78 = tpu.memref_squeeze %dma_wait3A_77 : memref<1x40x256xi32, #tpu.memory_space<hbm>> -> memref<40x256xi32, #tpu.memory_space<hbm>>
      %dma_wait3A_79 = arith.constant 0 : i32
      %dma_wait3A_80 = arith.constant 0 : i32
      %dma_wait3A_81 = tpu.memref_slice %arg4[%add3A, %dma_wait3A_79, %dma_wait3A_80] : memref<32x40x256xi32, #tpu.memory_space<hbm>> -> memref<1x40x256xi32, #tpu.memory_space<hbm>>
      %dma_wait3A_82 = tpu.memref_squeeze %dma_wait3A_81 : memref<1x40x256xi32, #tpu.memory_space<hbm>> -> memref<40x256xi32, #tpu.memory_space<hbm>>
      tpu.wait_dma2 semaphore(%run_scoped3A : memref<!tpu.dma_semaphore, #tpu.memory_space<semaphore_mem>>) src(%dma_wait3A_82 : memref<40x256xi32, #tpu.memory_space<hbm>>) dst(%arg8 : memref<40x256xi32, #tpu.memory_space<vmem>>)
      tpu.yield
    }) : () -> ()
    %mul3A_1 = arith.constant 640 : i32
    %mul3A_2 = arith.muli %arg1, %mul3A_1 : i32
    "tpu.region"() ({
      %run_scoped3A = tpu.sem_alloc : memref<!tpu.dma_semaphore, #tpu.memory_space<semaphore_mem>>
      %dma_start3A_67 = arith.constant 0 : i32
      %dma_start3A_68 = tpu.memref_slice %arg11[%mul3A_2, %dma_start3A_67] : memref<10240x128xbf16, #tpu.memory_space<vmem_shared>> -> memref<640x128xbf16, #tpu.memory_space<vmem_shared>>
      tpu.enqueue_dma source(%arg5 : memref<640x128xbf16, #tpu.memory_space<hbm>>) target(%dma_start3A_68 : memref<640x128xbf16, #tpu.memory_space<vmem_shared>>) target_semaphore(%run_scoped3A : memref<!tpu.dma_semaphore, #tpu.memory_space<semaphore_mem>>)
      %dma_wait3A_69 = arith.constant 0 : i32
      %dma_wait3A_70 = tpu.memref_slice %arg11[%mul3A_2, %dma_wait3A_69] : memref<10240x128xbf16, #tpu.memory_space<vmem_shared>> -> memref<640x128xbf16, #tpu.memory_space<vmem_shared>>
      tpu.wait_dma2 semaphore(%run_scoped3A : memref<!tpu.dma_semaphore, #tpu.memory_space<semaphore_mem>>) src(%arg5 : memref<640x128xbf16, #tpu.memory_space<hbm>>) dst(%dma_wait3A_70 : memref<640x128xbf16, #tpu.memory_space<vmem_shared>>)
      tpu.yield
    }) : () -> ()
    %barrier3A = arith.constant 0 : index
    tpu.barrier barrier_id(%barrier3A)
    %dma_start3A = arith.constant 0 : i32
    %dma_start3A_3 = arith.constant 0 : i32
    %dma_start3A_4 = tpu.memref_slice %arg8[%dma_start3A, %dma_start3A_3] : memref<40x256xi32, #tpu.memory_space<vmem>> -> memref<1x256xi32, #tpu.memory_space<vmem>>
    %dma_start3A_5 = tpu.memref_squeeze %dma_start3A_4 : memref<1x256xi32, #tpu.memory_space<vmem>> -> memref<256xi32, #tpu.memory_space<vmem>>
    %dma_start3A_6 = arith.constant 0 : i32
    %dma_start3A_7 = arith.constant 0 : i32
    %dma_start3A_8 = tpu.memref_slice %arg2[%dma_start3A_6, %dma_start3A_7] : memref<10000x128xbf16, #tpu.memory_space<hbm>> -> memref<10000x128xbf16, #tpu.memory_space<hbm>>
    tpu.enqueue_indirect_dma source(%dma_start3A_8 : memref<10000x128xbf16, #tpu.memory_space<hbm>>) target(%arg9 : memref<256x128xbf16, #tpu.memory_space<vmem>>) offsets(%dma_start3A_5 : memref<256xi32, #tpu.memory_space<vmem>>) semaphore(%arg12 : memref<!tpu.dma_semaphore, #tpu.memory_space<semaphore_mem>>)
    %dma_start3A_9 = arith.constant 1 : i32
    %dma_start3A_10 = arith.constant 0 : i32
    %dma_start3A_11 = tpu.memref_slice %arg8[%dma_start3A_9, %dma_start3A_10] : memref<40x256xi32, #tpu.memory_space<vmem>> -> memref<1x256xi32, #tpu.memory_space<vmem>>
    %dma_start3A_12 = tpu.memref_squeeze %dma_start3A_11 : memref<1x256xi32, #tpu.memory_space<vmem>> -> memref<256xi32, #tpu.memory_space<vmem>>
    %dma_start3A_13 = arith.constant 0 : i32
    %dma_start3A_14 = arith.constant 0 : i32
    %dma_start3A_15 = tpu.memref_slice %arg2[%dma_start3A_13, %dma_start3A_14] : memref<10000x128xbf16, #tpu.memory_space<hbm>> -> memref<10000x128xbf16, #tpu.memory_space<hbm>>
    tpu.enqueue_indirect_dma source(%dma_start3A_15 : memref<10000x128xbf16, #tpu.memory_space<hbm>>) target(%arg10 : memref<256x128xbf16, #tpu.memory_space<vmem>>) offsets(%dma_start3A_12 : memref<256xi32, #tpu.memory_space<vmem>>) semaphore(%arg13 : memref<!tpu.dma_semaphore, #tpu.memory_space<semaphore_mem>>)
    %scan3A = arith.constant 0 : i32
    %scan3A_16 = arith.constant 0 : i32
    %scan3A_17 = arith.constant 19 : i32
    %scan3A_18 = arith.addi %scan3A_16, %scan3A_17 : i32
    %scan3A_19 = arith.constant 1 : i32
    scf.for %scan3A_67 = %scan3A_16 to %scan3A_18 step %scan3A_19  : i32 {
      %mul3A_68 = arith.constant 2 : i32
      %mul3A_69 = arith.muli %scan3A_67, %mul3A_68 : i32
      %add3A_70 = arith.constant 0 : i32
      %add3A_71 = arith.addi %mul3A_69, %add3A_70 : i32
      %dma_wait3A_72 = arith.constant 0 : i32
      %dma_wait3A_73 = tpu.memref_slice %arg8[%add3A_71, %dma_wait3A_72] : memref<40x256xi32, #tpu.memory_space<vmem>> -> memref<1x256xi32, #tpu.memory_space<vmem>>
      %dma_wait3A_74 = tpu.memref_squeeze %dma_wait3A_73 : memref<1x256xi32, #tpu.memory_space<vmem>> -> memref<256xi32, #tpu.memory_space<vmem>>
      %dma_wait3A_75 = arith.constant 0 : i32
      %dma_wait3A_76 = arith.constant 0 : i32
      %dma_wait3A_77 = tpu.memref_slice %arg2[%dma_wait3A_75, %dma_wait3A_76] : memref<10000x128xbf16, #tpu.memory_space<hbm>> -> memref<10000x128xbf16, #tpu.memory_space<hbm>>
      tpu.wait_indirect_dma semaphore(%arg12 : memref<!tpu.dma_semaphore, #tpu.memory_space<semaphore_mem>>) src(%dma_wait3A_77 : memref<10000x128xbf16, #tpu.memory_space<hbm>>) dst(%arg9 : memref<256x128xbf16, #tpu.memory_space<vmem>>)
      %dma_start3A_78 = arith.constant 0 : i32
      %dma_start3A_79 = tpu.memref_slice %arg7[%add3A_71, %dma_start3A_78] : memref<40x256xi32, #tpu.memory_space<vmem>> -> memref<1x256xi32, #tpu.memory_space<vmem>>
      %dma_start3A_80 = tpu.memref_squeeze %dma_start3A_79 : memref<1x256xi32, #tpu.memory_space<vmem>> -> memref<256xi32, #tpu.memory_space<vmem>>
      %dma_start3A_81 = arith.constant 0 : i32
      %dma_start3A_82 = arith.constant 0 : i32
      %dma_start3A_83 = tpu.memref_slice %arg11[%dma_start3A_81, %dma_start3A_82] : memref<10240x128xbf16, #tpu.memory_space<vmem_shared>> -> memref<10240x128xbf16, #tpu.memory_space<vmem_shared>>
      tpu.enqueue_indirect_dma source(%arg9 : memref<256x128xbf16, #tpu.memory_space<vmem>>) target(%dma_start3A_83 : memref<10240x128xbf16, #tpu.memory_space<vmem_shared>>) offsets(%dma_start3A_80 : memref<256xi32, #tpu.memory_space<vmem>>) semaphore(%arg14 : memref<!tpu.dma_semaphore, #tpu.memory_space<semaphore_mem>>) {add = true}
      %dma_wait3A_84 = arith.constant 0 : i32
      %dma_wait3A_85 = tpu.memref_slice %arg7[%add3A_71, %dma_wait3A_84] : memref<40x256xi32, #tpu.memory_space<vmem>> -> memref<1x256xi32, #tpu.memory_space<vmem>>
      %dma_wait3A_86 = tpu.memref_squeeze %dma_wait3A_85 : memref<1x256xi32, #tpu.memory_space<vmem>> -> memref<256xi32, #tpu.memory_space<vmem>>
      %dma_wait3A_87 = arith.constant 0 : i32
      %dma_wait3A_88 = arith.constant 0 : i32
      %dma_wait3A_89 = tpu.memref_slice %arg11[%dma_wait3A_87, %dma_wait3A_88] : memref<10240x128xbf16, #tpu.memory_space<vmem_shared>> -> memref<10240x128xbf16, #tpu.memory_space<vmem_shared>>
      tpu.wait_indirect_dma semaphore(%arg14 : memref<!tpu.dma_semaphore, #tpu.memory_space<semaphore_mem>>) src(%arg9 : memref<256x128xbf16, #tpu.memory_space<vmem>>) dst(%dma_wait3A_89 : memref<10240x128xbf16, #tpu.memory_space<vmem_shared>>)
      %add3A_90 = arith.constant 2 : i32
      %add3A_91 = arith.addi %add3A_71, %add3A_90 : i32
      %dma_start3A_92 = arith.constant 0 : i32
      %dma_start3A_93 = tpu.memref_slice %arg8[%add3A_91, %dma_start3A_92] : memref<40x256xi32, #tpu.memory_space<vmem>> -> memref<1x256xi32, #tpu.memory_space<vmem>>
      %dma_start3A_94 = tpu.memref_squeeze %dma_start3A_93 : memref<1x256xi32, #tpu.memory_space<vmem>> -> memref<256xi32, #tpu.memory_space<vmem>>
      %dma_start3A_95 = arith.constant 0 : i32
      %dma_start3A_96 = arith.constant 0 : i32
      %dma_start3A_97 = tpu.memref_slice %arg2[%dma_start3A_95, %dma_start3A_96] : memref<10000x128xbf16, #tpu.memory_space<hbm>> -> memref<10000x128xbf16, #tpu.memory_space<hbm>>
      tpu.enqueue_indirect_dma source(%dma_start3A_97 : memref<10000x128xbf16, #tpu.memory_space<hbm>>) target(%arg9 : memref<256x128xbf16, #tpu.memory_space<vmem>>) offsets(%dma_start3A_94 : memref<256xi32, #tpu.memory_space<vmem>>) semaphore(%arg12 : memref<!tpu.dma_semaphore, #tpu.memory_space<semaphore_mem>>)
      %mul3A_98 = arith.constant 2 : i32
      %mul3A_99 = arith.muli %scan3A_67, %mul3A_98 : i32
      %add3A_100 = arith.constant 1 : i32
      %add3A_101 = arith.addi %mul3A_99, %add3A_100 : i32
      %dma_wait3A_102 = arith.constant 0 : i32
      %dma_wait3A_103 = tpu.memref_slice %arg8[%add3A_101, %dma_wait3A_102] : memref<40x256xi32, #tpu.memory_space<vmem>> -> memref<1x256xi32, #tpu.memory_space<vmem>>
      %dma_wait3A_104 = tpu.memref_squeeze %dma_wait3A_103 : memref<1x256xi32, #tpu.memory_space<vmem>> -> memref<256xi32, #tpu.memory_space<vmem>>
      %dma_wait3A_105 = arith.constant 0 : i32
      %dma_wait3A_106 = arith.constant 0 : i32
      %dma_wait3A_107 = tpu.memref_slice %arg2[%dma_wait3A_105, %dma_wait3A_106] : memref<10000x128xbf16, #tpu.memory_space<hbm>> -> memref<10000x128xbf16, #tpu.memory_space<hbm>>
      tpu.wait_indirect_dma semaphore(%arg13 : memref<!tpu.dma_semaphore, #tpu.memory_space<semaphore_mem>>) src(%dma_wait3A_107 : memref<10000x128xbf16, #tpu.memory_space<hbm>>) dst(%arg10 : memref<256x128xbf16, #tpu.memory_space<vmem>>)
      %dma_start3A_108 = arith.constant 0 : i32
      %dma_start3A_109 = tpu.memref_slice %arg7[%add3A_101, %dma_start3A_108] : memref<40x256xi32, #tpu.memory_space<vmem>> -> memref<1x256xi32, #tpu.memory_space<vmem>>
      %dma_start3A_110 = tpu.memref_squeeze %dma_start3A_109 : memref<1x256xi32, #tpu.memory_space<vmem>> -> memref<256xi32, #tpu.memory_space<vmem>>
      %dma_start3A_111 = arith.constant 0 : i32
      %dma_start3A_112 = arith.constant 0 : i32
      %dma_start3A_113 = tpu.memref_slice %arg11[%dma_start3A_111, %dma_start3A_112] : memref<10240x128xbf16, #tpu.memory_space<vmem_shared>> -> memref<10240x128xbf16, #tpu.memory_space<vmem_shared>>
      tpu.enqueue_indirect_dma source(%arg10 : memref<256x128xbf16, #tpu.memory_space<vmem>>) target(%dma_start3A_113 : memref<10240x128xbf16, #tpu.memory_space<vmem_shared>>) offsets(%dma_start3A_110 : memref<256xi32, #tpu.memory_space<vmem>>) semaphore(%arg15 : memref<!tpu.dma_semaphore, #tpu.memory_space<semaphore_mem>>) {add = true}
      %dma_wait3A_114 = arith.constant 0 : i32
      %dma_wait3A_115 = tpu.memref_slice %arg7[%add3A_101, %dma_wait3A_114] : memref<40x256xi32, #tpu.memory_space<vmem>> -> memref<1x256xi32, #tpu.memory_space<vmem>>
      %dma_wait3A_116 = tpu.memref_squeeze %dma_wait3A_115 : memref<1x256xi32, #tpu.memory_space<vmem>> -> memref<256xi32, #tpu.memory_space<vmem>>
      %dma_wait3A_117 = arith.constant 0 : i32
      %dma_wait3A_118 = arith.constant 0 : i32
      %dma_wait3A_119 = tpu.memref_slice %arg11[%dma_wait3A_117, %dma_wait3A_118] : memref<10240x128xbf16, #tpu.memory_space<vmem_shared>> -> memref<10240x128xbf16, #tpu.memory_space<vmem_shared>>
      tpu.wait_indirect_dma semaphore(%arg15 : memref<!tpu.dma_semaphore, #tpu.memory_space<semaphore_mem>>) src(%arg10 : memref<256x128xbf16, #tpu.memory_space<vmem>>) dst(%dma_wait3A_119 : memref<10240x128xbf16, #tpu.memory_space<vmem_shared>>)
      %add3A_120 = arith.constant 2 : i32
      %add3A_121 = arith.addi %add3A_101, %add3A_120 : i32
      %dma_start3A_122 = arith.constant 0 : i32
      %dma_start3A_123 = tpu.memref_slice %arg8[%add3A_121, %dma_start3A_122] : memref<40x256xi32, #tpu.memory_space<vmem>> -> memref<1x256xi32, #tpu.memory_space<vmem>>
      %dma_start3A_124 = tpu.memref_squeeze %dma_start3A_123 : memref<1x256xi32, #tpu.memory_space<vmem>> -> memref<256xi32, #tpu.memory_space<vmem>>
      %dma_start3A_125 = arith.constant 0 : i32
      %dma_start3A_126 = arith.constant 0 : i32
      %dma_start3A_127 = tpu.memref_slice %arg2[%dma_start3A_125, %dma_start3A_126] : memref<10000x128xbf16, #tpu.memory_space<hbm>> -> memref<10000x128xbf16, #tpu.memory_space<hbm>>
      tpu.enqueue_indirect_dma source(%dma_start3A_127 : memref<10000x128xbf16, #tpu.memory_space<hbm>>) target(%arg10 : memref<256x128xbf16, #tpu.memory_space<vmem>>) offsets(%dma_start3A_124 : memref<256xi32, #tpu.memory_space<vmem>>) semaphore(%arg13 : memref<!tpu.dma_semaphore, #tpu.memory_space<semaphore_mem>>)
    }
    %scan3A_20 = arith.constant 19 : i32
    %dma_wait3A = arith.constant 38 : i32
    %dma_wait3A_21 = arith.constant 0 : i32
    %dma_wait3A_22 = tpu.memref_slice %arg8[%dma_wait3A, %dma_wait3A_21] : memref<40x256xi32, #tpu.memory_space<vmem>> -> memref<1x256xi32, #tpu.memory_space<vmem>>
    %dma_wait3A_23 = tpu.memref_squeeze %dma_wait3A_22 : memref<1x256xi32, #tpu.memory_space<vmem>> -> memref<256xi32, #tpu.memory_space<vmem>>
    %dma_wait3A_24 = arith.constant 0 : i32
    %dma_wait3A_25 = arith.constant 0 : i32
    %dma_wait3A_26 = tpu.memref_slice %arg2[%dma_wait3A_24, %dma_wait3A_25] : memref<10000x128xbf16, #tpu.memory_space<hbm>> -> memref<10000x128xbf16, #tpu.memory_space<hbm>>
    tpu.wait_indirect_dma semaphore(%arg12 : memref<!tpu.dma_semaphore, #tpu.memory_space<semaphore_mem>>) src(%dma_wait3A_26 : memref<10000x128xbf16, #tpu.memory_space<hbm>>) dst(%arg9 : memref<256x128xbf16, #tpu.memory_space<vmem>>)
    %dma_start3A_27 = arith.constant 38 : i32
    %dma_start3A_28 = arith.constant 0 : i32
    %dma_start3A_29 = tpu.memref_slice %arg7[%dma_start3A_27, %dma_start3A_28] : memref<40x256xi32, #tpu.memory_space<vmem>> -> memref<1x256xi32, #tpu.memory_space<vmem>>
    %dma_start3A_30 = tpu.memref_squeeze %dma_start3A_29 : memref<1x256xi32, #tpu.memory_space<vmem>> -> memref<256xi32, #tpu.memory_space<vmem>>
    %dma_start3A_31 = arith.constant 0 : i32
    %dma_start3A_32 = arith.constant 0 : i32
    %dma_start3A_33 = tpu.memref_slice %arg11[%dma_start3A_31, %dma_start3A_32] : memref<10240x128xbf16, #tpu.memory_space<vmem_shared>> -> memref<10240x128xbf16, #tpu.memory_space<vmem_shared>>
    tpu.enqueue_indirect_dma source(%arg9 : memref<256x128xbf16, #tpu.memory_space<vmem>>) target(%dma_start3A_33 : memref<10240x128xbf16, #tpu.memory_space<vmem_shared>>) offsets(%dma_start3A_30 : memref<256xi32, #tpu.memory_space<vmem>>) semaphore(%arg14 : memref<!tpu.dma_semaphore, #tpu.memory_space<semaphore_mem>>) {add = true}
    %dma_wait3A_34 = arith.constant 38 : i32
    %dma_wait3A_35 = arith.constant 0 : i32
    %dma_wait3A_36 = tpu.memref_slice %arg7[%dma_wait3A_34, %dma_wait3A_35] : memref<40x256xi32, #tpu.memory_space<vmem>> -> memref<1x256xi32, #tpu.memory_space<vmem>>
    %dma_wait3A_37 = tpu.memref_squeeze %dma_wait3A_36 : memref<1x256xi32, #tpu.memory_space<vmem>> -> memref<256xi32, #tpu.memory_space<vmem>>
    %dma_wait3A_38 = arith.constant 0 : i32
    %dma_wait3A_39 = arith.constant 0 : i32
    %dma_wait3A_40 = tpu.memref_slice %arg11[%dma_wait3A_38, %dma_wait3A_39] : memref<10240x128xbf16, #tpu.memory_space<vmem_shared>> -> memref<10240x128xbf16, #tpu.memory_space<vmem_shared>>
    tpu.wait_indirect_dma semaphore(%arg14 : memref<!tpu.dma_semaphore, #tpu.memory_space<semaphore_mem>>) src(%arg9 : memref<256x128xbf16, #tpu.memory_space<vmem>>) dst(%dma_wait3A_40 : memref<10240x128xbf16, #tpu.memory_space<vmem_shared>>)
    %dma_wait3A_41 = arith.constant 39 : i32
    %dma_wait3A_42 = arith.constant 0 : i32
    %dma_wait3A_43 = tpu.memref_slice %arg8[%dma_wait3A_41, %dma_wait3A_42] : memref<40x256xi32, #tpu.memory_space<vmem>> -> memref<1x256xi32, #tpu.memory_space<vmem>>
    %dma_wait3A_44 = tpu.memref_squeeze %dma_wait3A_43 : memref<1x256xi32, #tpu.memory_space<vmem>> -> memref<256xi32, #tpu.memory_space<vmem>>
    %dma_wait3A_45 = arith.constant 0 : i32
    %dma_wait3A_46 = arith.constant 0 : i32
    %dma_wait3A_47 = tpu.memref_slice %arg2[%dma_wait3A_45, %dma_wait3A_46] : memref<10000x128xbf16, #tpu.memory_space<hbm>> -> memref<10000x128xbf16, #tpu.memory_space<hbm>>
    tpu.wait_indirect_dma semaphore(%arg13 : memref<!tpu.dma_semaphore, #tpu.memory_space<semaphore_mem>>) src(%dma_wait3A_47 : memref<10000x128xbf16, #tpu.memory_space<hbm>>) dst(%arg10 : memref<256x128xbf16, #tpu.memory_space<vmem>>)
    %dma_start3A_48 = arith.constant 39 : i32
    %dma_start3A_49 = arith.constant 0 : i32
    %dma_start3A_50 = tpu.memref_slice %arg7[%dma_start3A_48, %dma_start3A_49] : memref<40x256xi32, #tpu.memory_space<vmem>> -> memref<1x256xi32, #tpu.memory_space<vmem>>
    %dma_start3A_51 = tpu.memref_squeeze %dma_start3A_50 : memref<1x256xi32, #tpu.memory_space<vmem>> -> memref<256xi32, #tpu.memory_space<vmem>>
    %dma_start3A_52 = arith.constant 0 : i32
    %dma_start3A_53 = arith.constant 0 : i32
    %dma_start3A_54 = tpu.memref_slice %arg11[%dma_start3A_52, %dma_start3A_53] : memref<10240x128xbf16, #tpu.memory_space<vmem_shared>> -> memref<10240x128xbf16, #tpu.memory_space<vmem_shared>>
    tpu.enqueue_indirect_dma source(%arg10 : memref<256x128xbf16, #tpu.memory_space<vmem>>) target(%dma_start3A_54 : memref<10240x128xbf16, #tpu.memory_space<vmem_shared>>) offsets(%dma_start3A_51 : memref<256xi32, #tpu.memory_space<vmem>>) semaphore(%arg15 : memref<!tpu.dma_semaphore, #tpu.memory_space<semaphore_mem>>) {add = true}
    %dma_wait3A_55 = arith.constant 39 : i32
    %dma_wait3A_56 = arith.constant 0 : i32
    %dma_wait3A_57 = tpu.memref_slice %arg7[%dma_wait3A_55, %dma_wait3A_56] : memref<40x256xi32, #tpu.memory_space<vmem>> -> memref<1x256xi32, #tpu.memory_space<vmem>>
    %dma_wait3A_58 = tpu.memref_squeeze %dma_wait3A_57 : memref<1x256xi32, #tpu.memory_space<vmem>> -> memref<256xi32, #tpu.memory_space<vmem>>
    %dma_wait3A_59 = arith.constant 0 : i32
    %dma_wait3A_60 = arith.constant 0 : i32
    %dma_wait3A_61 = tpu.memref_slice %arg11[%dma_wait3A_59, %dma_wait3A_60] : memref<10240x128xbf16, #tpu.memory_space<vmem_shared>> -> memref<10240x128xbf16, #tpu.memory_space<vmem_shared>>
    tpu.wait_indirect_dma semaphore(%arg15 : memref<!tpu.dma_semaphore, #tpu.memory_space<semaphore_mem>>) src(%arg10 : memref<256x128xbf16, #tpu.memory_space<vmem>>) dst(%dma_wait3A_61 : memref<10240x128xbf16, #tpu.memory_space<vmem_shared>>)
    %barrier3A_62 = arith.constant 0 : index
    tpu.barrier barrier_id(%barrier3A_62)
    %mul3A_63 = arith.constant 640 : i32
    %mul3A_64 = arith.muli %arg1, %mul3A_63 : i32
    %mul3A_65 = arith.constant 640 : i32
    %mul3A_66 = arith.muli %arg1, %mul3A_65 : i32
    "tpu.region"() ({
      %run_scoped3A = tpu.sem_alloc : memref<!tpu.dma_semaphore, #tpu.memory_space<semaphore_mem>>
      %dma_start3A_67 = arith.constant 0 : i32
      %dma_start3A_68 = tpu.memref_slice %arg6[%arg0, %mul3A_66, %dma_start3A_67] : memref<2x10240x128xbf16, #tpu.memory_space<hbm>> -> memref<1x640x128xbf16, #tpu.memory_space<hbm>>
      %dma_start3A_69 = tpu.memref_squeeze %dma_start3A_68 : memref<1x640x128xbf16, #tpu.memory_space<hbm>> -> memref<640x128xbf16, #tpu.memory_space<hbm>>
      %dma_start3A_70 = arith.constant 0 : i32
      %dma_start3A_71 = tpu.memref_slice %arg11[%mul3A_64, %dma_start3A_70] : memref<10240x128xbf16, #tpu.memory_space<vmem_shared>> -> memref<640x128xbf16, #tpu.memory_space<vmem_shared>>
      tpu.enqueue_dma source(%dma_start3A_71 : memref<640x128xbf16, #tpu.memory_space<vmem_shared>>) target(%dma_start3A_69 : memref<640x128xbf16, #tpu.memory_space<hbm>>) target_semaphore(%run_scoped3A : memref<!tpu.dma_semaphore, #tpu.memory_space<semaphore_mem>>)
      %dma_wait3A_72 = arith.constant 0 : i32
      %dma_wait3A_73 = tpu.memref_slice %arg6[%arg0, %mul3A_66, %dma_wait3A_72] : memref<2x10240x128xbf16, #tpu.memory_space<hbm>> -> memref<1x640x128xbf16, #tpu.memory_space<hbm>>
      %dma_wait3A_74 = tpu.memref_squeeze %dma_wait3A_73 : memref<1x640x128xbf16, #tpu.memory_space<hbm>> -> memref<640x128xbf16, #tpu.memory_space<hbm>>
      %dma_wait3A_75 = arith.constant 0 : i32
      %dma_wait3A_76 = tpu.memref_slice %arg11[%mul3A_64, %dma_wait3A_75] : memref<10240x128xbf16, #tpu.memory_space<vmem_shared>> -> memref<640x128xbf16, #tpu.memory_space<vmem_shared>>
      tpu.wait_dma2 semaphore(%run_scoped3A : memref<!tpu.dma_semaphore, #tpu.memory_space<semaphore_mem>>) src(%dma_wait3A_76 : memref<640x128xbf16, #tpu.memory_space<vmem_shared>>) dst(%dma_wait3A_74 : memref<640x128xbf16, #tpu.memory_space<hbm>>)
      tpu.yield
    }) : () -> ()
    return
  }
}

#map = affine_map<(d0, d1) -> (0, 0)>
#map1 = affine_map<(d0, d1) -> (0, 0, 0)>
module attributes {stable_mosaic.version = 14 : i64} {
  func.func @body(%arg0: i32, %arg1: i32, %arg2: memref<10000x128xbf16, #tpu.memory_space<hbm>>, %arg3: memref<32x40x256xi32, #tpu.memory_space<hbm>>, %arg4: memref<32x40x256xi32, #tpu.memory_space<hbm>>, %arg5: memref<640x128xbf16, #tpu.memory_space<hbm>>, %arg6: memref<2x10240x128xbf16, #tpu.memory_space<hbm>>, %arg7: memref<40x256xi32, #tpu.memory_space<vmem>>, %arg8: memref<40x256xi32, #tpu.memory_space<vmem>>, %arg9: memref<256x128xbf16, #tpu.memory_space<vmem>>, %arg10: memref<256x128xbf16, #tpu.memory_space<vmem>>, %arg11: memref<10240x128xbf16, #tpu.memory_space<vmem_shared>>, %arg12: memref<!tpu.dma_semaphore, #tpu.memory_space<semaphore_mem>>, %arg13: memref<!tpu.dma_semaphore, #tpu.memory_space<semaphore_mem>>, %arg14: memref<!tpu.dma_semaphore, #tpu.memory_space<semaphore_mem>>, %arg15: memref<!tpu.dma_semaphore, #tpu.memory_space<semaphore_mem>>) attributes {dimension_semantics = [#tpu.dimension_semantics<core_parallel>, #tpu.dimension_semantics<subcore_parallel>], iteration_bounds = array<i64: 2, 16>, scalar_prefetch = 0 : i64, scratch_operands = 9 : i64, tpu.core_type = #tpu.core_type<sc_vector_subcore>, window_params = [{transform_indices = #map}, {transform_indices = #map1}, {transform_indices = #map1}, {transform_indices = #map}, {transform_indices = #map1}]} {
    %mul3A = arith.constant 2 : i32
    %mul3A_0 = arith.muli %arg1, %mul3A : i32
    %add3A = arith.addi %mul3A_0, %arg0 : i32
    "tpu.region"() ({
      %run_scoped3A = tpu.sem_alloc : memref<!tpu.dma_semaphore, #tpu.memory_space<semaphore_mem>>
      %dma_start3A_67 = arith.constant 0 : i32
      %dma_start3A_68 = arith.constant 0 : i32
      %dma_start3A_69 = tpu.memref_slice %arg3[%add3A, %dma_start3A_67, %dma_start3A_68] : memref<32x40x256xi32, #tpu.memory_space<hbm>> -> memref<1x40x256xi32, #tpu.memory_space<hbm>>
      %dma_start3A_70 = tpu.memref_squeeze %dma_start3A_69 : memref<1x40x256xi32, #tpu.memory_space<hbm>> -> memref<40x256xi32, #tpu.memory_space<hbm>>
      %dma_start3A_71 = arith.constant 0 : i32
      %dma_start3A_72 = arith.constant 0 : i32
      %dma_start3A_73 = tpu.memref_slice %arg3[%add3A, %dma_start3A_71, %dma_start3A_72] : memref<32x40x256xi32, #tpu.memory_space<hbm>> -> memref<1x40x256xi32, #tpu.memory_space<hbm>>
      %dma_start3A_74 = tpu.memref_squeeze %dma_start3A_73 : memref<1x40x256xi32, #tpu.memory_space<hbm>> -> memref<40x256xi32, #tpu.memory_space<hbm>>
      tpu.enqueue_dma source(%dma_start3A_74 : memref<40x256xi32, #tpu.memory_space<hbm>>) target(%arg7 : memref<40x256xi32, #tpu.memory_space<vmem>>) target_semaphore(%run_scoped3A : memref<!tpu.dma_semaphore, #tpu.memory_space<semaphore_mem>>)
      %dma_wait3A_75 = arith.constant 0 : i32
      %dma_wait3A_76 = arith.constant 0 : i32
      %dma_wait3A_77 = tpu.memref_slice %arg3[%add3A, %dma_wait3A_75, %dma_wait3A_76] : memref<32x40x256xi32, #tpu.memory_space<hbm>> -> memref<1x40x256xi32, #tpu.memory_space<hbm>>
      %dma_wait3A_78 = tpu.memref_squeeze %dma_wait3A_77 : memref<1x40x256xi32, #tpu.memory_space<hbm>> -> memref<40x256xi32, #tpu.memory_space<hbm>>
      %dma_wait3A_79 = arith.constant 0 : i32
      %dma_wait3A_80 = arith.constant 0 : i32
      %dma_wait3A_81 = tpu.memref_slice %arg3[%add3A, %dma_wait3A_79, %dma_wait3A_80] : memref<32x40x256xi32, #tpu.memory_space<hbm>> -> memref<1x40x256xi32, #tpu.memory_space<hbm>>
      %dma_wait3A_82 = tpu.memref_squeeze %dma_wait3A_81 : memref<1x40x256xi32, #tpu.memory_space<hbm>> -> memref<40x256xi32, #tpu.memory_space<hbm>>
      tpu.wait_dma2 semaphore(%run_scoped3A : memref<!tpu.dma_semaphore, #tpu.memory_space<semaphore_mem>>) src(%dma_wait3A_82 : memref<40x256xi32, #tpu.memory_space<hbm>>) dst(%arg7 : memref<40x256xi32, #tpu.memory_space<vmem>>)
      tpu.yield
    }) : () -> ()
    "tpu.region"() ({
      %run_scoped3A = tpu.sem_alloc : memref<!tpu.dma_semaphore, #tpu.memory_space<semaphore_mem>>
      %dma_start3A_67 = arith.constant 0 : i32
      %dma_start3A_68 = arith.constant 0 : i32
      %dma_start3A_69 = tpu.memref_slice %arg4[%add3A, %dma_start3A_67, %dma_start3A_68] : memref<32x40x256xi32, #tpu.memory_space<hbm>> -> memref<1x40x256xi32, #tpu.memory_space<hbm>>
      %dma_start3A_70 = tpu.memref_squeeze %dma_start3A_69 : memref<1x40x256xi32, #tpu.memory_space<hbm>> -> memref<40x256xi32, #tpu.memory_space<hbm>>
      %dma_start3A_71 = arith.constant 0 : i32
      %dma_start3A_72 = arith.constant 0 : i32
      %dma_start3A_73 = tpu.memref_slice %arg4[%add3A, %dma_start3A_71, %dma_start3A_72] : memref<32x40x256xi32, #tpu.memory_space<hbm>> -> memref<1x40x256xi32, #tpu.memory_space<hbm>>
      %dma_start3A_74 = tpu.memref_squeeze %dma_start3A_73 : memref<1x40x256xi32, #tpu.memory_space<hbm>> -> memref<40x256xi32, #tpu.memory_space<hbm>>
      tpu.enqueue_dma source(%dma_start3A_74 : memref<40x256xi32, #tpu.memory_space<hbm>>) target(%arg8 : memref<40x256xi32, #tpu.memory_space<vmem>>) target_semaphore(%run_scoped3A : memref<!tpu.dma_semaphore, #tpu.memory_space<semaphore_mem>>)
      %dma_wait3A_75 = arith.constant 0 : i32
      %dma_wait3A_76 = arith.constant 0 : i32
      %dma_wait3A_77 = tpu.memref_slice %arg4[%add3A, %dma_wait3A_75, %dma_wait3A_76] : memref<32x40x256xi32, #tpu.memory_space<hbm>> -> memref<1x40x256xi32, #tpu.memory_space<hbm>>
      %dma_wait3A_78 = tpu.memref_squeeze %dma_wait3A_77 : memref<1x40x256xi32, #tpu.memory_space<hbm>> -> memref<40x256xi32, #tpu.memory_space<hbm>>
      %dma_wait3A_79 = arith.constant 0 : i32
      %dma_wait3A_80 = arith.constant 0 : i32
      %dma_wait3A_81 = tpu.memref_slice %arg4[%add3A, %dma_wait3A_79, %dma_wait3A_80] : memref<32x40x256xi32, #tpu.memory_space<hbm>> -> memref<1x40x256xi32, #tpu.memory_space<hbm>>
      %dma_wait3A_82 = tpu.memref_squeeze %dma_wait3A_81 : memref<1x40x256xi32, #tpu.memory_space<hbm>> -> memref<40x256xi32, #tpu.memory_space<hbm>>
      tpu.wait_dma2 semaphore(%run_scoped3A : memref<!tpu.dma_semaphore, #tpu.memory_space<semaphore_mem>>) src(%dma_wait3A_82 : memref<40x256xi32, #tpu.memory_space<hbm>>) dst(%arg8 : memref<40x256xi32, #tpu.memory_space<vmem>>)
      tpu.yield
    }) : () -> ()
    %mul3A_1 = arith.constant 640 : i32
    %mul3A_2 = arith.muli %arg1, %mul3A_1 : i32
    "tpu.region"() ({
      %run_scoped3A = tpu.sem_alloc : memref<!tpu.dma_semaphore, #tpu.memory_space<semaphore_mem>>
      %dma_start3A_67 = arith.constant 0 : i32
      %dma_start3A_68 = tpu.memref_slice %arg11[%mul3A_2, %dma_start3A_67] : memref<10240x128xbf16, #tpu.memory_space<vmem_shared>> -> memref<640x128xbf16, #tpu.memory_space<vmem_shared>>
      tpu.enqueue_dma source(%arg5 : memref<640x128xbf16, #tpu.memory_space<hbm>>) target(%dma_start3A_68 : memref<640x128xbf16, #tpu.memory_space<vmem_shared>>) target_semaphore(%run_scoped3A : memref<!tpu.dma_semaphore, #tpu.memory_space<semaphore_mem>>)
      %dma_wait3A_69 = arith.constant 0 : i32
      %dma_wait3A_70 = tpu.memref_slice %arg11[%mul3A_2, %dma_wait3A_69] : memref<10240x128xbf16, #tpu.memory_space<vmem_shared>> -> memref<640x128xbf16, #tpu.memory_space<vmem_shared>>
      tpu.wait_dma2 semaphore(%run_scoped3A : memref<!tpu.dma_semaphore, #tpu.memory_space<semaphore_mem>>) src(%arg5 : memref<640x128xbf16, #tpu.memory_space<hbm>>) dst(%dma_wait3A_70 : memref<640x128xbf16, #tpu.memory_space<vmem_shared>>)
      tpu.yield
    }) : () -> ()
    %barrier3A = arith.constant 0 : index
    tpu.barrier barrier_id(%barrier3A)
    %dma_start3A = arith.constant 0 : i32
    %dma_start3A_3 = arith.constant 0 : i32
    %dma_start3A_4 = tpu.memref_slice %arg8[%dma_start3A, %dma_start3A_3] : memref<40x256xi32, #tpu.memory_space<vmem>> -> memref<1x256xi32, #tpu.memory_space<vmem>>
    %dma_start3A_5 = tpu.memref_squeeze %dma_start3A_4 : memref<1x256xi32, #tpu.memory_space<vmem>> -> memref<256xi32, #tpu.memory_space<vmem>>
    %dma_start3A_6 = arith.constant 0 : i32
    %dma_start3A_7 = arith.constant 0 : i32
    %dma_start3A_8 = tpu.memref_slice %arg2[%dma_start3A_6, %dma_start3A_7] : memref<10000x128xbf16, #tpu.memory_space<hbm>> -> memref<10000x128xbf16, #tpu.memory_space<hbm>>
    tpu.enqueue_indirect_dma source(%dma_start3A_8 : memref<10000x128xbf16, #tpu.memory_space<hbm>>) target(%arg9 : memref<256x128xbf16, #tpu.memory_space<vmem>>) offsets(%dma_start3A_5 : memref<256xi32, #tpu.memory_space<vmem>>) semaphore(%arg12 : memref<!tpu.dma_semaphore, #tpu.memory_space<semaphore_mem>>)
    %dma_start3A_9 = arith.constant 1 : i32
    %dma_start3A_10 = arith.constant 0 : i32
    %dma_start3A_11 = tpu.memref_slice %arg8[%dma_start3A_9, %dma_start3A_10] : memref<40x256xi32, #tpu.memory_space<vmem>> -> memref<1x256xi32, #tpu.memory_space<vmem>>
    %dma_start3A_12 = tpu.memref_squeeze %dma_start3A_11 : memref<1x256xi32, #tpu.memory_space<vmem>> -> memref<256xi32, #tpu.memory_space<vmem>>
    %dma_start3A_13 = arith.constant 0 : i32
    %dma_start3A_14 = arith.constant 0 : i32
    %dma_start3A_15 = tpu.memref_slice %arg2[%dma_start3A_13, %dma_start3A_14] : memref<10000x128xbf16, #tpu.memory_space<hbm>> -> memref<10000x128xbf16, #tpu.memory_space<hbm>>
    tpu.enqueue_indirect_dma source(%dma_start3A_15 : memref<10000x128xbf16, #tpu.memory_space<hbm>>) target(%arg10 : memref<256x128xbf16, #tpu.memory_space<vmem>>) offsets(%dma_start3A_12 : memref<256xi32, #tpu.memory_space<vmem>>) semaphore(%arg13 : memref<!tpu.dma_semaphore, #tpu.memory_space<semaphore_mem>>)
    %scan3A = arith.constant 0 : i32
    %scan3A_16 = arith.constant 0 : i32
    %scan3A_17 = arith.constant 19 : i32
    %scan3A_18 = arith.addi %scan3A_16, %scan3A_17 : i32
    %scan3A_19 = arith.constant 1 : i32
    scf.for %scan3A_67 = %scan3A_16 to %scan3A_18 step %scan3A_19  : i32 {
      %mul3A_68 = arith.constant 2 : i32
      %mul3A_69 = arith.muli %scan3A_67, %mul3A_68 : i32
      %add3A_70 = arith.constant 0 : i32
      %add3A_71 = arith.addi %mul3A_69, %add3A_70 : i32
      %dma_wait3A_72 = arith.constant 0 : i32
      %dma_wait3A_73 = tpu.memref_slice %arg8[%add3A_71, %dma_wait3A_72] : memref<40x256xi32, #tpu.memory_space<vmem>> -> memref<1x256xi32, #tpu.memory_space<vmem>>
      %dma_wait3A_74 = tpu.memref_squeeze %dma_wait3A_73 : memref<1x256xi32, #tpu.memory_space<vmem>> -> memref<256xi32, #tpu.memory_space<vmem>>
      %dma_wait3A_75 = arith.constant 0 : i32
      %dma_wait3A_76 = arith.constant 0 : i32
      %dma_wait3A_77 = tpu.memref_slice %arg2[%dma_wait3A_75, %dma_wait3A_76] : memref<10000x128xbf16, #tpu.memory_space<hbm>> -> memref<10000x128xbf16, #tpu.memory_space<hbm>>
      tpu.wait_indirect_dma semaphore(%arg12 : memref<!tpu.dma_semaphore, #tpu.memory_space<semaphore_mem>>) src(%dma_wait3A_77 : memref<10000x128xbf16, #tpu.memory_space<hbm>>) dst(%arg9 : memref<256x128xbf16, #tpu.memory_space<vmem>>)
      %dma_start3A_78 = arith.constant 0 : i32
      %dma_start3A_79 = tpu.memref_slice %arg7[%add3A_71, %dma_start3A_78] : memref<40x256xi32, #tpu.memory_space<vmem>> -> memref<1x256xi32, #tpu.memory_space<vmem>>
      %dma_start3A_80 = tpu.memref_squeeze %dma_start3A_79 : memref<1x256xi32, #tpu.memory_space<vmem>> -> memref<256xi32, #tpu.memory_space<vmem>>
      %dma_start3A_81 = arith.constant 0 : i32
      %dma_start3A_82 = arith.constant 0 : i32
      %dma_start3A_83 = tpu.memref_slice %arg11[%dma_start3A_81, %dma_start3A_82] : memref<10240x128xbf16, #tpu.memory_space<vmem_shared>> -> memref<10240x128xbf16, #tpu.memory_space<vmem_shared>>
      tpu.enqueue_indirect_dma source(%arg9 : memref<256x128xbf16, #tpu.memory_space<vmem>>) target(%dma_start3A_83 : memref<10240x128xbf16, #tpu.memory_space<vmem_shared>>) offsets(%dma_start3A_80 : memref<256xi32, #tpu.memory_space<vmem>>) semaphore(%arg14 : memref<!tpu.dma_semaphore, #tpu.memory_space<semaphore_mem>>) {add = true}
      %dma_wait3A_84 = arith.constant 0 : i32
      %dma_wait3A_85 = tpu.memref_slice %arg7[%add3A_71, %dma_wait3A_84] : memref<40x256xi32, #tpu.memory_space<vmem>> -> memref<1x256xi32, #tpu.memory_space<vmem>>
      %dma_wait3A_86 = tpu.memref_squeeze %dma_wait3A_85 : memref<1x256xi32, #tpu.memory_space<vmem>> -> memref<256xi32, #tpu.memory_space<vmem>>
      %dma_wait3A_87 = arith.constant 0 : i32
      %dma_wait3A_88 = arith.constant 0 : i32
      %dma_wait3A_89 = tpu.memref_slice %arg11[%dma_wait3A_87, %dma_wait3A_88] : memref<10240x128xbf16, #tpu.memory_space<vmem_shared>> -> memref<10240x128xbf16, #tpu.memory_space<vmem_shared>>
      tpu.wait_indirect_dma semaphore(%arg14 : memref<!tpu.dma_semaphore, #tpu.memory_space<semaphore_mem>>) src(%arg9 : memref<256x128xbf16, #tpu.memory_space<vmem>>) dst(%dma_wait3A_89 : memref<10240x128xbf16, #tpu.memory_space<vmem_shared>>)
      %add3A_90 = arith.constant 2 : i32
      %add3A_91 = arith.addi %add3A_71, %add3A_90 : i32
      %dma_start3A_92 = arith.constant 0 : i32
      %dma_start3A_93 = tpu.memref_slice %arg8[%add3A_91, %dma_start3A_92] : memref<40x256xi32, #tpu.memory_space<vmem>> -> memref<1x256xi32, #tpu.memory_space<vmem>>
      %dma_start3A_94 = tpu.memref_squeeze %dma_start3A_93 : memref<1x256xi32, #tpu.memory_space<vmem>> -> memref<256xi32, #tpu.memory_space<vmem>>
      %dma_start3A_95 = arith.constant 0 : i32
      %dma_start3A_96 = arith.constant 0 : i32
      %dma_start3A_97 = tpu.memref_slice %arg2[%dma_start3A_95, %dma_start3A_96] : memref<10000x128xbf16, #tpu.memory_space<hbm>> -> memref<10000x128xbf16, #tpu.memory_space<hbm>>
      tpu.enqueue_indirect_dma source(%dma_start3A_97 : memref<10000x128xbf16, #tpu.memory_space<hbm>>) target(%arg9 : memref<256x128xbf16, #tpu.memory_space<vmem>>) offsets(%dma_start3A_94 : memref<256xi32, #tpu.memory_space<vmem>>) semaphore(%arg12 : memref<!tpu.dma_semaphore, #tpu.memory_space<semaphore_mem>>)
      %mul3A_98 = arith.constant 2 : i32
      %mul3A_99 = arith.muli %scan3A_67, %mul3A_98 : i32
      %add3A_100 = arith.constant 1 : i32
      %add3A_101 = arith.addi %mul3A_99, %add3A_100 : i32
      %dma_wait3A_102 = arith.constant 0 : i32
      %dma_wait3A_103 = tpu.memref_slice %arg8[%add3A_101, %dma_wait3A_102] : memref<40x256xi32, #tpu.memory_space<vmem>> -> memref<1x256xi32, #tpu.memory_space<vmem>>
      %dma_wait3A_104 = tpu.memref_squeeze %dma_wait3A_103 : memref<1x256xi32, #tpu.memory_space<vmem>> -> memref<256xi32, #tpu.memory_space<vmem>>
      %dma_wait3A_105 = arith.constant 0 : i32
      %dma_wait3A_106 = arith.constant 0 : i32
      %dma_wait3A_107 = tpu.memref_slice %arg2[%dma_wait3A_105, %dma_wait3A_106] : memref<10000x128xbf16, #tpu.memory_space<hbm>> -> memref<10000x128xbf16, #tpu.memory_space<hbm>>
      tpu.wait_indirect_dma semaphore(%arg13 : memref<!tpu.dma_semaphore, #tpu.memory_space<semaphore_mem>>) src(%dma_wait3A_107 : memref<10000x128xbf16, #tpu.memory_space<hbm>>) dst(%arg10 : memref<256x128xbf16, #tpu.memory_space<vmem>>)
      %dma_start3A_108 = arith.constant 0 : i32
      %dma_start3A_109 = tpu.memref_slice %arg7[%add3A_101, %dma_start3A_108] : memref<40x256xi32, #tpu.memory_space<vmem>> -> memref<1x256xi32, #tpu.memory_space<vmem>>
      %dma_start3A_110 = tpu.memref_squeeze %dma_start3A_109 : memref<1x256xi32, #tpu.memory_space<vmem>> -> memref<256xi32, #tpu.memory_space<vmem>>
      %dma_start3A_111 = arith.constant 0 : i32
      %dma_start3A_112 = arith.constant 0 : i32
      %dma_start3A_113 = tpu.memref_slice %arg11[%dma_start3A_111, %dma_start3A_112] : memref<10240x128xbf16, #tpu.memory_space<vmem_shared>> -> memref<10240x128xbf16, #tpu.memory_space<vmem_shared>>
      tpu.enqueue_indirect_dma source(%arg10 : memref<256x128xbf16, #tpu.memory_space<vmem>>) target(%dma_start3A_113 : memref<10240x128xbf16, #tpu.memory_space<vmem_shared>>) offsets(%dma_start3A_110 : memref<256xi32, #tpu.memory_space<vmem>>) semaphore(%arg15 : memref<!tpu.dma_semaphore, #tpu.memory_space<semaphore_mem>>) {add = true}
      %dma_wait3A_114 = arith.constant 0 : i32
      %dma_wait3A_115 = tpu.memref_slice %arg7[%add3A_101, %dma_wait3A_114] : memref<40x256xi32, #tpu.memory_space<vmem>> -> memref<1x256xi32, #tpu.memory_space<vmem>>
      %dma_wait3A_116 = tpu.memref_squeeze %dma_wait3A_115 : memref<1x256xi32, #tpu.memory_space<vmem>> -> memref<256xi32, #tpu.memory_space<vmem>>
      %dma_wait3A_117 = arith.constant 0 : i32
      %dma_wait3A_118 = arith.constant 0 : i32
      %dma_wait3A_119 = tpu.memref_slice %arg11[%dma_wait3A_117, %dma_wait3A_118] : memref<10240x128xbf16, #tpu.memory_space<vmem_shared>> -> memref<10240x128xbf16, #tpu.memory_space<vmem_shared>>
      tpu.wait_indirect_dma semaphore(%arg15 : memref<!tpu.dma_semaphore, #tpu.memory_space<semaphore_mem>>) src(%arg10 : memref<256x128xbf16, #tpu.memory_space<vmem>>) dst(%dma_wait3A_119 : memref<10240x128xbf16, #tpu.memory_space<vmem_shared>>)
      %add3A_120 = arith.constant 2 : i32
      %add3A_121 = arith.addi %add3A_101, %add3A_120 : i32
      %dma_start3A_122 = arith.constant 0 : i32
      %dma_start3A_123 = tpu.memref_slice %arg8[%add3A_121, %dma_start3A_122] : memref<40x256xi32, #tpu.memory_space<vmem>> -> memref<1x256xi32, #tpu.memory_space<vmem>>
      %dma_start3A_124 = tpu.memref_squeeze %dma_start3A_123 : memref<1x256xi32, #tpu.memory_space<vmem>> -> memref<256xi32, #tpu.memory_space<vmem>>
      %dma_start3A_125 = arith.constant 0 : i32
      %dma_start3A_126 = arith.constant 0 : i32
      %dma_start3A_127 = tpu.memref_slice %arg2[%dma_start3A_125, %dma_start3A_126] : memref<10000x128xbf16, #tpu.memory_space<hbm>> -> memref<10000x128xbf16, #tpu.memory_space<hbm>>
      tpu.enqueue_indirect_dma source(%dma_start3A_127 : memref<10000x128xbf16, #tpu.memory_space<hbm>>) target(%arg10 : memref<256x128xbf16, #tpu.memory_space<vmem>>) offsets(%dma_start3A_124 : memref<256xi32, #tpu.memory_space<vmem>>) semaphore(%arg13 : memref<!tpu.dma_semaphore, #tpu.memory_space<semaphore_mem>>)
    }
    %scan3A_20 = arith.constant 19 : i32
    %dma_wait3A = arith.constant 38 : i32
    %dma_wait3A_21 = arith.constant 0 : i32
    %dma_wait3A_22 = tpu.memref_slice %arg8[%dma_wait3A, %dma_wait3A_21] : memref<40x256xi32, #tpu.memory_space<vmem>> -> memref<1x256xi32, #tpu.memory_space<vmem>>
    %dma_wait3A_23 = tpu.memref_squeeze %dma_wait3A_22 : memref<1x256xi32, #tpu.memory_space<vmem>> -> memref<256xi32, #tpu.memory_space<vmem>>
    %dma_wait3A_24 = arith.constant 0 : i32
    %dma_wait3A_25 = arith.constant 0 : i32
    %dma_wait3A_26 = tpu.memref_slice %arg2[%dma_wait3A_24, %dma_wait3A_25] : memref<10000x128xbf16, #tpu.memory_space<hbm>> -> memref<10000x128xbf16, #tpu.memory_space<hbm>>
    tpu.wait_indirect_dma semaphore(%arg12 : memref<!tpu.dma_semaphore, #tpu.memory_space<semaphore_mem>>) src(%dma_wait3A_26 : memref<10000x128xbf16, #tpu.memory_space<hbm>>) dst(%arg9 : memref<256x128xbf16, #tpu.memory_space<vmem>>)
    %dma_start3A_27 = arith.constant 38 : i32
    %dma_start3A_28 = arith.constant 0 : i32
    %dma_start3A_29 = tpu.memref_slice %arg7[%dma_start3A_27, %dma_start3A_28] : memref<40x256xi32, #tpu.memory_space<vmem>> -> memref<1x256xi32, #tpu.memory_space<vmem>>
    %dma_start3A_30 = tpu.memref_squeeze %dma_start3A_29 : memref<1x256xi32, #tpu.memory_space<vmem>> -> memref<256xi32, #tpu.memory_space<vmem>>
    %dma_start3A_31 = arith.constant 0 : i32
    %dma_start3A_32 = arith.constant 0 : i32
    %dma_start3A_33 = tpu.memref_slice %arg11[%dma_start3A_31, %dma_start3A_32] : memref<10240x128xbf16, #tpu.memory_space<vmem_shared>> -> memref<10240x128xbf16, #tpu.memory_space<vmem_shared>>
    tpu.enqueue_indirect_dma source(%arg9 : memref<256x128xbf16, #tpu.memory_space<vmem>>) target(%dma_start3A_33 : memref<10240x128xbf16, #tpu.memory_space<vmem_shared>>) offsets(%dma_start3A_30 : memref<256xi32, #tpu.memory_space<vmem>>) semaphore(%arg14 : memref<!tpu.dma_semaphore, #tpu.memory_space<semaphore_mem>>) {add = true}
    %dma_wait3A_34 = arith.constant 38 : i32
    %dma_wait3A_35 = arith.constant 0 : i32
    %dma_wait3A_36 = tpu.memref_slice %arg7[%dma_wait3A_34, %dma_wait3A_35] : memref<40x256xi32, #tpu.memory_space<vmem>> -> memref<1x256xi32, #tpu.memory_space<vmem>>
    %dma_wait3A_37 = tpu.memref_squeeze %dma_wait3A_36 : memref<1x256xi32, #tpu.memory_space<vmem>> -> memref<256xi32, #tpu.memory_space<vmem>>
    %dma_wait3A_38 = arith.constant 0 : i32
    %dma_wait3A_39 = arith.constant 0 : i32
    %dma_wait3A_40 = tpu.memref_slice %arg11[%dma_wait3A_38, %dma_wait3A_39] : memref<10240x128xbf16, #tpu.memory_space<vmem_shared>> -> memref<10240x128xbf16, #tpu.memory_space<vmem_shared>>
    tpu.wait_indirect_dma semaphore(%arg14 : memref<!tpu.dma_semaphore, #tpu.memory_space<semaphore_mem>>) src(%arg9 : memref<256x128xbf16, #tpu.memory_space<vmem>>) dst(%dma_wait3A_40 : memref<10240x128xbf16, #tpu.memory_space<vmem_shared>>)
    %dma_wait3A_41 = arith.constant 39 : i32
    %dma_wait3A_42 = arith.constant 0 : i32
    %dma_wait3A_43 = tpu.memref_slice %arg8[%dma_wait3A_41, %dma_wait3A_42] : memref<40x256xi32, #tpu.memory_space<vmem>> -> memref<1x256xi32, #tpu.memory_space<vmem>>
    %dma_wait3A_44 = tpu.memref_squeeze %dma_wait3A_43 : memref<1x256xi32, #tpu.memory_space<vmem>> -> memref<256xi32, #tpu.memory_space<vmem>>
    %dma_wait3A_45 = arith.constant 0 : i32
    %dma_wait3A_46 = arith.constant 0 : i32
    %dma_wait3A_47 = tpu.memref_slice %arg2[%dma_wait3A_45, %dma_wait3A_46] : memref<10000x128xbf16, #tpu.memory_space<hbm>> -> memref<10000x128xbf16, #tpu.memory_space<hbm>>
    tpu.wait_indirect_dma semaphore(%arg13 : memref<!tpu.dma_semaphore, #tpu.memory_space<semaphore_mem>>) src(%dma_wait3A_47 : memref<10000x128xbf16, #tpu.memory_space<hbm>>) dst(%arg10 : memref<256x128xbf16, #tpu.memory_space<vmem>>)
    %dma_start3A_48 = arith.constant 39 : i32
    %dma_start3A_49 = arith.constant 0 : i32
    %dma_start3A_50 = tpu.memref_slice %arg7[%dma_start3A_48, %dma_start3A_49] : memref<40x256xi32, #tpu.memory_space<vmem>> -> memref<1x256xi32, #tpu.memory_space<vmem>>
    %dma_start3A_51 = tpu.memref_squeeze %dma_start3A_50 : memref<1x256xi32, #tpu.memory_space<vmem>> -> memref<256xi32, #tpu.memory_space<vmem>>
    %dma_start3A_52 = arith.constant 0 : i32
    %dma_start3A_53 = arith.constant 0 : i32
    %dma_start3A_54 = tpu.memref_slice %arg11[%dma_start3A_52, %dma_start3A_53] : memref<10240x128xbf16, #tpu.memory_space<vmem_shared>> -> memref<10240x128xbf16, #tpu.memory_space<vmem_shared>>
    tpu.enqueue_indirect_dma source(%arg10 : memref<256x128xbf16, #tpu.memory_space<vmem>>) target(%dma_start3A_54 : memref<10240x128xbf16, #tpu.memory_space<vmem_shared>>) offsets(%dma_start3A_51 : memref<256xi32, #tpu.memory_space<vmem>>) semaphore(%arg15 : memref<!tpu.dma_semaphore, #tpu.memory_space<semaphore_mem>>) {add = true}
    %dma_wait3A_55 = arith.constant 39 : i32
    %dma_wait3A_56 = arith.constant 0 : i32
    %dma_wait3A_57 = tpu.memref_slice %arg7[%dma_wait3A_55, %dma_wait3A_56] : memref<40x256xi32, #tpu.memory_space<vmem>> -> memref<1x256xi32, #tpu.memory_space<vmem>>
    %dma_wait3A_58 = tpu.memref_squeeze %dma_wait3A_57 : memref<1x256xi32, #tpu.memory_space<vmem>> -> memref<256xi32, #tpu.memory_space<vmem>>
    %dma_wait3A_59 = arith.constant 0 : i32
    %dma_wait3A_60 = arith.constant 0 : i32
    %dma_wait3A_61 = tpu.memref_slice %arg11[%dma_wait3A_59, %dma_wait3A_60] : memref<10240x128xbf16, #tpu.memory_space<vmem_shared>> -> memref<10240x128xbf16, #tpu.memory_space<vmem_shared>>
    tpu.wait_indirect_dma semaphore(%arg15 : memref<!tpu.dma_semaphore, #tpu.memory_space<semaphore_mem>>) src(%arg10 : memref<256x128xbf16, #tpu.memory_space<vmem>>) dst(%dma_wait3A_61 : memref<10240x128xbf16, #tpu.memory_space<vmem_shared>>)
    %barrier3A_62 = arith.constant 0 : index
    tpu.barrier barrier_id(%barrier3A_62)
    %mul3A_63 = arith.constant 640 : i32
    %mul3A_64 = arith.muli %arg1, %mul3A_63 : i32
    %mul3A_65 = arith.constant 640 : i32
    %mul3A_66 = arith.muli %arg1, %mul3A_65 : i32
    "tpu.region"() ({
      %run_scoped3A = tpu.sem_alloc : memref<!tpu.dma_semaphore, #tpu.memory_space<semaphore_mem>>
      %dma_start3A_67 = arith.constant 0 : i32
      %dma_start3A_68 = tpu.memref_slice %arg6[%arg0, %mul3A_66, %dma_start3A_67] : memref<2x10240x128xbf16, #tpu.memory_space<hbm>> -> memref<1x640x128xbf16, #tpu.memory_space<hbm>>
      %dma_start3A_69 = tpu.memref_squeeze %dma_start3A_68 : memref<1x640x128xbf16, #tpu.memory_space<hbm>> -> memref<640x128xbf16, #tpu.memory_space<hbm>>
      %dma_start3A_70 = arith.constant 0 : i32
      %dma_start3A_71 = tpu.memref_slice %arg11[%mul3A_64, %dma_start3A_70] : memref<10240x128xbf16, #tpu.memory_space<vmem_shared>> -> memref<640x128xbf16, #tpu.memory_space<vmem_shared>>
      tpu.enqueue_dma source(%dma_start3A_71 : memref<640x128xbf16, #tpu.memory_space<vmem_shared>>) target(%dma_start3A_69 : memref<640x128xbf16, #tpu.memory_space<hbm>>) target_semaphore(%run_scoped3A : memref<!tpu.dma_semaphore, #tpu.memory_space<semaphore_mem>>)
      %dma_wait3A_72 = arith.constant 0 : i32
      %dma_wait3A_73 = tpu.memref_slice %arg6[%arg0, %mul3A_66, %dma_wait3A_72] : memref<2x10240x128xbf16, #tpu.memory_space<hbm>> -> memref<1x640x128xbf16, #tpu.memory_space<hbm>>
      %dma_wait3A_74 = tpu.memref_squeeze %dma_wait3A_73 : memref<1x640x128xbf16, #tpu.memory_space<hbm>> -> memref<640x128xbf16, #tpu.memory_space<hbm>>
      %dma_wait3A_75 = arith.constant 0 : i32
      %dma_wait3A_76 = tpu.memref_slice %arg11[%mul3A_64, %dma_wait3A_75] : memref<10240x128xbf16, #tpu.memory_space<vmem_shared>> -> memref<640x128xbf16, #tpu.memory_space<vmem_shared>>
      tpu.wait_dma2 semaphore(%run_scoped3A : memref<!tpu.dma_semaphore, #tpu.memory_space<semaphore_mem>>) src(%dma_wait3A_76 : memref<640x128xbf16, #tpu.memory_space<vmem_shared>>) dst(%dma_wait3A_74 : memref<640x128xbf16, #tpu.memory_space<hbm>>)
      tpu.yield
    }) : () -> ()
    return
  }
}

#map = affine_map<(d0, d1) -> (0, 0)>
#map1 = affine_map<(d0, d1) -> (0, 0, 0)>
module attributes {stable_mosaic.version = 14 : i64} {
  func.func @body(%arg0: i32, %arg1: i32, %arg2: memref<10000x128xbf16, #tpu.memory_space<hbm>>, %arg3: memref<32x40x256xi32, #tpu.memory_space<hbm>>, %arg4: memref<32x40x256xi32, #tpu.memory_space<hbm>>, %arg5: memref<640x128xbf16, #tpu.memory_space<hbm>>, %arg6: memref<2x10240x128xbf16, #tpu.memory_space<hbm>>, %arg7: memref<40x256xi32, #tpu.memory_space<vmem>>, %arg8: memref<40x256xi32, #tpu.memory_space<vmem>>, %arg9: memref<256x128xbf16, #tpu.memory_space<vmem>>, %arg10: memref<256x128xbf16, #tpu.memory_space<vmem>>, %arg11: memref<10240x128xbf16, #tpu.memory_space<vmem_shared>>, %arg12: memref<!tpu.dma_semaphore, #tpu.memory_space<semaphore_mem>>, %arg13: memref<!tpu.dma_semaphore, #tpu.memory_space<semaphore_mem>>, %arg14: memref<!tpu.dma_semaphore, #tpu.memory_space<semaphore_mem>>, %arg15: memref<!tpu.dma_semaphore, #tpu.memory_space<semaphore_mem>>) attributes {dimension_semantics = [#tpu.dimension_semantics<core_parallel>, #tpu.dimension_semantics<subcore_parallel>], iteration_bounds = array<i64: 2, 16>, scalar_prefetch = 0 : i64, scratch_operands = 9 : i64, tpu.core_type = #tpu.core_type<sc_vector_subcore>, window_params = [{transform_indices = #map}, {transform_indices = #map1}, {transform_indices = #map1}, {transform_indices = #map}, {transform_indices = #map1}]} {
    %mul3A = arith.constant 2 : i32
    %mul3A_0 = arith.muli %arg1, %mul3A : i32
    %add3A = arith.addi %mul3A_0, %arg0 : i32
    "tpu.region"() ({
      %run_scoped3A = tpu.sem_alloc : memref<!tpu.dma_semaphore, #tpu.memory_space<semaphore_mem>>
      %dma_start3A_67 = arith.constant 0 : i32
      %dma_start3A_68 = arith.constant 0 : i32
      %dma_start3A_69 = tpu.memref_slice %arg3[%add3A, %dma_start3A_67, %dma_start3A_68] : memref<32x40x256xi32, #tpu.memory_space<hbm>> -> memref<1x40x256xi32, #tpu.memory_space<hbm>>
      %dma_start3A_70 = tpu.memref_squeeze %dma_start3A_69 : memref<1x40x256xi32, #tpu.memory_space<hbm>> -> memref<40x256xi32, #tpu.memory_space<hbm>>
      %dma_start3A_71 = arith.constant 0 : i32
      %dma_start3A_72 = arith.constant 0 : i32
      %dma_start3A_73 = tpu.memref_slice %arg3[%add3A, %dma_start3A_71, %dma_start3A_72] : memref<32x40x256xi32, #tpu.memory_space<hbm>> -> memref<1x40x256xi32, #tpu.memory_space<hbm>>
      %dma_start3A_74 = tpu.memref_squeeze %dma_start3A_73 : memref<1x40x256xi32, #tpu.memory_space<hbm>> -> memref<40x256xi32, #tpu.memory_space<hbm>>
      tpu.enqueue_dma source(%dma_start3A_74 : memref<40x256xi32, #tpu.memory_space<hbm>>) target(%arg7 : memref<40x256xi32, #tpu.memory_space<vmem>>) target_semaphore(%run_scoped3A : memref<!tpu.dma_semaphore, #tpu.memory_space<semaphore_mem>>)
      %dma_wait3A_75 = arith.constant 0 : i32
      %dma_wait3A_76 = arith.constant 0 : i32
      %dma_wait3A_77 = tpu.memref_slice %arg3[%add3A, %dma_wait3A_75, %dma_wait3A_76] : memref<32x40x256xi32, #tpu.memory_space<hbm>> -> memref<1x40x256xi32, #tpu.memory_space<hbm>>
      %dma_wait3A_78 = tpu.memref_squeeze %dma_wait3A_77 : memref<1x40x256xi32, #tpu.memory_space<hbm>> -> memref<40x256xi32, #tpu.memory_space<hbm>>
      %dma_wait3A_79 = arith.constant 0 : i32
      %dma_wait3A_80 = arith.constant 0 : i32
      %dma_wait3A_81 = tpu.memref_slice %arg3[%add3A, %dma_wait3A_79, %dma_wait3A_80] : memref<32x40x256xi32, #tpu.memory_space<hbm>> -> memref<1x40x256xi32, #tpu.memory_space<hbm>>
      %dma_wait3A_82 = tpu.memref_squeeze %dma_wait3A_81 : memref<1x40x256xi32, #tpu.memory_space<hbm>> -> memref<40x256xi32, #tpu.memory_space<hbm>>
      tpu.wait_dma2 semaphore(%run_scoped3A : memref<!tpu.dma_semaphore, #tpu.memory_space<semaphore_mem>>) src(%dma_wait3A_82 : memref<40x256xi32, #tpu.memory_space<hbm>>) dst(%arg7 : memref<40x256xi32, #tpu.memory_space<vmem>>)
      tpu.yield
    }) : () -> ()
    "tpu.region"() ({
      %run_scoped3A = tpu.sem_alloc : memref<!tpu.dma_semaphore, #tpu.memory_space<semaphore_mem>>
      %dma_start3A_67 = arith.constant 0 : i32
      %dma_start3A_68 = arith.constant 0 : i32
      %dma_start3A_69 = tpu.memref_slice %arg4[%add3A, %dma_start3A_67, %dma_start3A_68] : memref<32x40x256xi32, #tpu.memory_space<hbm>> -> memref<1x40x256xi32, #tpu.memory_space<hbm>>
      %dma_start3A_70 = tpu.memref_squeeze %dma_start3A_69 : memref<1x40x256xi32, #tpu.memory_space<hbm>> -> memref<40x256xi32, #tpu.memory_space<hbm>>
      %dma_start3A_71 = arith.constant 0 : i32
      %dma_start3A_72 = arith.constant 0 : i32
      %dma_start3A_73 = tpu.memref_slice %arg4[%add3A, %dma_start3A_71, %dma_start3A_72] : memref<32x40x256xi32, #tpu.memory_space<hbm>> -> memref<1x40x256xi32, #tpu.memory_space<hbm>>
      %dma_start3A_74 = tpu.memref_squeeze %dma_start3A_73 : memref<1x40x256xi32, #tpu.memory_space<hbm>> -> memref<40x256xi32, #tpu.memory_space<hbm>>
      tpu.enqueue_dma source(%dma_start3A_74 : memref<40x256xi32, #tpu.memory_space<hbm>>) target(%arg8 : memref<40x256xi32, #tpu.memory_space<vmem>>) target_semaphore(%run_scoped3A : memref<!tpu.dma_semaphore, #tpu.memory_space<semaphore_mem>>)
      %dma_wait3A_75 = arith.constant 0 : i32
      %dma_wait3A_76 = arith.constant 0 : i32
      %dma_wait3A_77 = tpu.memref_slice %arg4[%add3A, %dma_wait3A_75, %dma_wait3A_76] : memref<32x40x256xi32, #tpu.memory_space<hbm>> -> memref<1x40x256xi32, #tpu.memory_space<hbm>>
      %dma_wait3A_78 = tpu.memref_squeeze %dma_wait3A_77 : memref<1x40x256xi32, #tpu.memory_space<hbm>> -> memref<40x256xi32, #tpu.memory_space<hbm>>
      %dma_wait3A_79 = arith.constant 0 : i32
      %dma_wait3A_80 = arith.constant 0 : i32
      %dma_wait3A_81 = tpu.memref_slice %arg4[%add3A, %dma_wait3A_79, %dma_wait3A_80] : memref<32x40x256xi32, #tpu.memory_space<hbm>> -> memref<1x40x256xi32, #tpu.memory_space<hbm>>
      %dma_wait3A_82 = tpu.memref_squeeze %dma_wait3A_81 : memref<1x40x256xi32, #tpu.memory_space<hbm>> -> memref<40x256xi32, #tpu.memory_space<hbm>>
      tpu.wait_dma2 semaphore(%run_scoped3A : memref<!tpu.dma_semaphore, #tpu.memory_space<semaphore_mem>>) src(%dma_wait3A_82 : memref<40x256xi32, #tpu.memory_space<hbm>>) dst(%arg8 : memref<40x256xi32, #tpu.memory_space<vmem>>)
      tpu.yield
    }) : () -> ()
    %mul3A_1 = arith.constant 640 : i32
    %mul3A_2 = arith.muli %arg1, %mul3A_1 : i32
    "tpu.region"() ({
      %run_scoped3A = tpu.sem_alloc : memref<!tpu.dma_semaphore, #tpu.memory_space<semaphore_mem>>
      %dma_start3A_67 = arith.constant 0 : i32
      %dma_start3A_68 = tpu.memref_slice %arg11[%mul3A_2, %dma_start3A_67] : memref<10240x128xbf16, #tpu.memory_space<vmem_shared>> -> memref<640x128xbf16, #tpu.memory_space<vmem_shared>>
      tpu.enqueue_dma source(%arg5 : memref<640x128xbf16, #tpu.memory_space<hbm>>) target(%dma_start3A_68 : memref<640x128xbf16, #tpu.memory_space<vmem_shared>>) target_semaphore(%run_scoped3A : memref<!tpu.dma_semaphore, #tpu.memory_space<semaphore_mem>>)
      %dma_wait3A_69 = arith.constant 0 : i32
      %dma_wait3A_70 = tpu.memref_slice %arg11[%mul3A_2, %dma_wait3A_69] : memref<10240x128xbf16, #tpu.memory_space<vmem_shared>> -> memref<640x128xbf16, #tpu.memory_space<vmem_shared>>
      tpu.wait_dma2 semaphore(%run_scoped3A : memref<!tpu.dma_semaphore, #tpu.memory_space<semaphore_mem>>) src(%arg5 : memref<640x128xbf16, #tpu.memory_space<hbm>>) dst(%dma_wait3A_70 : memref<640x128xbf16, #tpu.memory_space<vmem_shared>>)
      tpu.yield
    }) : () -> ()
    %barrier3A = arith.constant 0 : index
    tpu.barrier barrier_id(%barrier3A)
    %dma_start3A = arith.constant 0 : i32
    %dma_start3A_3 = arith.constant 0 : i32
    %dma_start3A_4 = tpu.memref_slice %arg8[%dma_start3A, %dma_start3A_3] : memref<40x256xi32, #tpu.memory_space<vmem>> -> memref<1x256xi32, #tpu.memory_space<vmem>>
    %dma_start3A_5 = tpu.memref_squeeze %dma_start3A_4 : memref<1x256xi32, #tpu.memory_space<vmem>> -> memref<256xi32, #tpu.memory_space<vmem>>
    %dma_start3A_6 = arith.constant 0 : i32
    %dma_start3A_7 = arith.constant 0 : i32
    %dma_start3A_8 = tpu.memref_slice %arg2[%dma_start3A_6, %dma_start3A_7] : memref<10000x128xbf16, #tpu.memory_space<hbm>> -> memref<10000x128xbf16, #tpu.memory_space<hbm>>
    tpu.enqueue_indirect_dma source(%dma_start3A_8 : memref<10000x128xbf16, #tpu.memory_space<hbm>>) target(%arg9 : memref<256x128xbf16, #tpu.memory_space<vmem>>) offsets(%dma_start3A_5 : memref<256xi32, #tpu.memory_space<vmem>>) semaphore(%arg12 : memref<!tpu.dma_semaphore, #tpu.memory_space<semaphore_mem>>)
    %dma_start3A_9 = arith.constant 1 : i32
    %dma_start3A_10 = arith.constant 0 : i32
    %dma_start3A_11 = tpu.memref_slice %arg8[%dma_start3A_9, %dma_start3A_10] : memref<40x256xi32, #tpu.memory_space<vmem>> -> memref<1x256xi32, #tpu.memory_space<vmem>>
    %dma_start3A_12 = tpu.memref_squeeze %dma_start3A_11 : memref<1x256xi32, #tpu.memory_space<vmem>> -> memref<256xi32, #tpu.memory_space<vmem>>
    %dma_start3A_13 = arith.constant 0 : i32
    %dma_start3A_14 = arith.constant 0 : i32
    %dma_start3A_15 = tpu.memref_slice %arg2[%dma_start3A_13, %dma_start3A_14] : memref<10000x128xbf16, #tpu.memory_space<hbm>> -> memref<10000x128xbf16, #tpu.memory_space<hbm>>
    tpu.enqueue_indirect_dma source(%dma_start3A_15 : memref<10000x128xbf16, #tpu.memory_space<hbm>>) target(%arg10 : memref<256x128xbf16, #tpu.memory_space<vmem>>) offsets(%dma_start3A_12 : memref<256xi32, #tpu.memory_space<vmem>>) semaphore(%arg13 : memref<!tpu.dma_semaphore, #tpu.memory_space<semaphore_mem>>)
    %scan3A = arith.constant 0 : i32
    %scan3A_16 = arith.constant 0 : i32
    %scan3A_17 = arith.constant 19 : i32
    %scan3A_18 = arith.addi %scan3A_16, %scan3A_17 : i32
    %scan3A_19 = arith.constant 1 : i32
    scf.for %scan3A_67 = %scan3A_16 to %scan3A_18 step %scan3A_19  : i32 {
      %mul3A_68 = arith.constant 2 : i32
      %mul3A_69 = arith.muli %scan3A_67, %mul3A_68 : i32
      %add3A_70 = arith.constant 0 : i32
      %add3A_71 = arith.addi %mul3A_69, %add3A_70 : i32
      %dma_wait3A_72 = arith.constant 0 : i32
      %dma_wait3A_73 = tpu.memref_slice %arg8[%add3A_71, %dma_wait3A_72] : memref<40x256xi32, #tpu.memory_space<vmem>> -> memref<1x256xi32, #tpu.memory_space<vmem>>
      %dma_wait3A_74 = tpu.memref_squeeze %dma_wait3A_73 : memref<1x256xi32, #tpu.memory_space<vmem>> -> memref<256xi32, #tpu.memory_space<vmem>>
      %dma_wait3A_75 = arith.constant 0 : i32
      %dma_wait3A_76 = arith.constant 0 : i32
      %dma_wait3A_77 = tpu.memref_slice %arg2[%dma_wait3A_75, %dma_wait3A_76] : memref<10000x128xbf16, #tpu.memory_space<hbm>> -> memref<10000x128xbf16, #tpu.memory_space<hbm>>
      tpu.wait_indirect_dma semaphore(%arg12 : memref<!tpu.dma_semaphore, #tpu.memory_space<semaphore_mem>>) src(%dma_wait3A_77 : memref<10000x128xbf16, #tpu.memory_space<hbm>>) dst(%arg9 : memref<256x128xbf16, #tpu.memory_space<vmem>>)
      %dma_start3A_78 = arith.constant 0 : i32
      %dma_start3A_79 = tpu.memref_slice %arg7[%add3A_71, %dma_start3A_78] : memref<40x256xi32, #tpu.memory_space<vmem>> -> memref<1x256xi32, #tpu.memory_space<vmem>>
      %dma_start3A_80 = tpu.memref_squeeze %dma_start3A_79 : memref<1x256xi32, #tpu.memory_space<vmem>> -> memref<256xi32, #tpu.memory_space<vmem>>
      %dma_start3A_81 = arith.constant 0 : i32
      %dma_start3A_82 = arith.constant 0 : i32
      %dma_start3A_83 = tpu.memref_slice %arg11[%dma_start3A_81, %dma_start3A_82] : memref<10240x128xbf16, #tpu.memory_space<vmem_shared>> -> memref<10240x128xbf16, #tpu.memory_space<vmem_shared>>
      tpu.enqueue_indirect_dma source(%arg9 : memref<256x128xbf16, #tpu.memory_space<vmem>>) target(%dma_start3A_83 : memref<10240x128xbf16, #tpu.memory_space<vmem_shared>>) offsets(%dma_start3A_80 : memref<256xi32, #tpu.memory_space<vmem>>) semaphore(%arg14 : memref<!tpu.dma_semaphore, #tpu.memory_space<semaphore_mem>>) {add = true}
      %dma_wait3A_84 = arith.constant 0 : i32
      %dma_wait3A_85 = tpu.memref_slice %arg7[%add3A_71, %dma_wait3A_84] : memref<40x256xi32, #tpu.memory_space<vmem>> -> memref<1x256xi32, #tpu.memory_space<vmem>>
      %dma_wait3A_86 = tpu.memref_squeeze %dma_wait3A_85 : memref<1x256xi32, #tpu.memory_space<vmem>> -> memref<256xi32, #tpu.memory_space<vmem>>
      %dma_wait3A_87 = arith.constant 0 : i32
      %dma_wait3A_88 = arith.constant 0 : i32
      %dma_wait3A_89 = tpu.memref_slice %arg11[%dma_wait3A_87, %dma_wait3A_88] : memref<10240x128xbf16, #tpu.memory_space<vmem_shared>> -> memref<10240x128xbf16, #tpu.memory_space<vmem_shared>>
      tpu.wait_indirect_dma semaphore(%arg14 : memref<!tpu.dma_semaphore, #tpu.memory_space<semaphore_mem>>) src(%arg9 : memref<256x128xbf16, #tpu.memory_space<vmem>>) dst(%dma_wait3A_89 : memref<10240x128xbf16, #tpu.memory_space<vmem_shared>>)
      %add3A_90 = arith.constant 2 : i32
      %add3A_91 = arith.addi %add3A_71, %add3A_90 : i32
      %dma_start3A_92 = arith.constant 0 : i32
      %dma_start3A_93 = tpu.memref_slice %arg8[%add3A_91, %dma_start3A_92] : memref<40x256xi32, #tpu.memory_space<vmem>> -> memref<1x256xi32, #tpu.memory_space<vmem>>
      %dma_start3A_94 = tpu.memref_squeeze %dma_start3A_93 : memref<1x256xi32, #tpu.memory_space<vmem>> -> memref<256xi32, #tpu.memory_space<vmem>>
      %dma_start3A_95 = arith.constant 0 : i32
      %dma_start3A_96 = arith.constant 0 : i32
      %dma_start3A_97 = tpu.memref_slice %arg2[%dma_start3A_95, %dma_start3A_96] : memref<10000x128xbf16, #tpu.memory_space<hbm>> -> memref<10000x128xbf16, #tpu.memory_space<hbm>>
      tpu.enqueue_indirect_dma source(%dma_start3A_97 : memref<10000x128xbf16, #tpu.memory_space<hbm>>) target(%arg9 : memref<256x128xbf16, #tpu.memory_space<vmem>>) offsets(%dma_start3A_94 : memref<256xi32, #tpu.memory_space<vmem>>) semaphore(%arg12 : memref<!tpu.dma_semaphore, #tpu.memory_space<semaphore_mem>>)
      %mul3A_98 = arith.constant 2 : i32
      %mul3A_99 = arith.muli %scan3A_67, %mul3A_98 : i32
      %add3A_100 = arith.constant 1 : i32
      %add3A_101 = arith.addi %mul3A_99, %add3A_100 : i32
      %dma_wait3A_102 = arith.constant 0 : i32
      %dma_wait3A_103 = tpu.memref_slice %arg8[%add3A_101, %dma_wait3A_102] : memref<40x256xi32, #tpu.memory_space<vmem>> -> memref<1x256xi32, #tpu.memory_space<vmem>>
      %dma_wait3A_104 = tpu.memref_squeeze %dma_wait3A_103 : memref<1x256xi32, #tpu.memory_space<vmem>> -> memref<256xi32, #tpu.memory_space<vmem>>
      %dma_wait3A_105 = arith.constant 0 : i32
      %dma_wait3A_106 = arith.constant 0 : i32
      %dma_wait3A_107 = tpu.memref_slice %arg2[%dma_wait3A_105, %dma_wait3A_106] : memref<10000x128xbf16, #tpu.memory_space<hbm>> -> memref<10000x128xbf16, #tpu.memory_space<hbm>>
      tpu.wait_indirect_dma semaphore(%arg13 : memref<!tpu.dma_semaphore, #tpu.memory_space<semaphore_mem>>) src(%dma_wait3A_107 : memref<10000x128xbf16, #tpu.memory_space<hbm>>) dst(%arg10 : memref<256x128xbf16, #tpu.memory_space<vmem>>)
      %dma_start3A_108 = arith.constant 0 : i32
      %dma_start3A_109 = tpu.memref_slice %arg7[%add3A_101, %dma_start3A_108] : memref<40x256xi32, #tpu.memory_space<vmem>> -> memref<1x256xi32, #tpu.memory_space<vmem>>
      %dma_start3A_110 = tpu.memref_squeeze %dma_start3A_109 : memref<1x256xi32, #tpu.memory_space<vmem>> -> memref<256xi32, #tpu.memory_space<vmem>>
      %dma_start3A_111 = arith.constant 0 : i32
      %dma_start3A_112 = arith.constant 0 : i32
      %dma_start3A_113 = tpu.memref_slice %arg11[%dma_start3A_111, %dma_start3A_112] : memref<10240x128xbf16, #tpu.memory_space<vmem_shared>> -> memref<10240x128xbf16, #tpu.memory_space<vmem_shared>>
      tpu.enqueue_indirect_dma source(%arg10 : memref<256x128xbf16, #tpu.memory_space<vmem>>) target(%dma_start3A_113 : memref<10240x128xbf16, #tpu.memory_space<vmem_shared>>) offsets(%dma_start3A_110 : memref<256xi32, #tpu.memory_space<vmem>>) semaphore(%arg15 : memref<!tpu.dma_semaphore, #tpu.memory_space<semaphore_mem>>) {add = true}
      %dma_wait3A_114 = arith.constant 0 : i32
      %dma_wait3A_115 = tpu.memref_slice %arg7[%add3A_101, %dma_wait3A_114] : memref<40x256xi32, #tpu.memory_space<vmem>> -> memref<1x256xi32, #tpu.memory_space<vmem>>
      %dma_wait3A_116 = tpu.memref_squeeze %dma_wait3A_115 : memref<1x256xi32, #tpu.memory_space<vmem>> -> memref<256xi32, #tpu.memory_space<vmem>>
      %dma_wait3A_117 = arith.constant 0 : i32
      %dma_wait3A_118 = arith.constant 0 : i32
      %dma_wait3A_119 = tpu.memref_slice %arg11[%dma_wait3A_117, %dma_wait3A_118] : memref<10240x128xbf16, #tpu.memory_space<vmem_shared>> -> memref<10240x128xbf16, #tpu.memory_space<vmem_shared>>
      tpu.wait_indirect_dma semaphore(%arg15 : memref<!tpu.dma_semaphore, #tpu.memory_space<semaphore_mem>>) src(%arg10 : memref<256x128xbf16, #tpu.memory_space<vmem>>) dst(%dma_wait3A_119 : memref<10240x128xbf16, #tpu.memory_space<vmem_shared>>)
      %add3A_120 = arith.constant 2 : i32
      %add3A_121 = arith.addi %add3A_101, %add3A_120 : i32
      %dma_start3A_122 = arith.constant 0 : i32
      %dma_start3A_123 = tpu.memref_slice %arg8[%add3A_121, %dma_start3A_122] : memref<40x256xi32, #tpu.memory_space<vmem>> -> memref<1x256xi32, #tpu.memory_space<vmem>>
      %dma_start3A_124 = tpu.memref_squeeze %dma_start3A_123 : memref<1x256xi32, #tpu.memory_space<vmem>> -> memref<256xi32, #tpu.memory_space<vmem>>
      %dma_start3A_125 = arith.constant 0 : i32
      %dma_start3A_126 = arith.constant 0 : i32
      %dma_start3A_127 = tpu.memref_slice %arg2[%dma_start3A_125, %dma_start3A_126] : memref<10000x128xbf16, #tpu.memory_space<hbm>> -> memref<10000x128xbf16, #tpu.memory_space<hbm>>
      tpu.enqueue_indirect_dma source(%dma_start3A_127 : memref<10000x128xbf16, #tpu.memory_space<hbm>>) target(%arg10 : memref<256x128xbf16, #tpu.memory_space<vmem>>) offsets(%dma_start3A_124 : memref<256xi32, #tpu.memory_space<vmem>>) semaphore(%arg13 : memref<!tpu.dma_semaphore, #tpu.memory_space<semaphore_mem>>)
    }
    %scan3A_20 = arith.constant 19 : i32
    %dma_wait3A = arith.constant 38 : i32
    %dma_wait3A_21 = arith.constant 0 : i32
    %dma_wait3A_22 = tpu.memref_slice %arg8[%dma_wait3A, %dma_wait3A_21] : memref<40x256xi32, #tpu.memory_space<vmem>> -> memref<1x256xi32, #tpu.memory_space<vmem>>
    %dma_wait3A_23 = tpu.memref_squeeze %dma_wait3A_22 : memref<1x256xi32, #tpu.memory_space<vmem>> -> memref<256xi32, #tpu.memory_space<vmem>>
    %dma_wait3A_24 = arith.constant 0 : i32
    %dma_wait3A_25 = arith.constant 0 : i32
    %dma_wait3A_26 = tpu.memref_slice %arg2[%dma_wait3A_24, %dma_wait3A_25] : memref<10000x128xbf16, #tpu.memory_space<hbm>> -> memref<10000x128xbf16, #tpu.memory_space<hbm>>
    tpu.wait_indirect_dma semaphore(%arg12 : memref<!tpu.dma_semaphore, #tpu.memory_space<semaphore_mem>>) src(%dma_wait3A_26 : memref<10000x128xbf16, #tpu.memory_space<hbm>>) dst(%arg9 : memref<256x128xbf16, #tpu.memory_space<vmem>>)
    %dma_start3A_27 = arith.constant 38 : i32
    %dma_start3A_28 = arith.constant 0 : i32
    %dma_start3A_29 = tpu.memref_slice %arg7[%dma_start3A_27, %dma_start3A_28] : memref<40x256xi32, #tpu.memory_space<vmem>> -> memref<1x256xi32, #tpu.memory_space<vmem>>
    %dma_start3A_30 = tpu.memref_squeeze %dma_start3A_29 : memref<1x256xi32, #tpu.memory_space<vmem>> -> memref<256xi32, #tpu.memory_space<vmem>>
    %dma_start3A_31 = arith.constant 0 : i32
    %dma_start3A_32 = arith.constant 0 : i32
    %dma_start3A_33 = tpu.memref_slice %arg11[%dma_start3A_31, %dma_start3A_32] : memref<10240x128xbf16, #tpu.memory_space<vmem_shared>> -> memref<10240x128xbf16, #tpu.memory_space<vmem_shared>>
    tpu.enqueue_indirect_dma source(%arg9 : memref<256x128xbf16, #tpu.memory_space<vmem>>) target(%dma_start3A_33 : memref<10240x128xbf16, #tpu.memory_space<vmem_shared>>) offsets(%dma_start3A_30 : memref<256xi32, #tpu.memory_space<vmem>>) semaphore(%arg14 : memref<!tpu.dma_semaphore, #tpu.memory_space<semaphore_mem>>) {add = true}
    %dma_wait3A_34 = arith.constant 38 : i32
    %dma_wait3A_35 = arith.constant 0 : i32
    %dma_wait3A_36 = tpu.memref_slice %arg7[%dma_wait3A_34, %dma_wait3A_35] : memref<40x256xi32, #tpu.memory_space<vmem>> -> memref<1x256xi32, #tpu.memory_space<vmem>>
    %dma_wait3A_37 = tpu.memref_squeeze %dma_wait3A_36 : memref<1x256xi32, #tpu.memory_space<vmem>> -> memref<256xi32, #tpu.memory_space<vmem>>
    %dma_wait3A_38 = arith.constant 0 : i32
    %dma_wait3A_39 = arith.constant 0 : i32
    %dma_wait3A_40 = tpu.memref_slice %arg11[%dma_wait3A_38, %dma_wait3A_39] : memref<10240x128xbf16, #tpu.memory_space<vmem_shared>> -> memref<10240x128xbf16, #tpu.memory_space<vmem_shared>>
    tpu.wait_indirect_dma semaphore(%arg14 : memref<!tpu.dma_semaphore, #tpu.memory_space<semaphore_mem>>) src(%arg9 : memref<256x128xbf16, #tpu.memory_space<vmem>>) dst(%dma_wait3A_40 : memref<10240x128xbf16, #tpu.memory_space<vmem_shared>>)
    %dma_wait3A_41 = arith.constant 39 : i32
    %dma_wait3A_42 = arith.constant 0 : i32
    %dma_wait3A_43 = tpu.memref_slice %arg8[%dma_wait3A_41, %dma_wait3A_42] : memref<40x256xi32, #tpu.memory_space<vmem>> -> memref<1x256xi32, #tpu.memory_space<vmem>>
    %dma_wait3A_44 = tpu.memref_squeeze %dma_wait3A_43 : memref<1x256xi32, #tpu.memory_space<vmem>> -> memref<256xi32, #tpu.memory_space<vmem>>
    %dma_wait3A_45 = arith.constant 0 : i32
    %dma_wait3A_46 = arith.constant 0 : i32
    %dma_wait3A_47 = tpu.memref_slice %arg2[%dma_wait3A_45, %dma_wait3A_46] : memref<10000x128xbf16, #tpu.memory_space<hbm>> -> memref<10000x128xbf16, #tpu.memory_space<hbm>>
    tpu.wait_indirect_dma semaphore(%arg13 : memref<!tpu.dma_semaphore, #tpu.memory_space<semaphore_mem>>) src(%dma_wait3A_47 : memref<10000x128xbf16, #tpu.memory_space<hbm>>) dst(%arg10 : memref<256x128xbf16, #tpu.memory_space<vmem>>)
    %dma_start3A_48 = arith.constant 39 : i32
    %dma_start3A_49 = arith.constant 0 : i32
    %dma_start3A_50 = tpu.memref_slice %arg7[%dma_start3A_48, %dma_start3A_49] : memref<40x256xi32, #tpu.memory_space<vmem>> -> memref<1x256xi32, #tpu.memory_space<vmem>>
    %dma_start3A_51 = tpu.memref_squeeze %dma_start3A_50 : memref<1x256xi32, #tpu.memory_space<vmem>> -> memref<256xi32, #tpu.memory_space<vmem>>
    %dma_start3A_52 = arith.constant 0 : i32
    %dma_start3A_53 = arith.constant 0 : i32
    %dma_start3A_54 = tpu.memref_slice %arg11[%dma_start3A_52, %dma_start3A_53] : memref<10240x128xbf16, #tpu.memory_space<vmem_shared>> -> memref<10240x128xbf16, #tpu.memory_space<vmem_shared>>
    tpu.enqueue_indirect_dma source(%arg10 : memref<256x128xbf16, #tpu.memory_space<vmem>>) target(%dma_start3A_54 : memref<10240x128xbf16, #tpu.memory_space<vmem_shared>>) offsets(%dma_start3A_51 : memref<256xi32, #tpu.memory_space<vmem>>) semaphore(%arg15 : memref<!tpu.dma_semaphore, #tpu.memory_space<semaphore_mem>>) {add = true}
    %dma_wait3A_55 = arith.constant 39 : i32
    %dma_wait3A_56 = arith.constant 0 : i32
    %dma_wait3A_57 = tpu.memref_slice %arg7[%dma_wait3A_55, %dma_wait3A_56] : memref<40x256xi32, #tpu.memory_space<vmem>> -> memref<1x256xi32, #tpu.memory_space<vmem>>
    %dma_wait3A_58 = tpu.memref_squeeze %dma_wait3A_57 : memref<1x256xi32, #tpu.memory_space<vmem>> -> memref<256xi32, #tpu.memory_space<vmem>>
    %dma_wait3A_59 = arith.constant 0 : i32
    %dma_wait3A_60 = arith.constant 0 : i32
    %dma_wait3A_61 = tpu.memref_slice %arg11[%dma_wait3A_59, %dma_wait3A_60] : memref<10240x128xbf16, #tpu.memory_space<vmem_shared>> -> memref<10240x128xbf16, #tpu.memory_space<vmem_shared>>
    tpu.wait_indirect_dma semaphore(%arg15 : memref<!tpu.dma_semaphore, #tpu.memory_space<semaphore_mem>>) src(%arg10 : memref<256x128xbf16, #tpu.memory_space<vmem>>) dst(%dma_wait3A_61 : memref<10240x128xbf16, #tpu.memory_space<vmem_shared>>)
    %barrier3A_62 = arith.constant 0 : index
    tpu.barrier barrier_id(%barrier3A_62)
    %mul3A_63 = arith.constant 640 : i32
    %mul3A_64 = arith.muli %arg1, %mul3A_63 : i32
    %mul3A_65 = arith.constant 640 : i32
    %mul3A_66 = arith.muli %arg1, %mul3A_65 : i32
    "tpu.region"() ({
      %run_scoped3A = tpu.sem_alloc : memref<!tpu.dma_semaphore, #tpu.memory_space<semaphore_mem>>
      %dma_start3A_67 = arith.constant 0 : i32
      %dma_start3A_68 = tpu.memref_slice %arg6[%arg0, %mul3A_66, %dma_start3A_67] : memref<2x10240x128xbf16, #tpu.memory_space<hbm>> -> memref<1x640x128xbf16, #tpu.memory_space<hbm>>
      %dma_start3A_69 = tpu.memref_squeeze %dma_start3A_68 : memref<1x640x128xbf16, #tpu.memory_space<hbm>> -> memref<640x128xbf16, #tpu.memory_space<hbm>>
      %dma_start3A_70 = arith.constant 0 : i32
      %dma_start3A_71 = tpu.memref_slice %arg11[%mul3A_64, %dma_start3A_70] : memref<10240x128xbf16, #tpu.memory_space<vmem_shared>> -> memref<640x128xbf16, #tpu.memory_space<vmem_shared>>
      tpu.enqueue_dma source(%dma_start3A_71 : memref<640x128xbf16, #tpu.memory_space<vmem_shared>>) target(%dma_start3A_69 : memref<640x128xbf16, #tpu.memory_space<hbm>>) target_semaphore(%run_scoped3A : memref<!tpu.dma_semaphore, #tpu.memory_space<semaphore_mem>>)
      %dma_wait3A_72 = arith.constant 0 : i32
      %dma_wait3A_73 = tpu.memref_slice %arg6[%arg0, %mul3A_66, %dma_wait3A_72] : memref<2x10240x128xbf16, #tpu.memory_space<hbm>> -> memref<1x640x128xbf16, #tpu.memory_space<hbm>>
      %dma_wait3A_74 = tpu.memref_squeeze %dma_wait3A_73 : memref<1x640x128xbf16, #tpu.memory_space<hbm>> -> memref<640x128xbf16, #tpu.memory_space<hbm>>
      %dma_wait3A_75 = arith.constant 0 : i32
      %dma_wait3A_76 = tpu.memref_slice %arg11[%mul3A_64, %dma_wait3A_75] : memref<10240x128xbf16, #tpu.memory_space<vmem_shared>> -> memref<640x128xbf16, #tpu.memory_space<vmem_shared>>
      tpu.wait_dma2 semaphore(%run_scoped3A : memref<!tpu.dma_semaphore, #tpu.memory_space<semaphore_mem>>) src(%dma_wait3A_76 : memref<640x128xbf16, #tpu.memory_space<vmem_shared>>) dst(%dma_wait3A_74 : memref<640x128xbf16, #tpu.memory_space<hbm>>)
      tpu.yield
    }) : () -> ()
    return
  }
}

module attributes {stable_mosaic.version = 14 : i64} {
  func.func @_pre_body(%arg0: i32, %arg1: memref<2000x128xf32, #tpu.memory_space<vmem>>, %arg2: memref<1x128xf32, #tpu.memory_space<vmem>>, %arg3: memref<128x128xf32, #tpu.memory_space<vmem>>, %arg4: memref<1x128xf32, #tpu.memory_space<vmem>>, %arg5: memref<1x128xf32, #tpu.memory_space<vmem>>, %arg6: memref<1x128xf32, #tpu.memory_space<vmem>>, %arg7: memref<128x128xf32, #tpu.memory_space<vmem>>, %arg8: memref<128x128xf32, #tpu.memory_space<vmem>>, %arg9: memref<1x128xf32, #tpu.memory_space<vmem>>, %arg10: memref<1x128xf32, #tpu.memory_space<vmem>>, %arg11: memref<1x128xf32, #tpu.memory_space<vmem>>, %arg12: memref<128x128xf32, #tpu.memory_space<vmem>>, %arg13: memref<1x128xf32, #tpu.memory_space<vmem>>, %arg14: memref<128x128xf32, #tpu.memory_space<vmem>>, %arg15: memref<1x128xf32, #tpu.memory_space<vmem>>, %arg16: memref<2000x128xf32, #tpu.memory_space<vmem>>) attributes {dimension_semantics = [#tpu.dimension_semantics<arbitrary>], iteration_bounds = array<i64: 5>, scalar_prefetch = 0 : i64, scratch_operands = 0 : i64, tpu.core_type = #tpu.core_type<tc>, window_params = [{transform_indices = @transform_0, window_bounds = array<i64: 2000, 128>}, {pipeline_mode = #tpu.pipeline_mode<synchronous>, transform_indices = @transform_1, window_bounds = array<i64: 1, 128>}, {pipeline_mode = #tpu.pipeline_mode<synchronous>, transform_indices = @transform_2, window_bounds = array<i64: 128, 128>}, {pipeline_mode = #tpu.pipeline_mode<synchronous>, transform_indices = @transform_3, window_bounds = array<i64: 1, 128>}, {pipeline_mode = #tpu.pipeline_mode<synchronous>, transform_indices = @transform_4, window_bounds = array<i64: 1, 128>}, {pipeline_mode = #tpu.pipeline_mode<synchronous>, transform_indices = @transform_5, window_bounds = array<i64: 1, 128>}, {pipeline_mode = #tpu.pipeline_mode<synchronous>, transform_indices = @transform_6, window_bounds = array<i64: 128, 128>}, {pipeline_mode = #tpu.pipeline_mode<synchronous>, transform_indices = @transform_7, window_bounds = array<i64: 128, 128>}, {pipeline_mode = #tpu.pipeline_mode<synchronous>, transform_indices = @transform_8, window_bounds = array<i64: 1, 128>}, {pipeline_mode = #tpu.pipeline_mode<synchronous>, transform_indices = @transform_9, window_bounds = array<i64: 1, 128>}, {pipeline_mode = #tpu.pipeline_mode<synchronous>, transform_indices = @transform_10, window_bounds = array<i64: 1, 128>}, {pipeline_mode = #tpu.pipeline_mode<synchronous>, transform_indices = @transform_11, window_bounds = array<i64: 128, 128>}, {pipeline_mode = #tpu.pipeline_mode<synchronous>, transform_indices = @transform_12, window_bounds = array<i64: 1, 128>}, {pipeline_mode = #tpu.pipeline_mode<synchronous>, transform_indices = @transform_13, window_bounds = array<i64: 128, 128>}, {pipeline_mode = #tpu.pipeline_mode<synchronous>, transform_indices = @transform_14, window_bounds = array<i64: 1, 128>}, {transform_indices = @transform_15, window_bounds = array<i64: 2000, 128>}]} {
    %get3A = arith.constant 0 : index
    %get3A_0 = arith.constant 0 : index
    %get3A_1 = vector.load %arg2[%get3A, %get3A_0] : memref<1x128xf32, #tpu.memory_space<vmem>>, vector<1x128xf32>
    %get3A_2 = arith.constant 0 : index
    %get3A_3 = arith.constant 0 : index
    %get3A_4 = vector.load %arg3[%get3A_2, %get3A_3] : memref<128x128xf32, #tpu.memory_space<vmem>>, vector<128x128xf32>
    %dot_general3A = arith.constant dense<0.000000e+00> : vector<1x128xf32>
    %dot_general3A_5 = tpu.matmul %get3A_1, %get3A_4, %dot_general3A {dimension_numbers = #tpu.dot_dimension_numbers<[1], [1], [0], [0], [0, 0, 1, 0], [], []>, transpose_lhs_hint = false} : vector<1x128xf32>, vector<128x128xf32>, vector<1x128xf32> -> vector<1x128xf32>
    %get3A_6 = arith.constant 0 : index
    %get3A_7 = arith.constant 0 : index
    %get3A_8 = vector.load %arg4[%get3A_6, %get3A_7] : memref<1x128xf32, #tpu.memory_space<vmem>>, vector<1x128xf32>
    %add3A = arith.addf %dot_general3A_5, %get3A_8 : vector<1x128xf32>
    %get3A_9 = arith.constant 0 : index
    %get3A_10 = arith.constant 0 : index
    %get3A_11 = vector.load %arg5[%get3A_9, %get3A_10] : memref<1x128xf32, #tpu.memory_space<vmem>>, vector<1x128xf32>
    %get3A_12 = arith.constant 0 : index
    %get3A_13 = arith.constant 0 : index
    %get3A_14 = vector.load %arg6[%get3A_12, %get3A_13] : memref<1x128xf32, #tpu.memory_space<vmem>>, vector<1x128xf32>
    %reduce_sum3A = arith.constant dense<0.000000e+00> : vector<1xf32>
    %reduce_sum3A_15 = vector.multi_reduction <add>, %add3A, %reduce_sum3A [1] : vector<1x128xf32> to vector<1xf32>
    %broadcast_in_dim3A = vector.shape_cast %reduce_sum3A_15 : vector<1xf32> to vector<1x1xf32>
    %div3A = arith.constant 1.280000e+02 : f32
    %div3A_16 = vector.broadcast %div3A : f32 to vector<1x1xf32>
    %div3A_17 = arith.divf %broadcast_in_dim3A, %div3A_16 : vector<1x1xf32>
    %sub3A = vector.broadcast %div3A_17 : vector<1x1xf32> to vector<1x128xf32>
    %sub3A_18 = arith.subf %add3A, %sub3A : vector<1x128xf32>
    %integer_pow3A = arith.mulf %sub3A_18, %sub3A_18 : vector<1x128xf32>
    %reduce_sum3A_19 = arith.constant dense<0.000000e+00> : vector<1xf32>
    %reduce_sum3A_20 = vector.multi_reduction <add>, %integer_pow3A, %reduce_sum3A_19 [1] : vector<1x128xf32> to vector<1xf32>
    %broadcast_in_dim3A_21 = vector.shape_cast %reduce_sum3A_20 : vector<1xf32> to vector<1x1xf32>
    %div3A_22 = arith.constant 1.280000e+02 : f32
    %div3A_23 = vector.broadcast %div3A_22 : f32 to vector<1x1xf32>
    %div3A_24 = arith.divf %broadcast_in_dim3A_21, %div3A_23 : vector<1x1xf32>
    %sub3A_25 = vector.broadcast %div3A_17 : vector<1x1xf32> to vector<1x128xf32>
    %sub3A_26 = arith.subf %add3A, %sub3A_25 : vector<1x128xf32>
    %add3A_27 = arith.constant 9.99999974E-6 : f32
    %add3A_28 = vector.broadcast %add3A_27 : f32 to vector<1x1xf32>
    %add3A_29 = arith.addf %div3A_24, %add3A_28 : vector<1x1xf32>
    %rsqrt3A = math.rsqrt %add3A_29 : vector<1x1xf32>
    %mul3A = vector.broadcast %rsqrt3A : vector<1x1xf32> to vector<1x128xf32>
    %mul3A_30 = arith.mulf %sub3A_26, %mul3A : vector<1x128xf32>
    %mul3A_31 = arith.mulf %mul3A_30, %get3A_11 : vector<1x128xf32>
    %add3A_32 = arith.addf %mul3A_31, %get3A_14 : vector<1x128xf32>
    %max3A = arith.constant 0.000000e+00 : f32
    %max3A_33 = vector.broadcast %max3A : f32 to vector<1x128xf32>
    %max3A_34 = arith.maximumf %add3A_32, %max3A_33 : vector<1x128xf32>
    %get3A_35 = arith.constant 0 : index
    %get3A_36 = arith.constant 0 : index
    %get3A_37 = vector.load %arg1[%get3A_35, %get3A_36] : memref<2000x128xf32, #tpu.memory_space<vmem>>, vector<2000x128xf32>
    %get3A_38 = arith.constant 0 : index
    %get3A_39 = arith.constant 0 : index
    %get3A_40 = vector.load %arg7[%get3A_38, %get3A_39] : memref<128x128xf32, #tpu.memory_space<vmem>>, vector<128x128xf32>
    %dot_general3A_41 = arith.constant dense<0.000000e+00> : vector<2000x128xf32>
    %dot_general3A_42 = tpu.matmul %get3A_37, %get3A_40, %dot_general3A_41 {dimension_numbers = #tpu.dot_dimension_numbers<[1], [1], [0], [0], [0, 0, 1, 0], [], []>, transpose_lhs_hint = false} : vector<2000x128xf32>, vector<128x128xf32>, vector<2000x128xf32> -> vector<2000x128xf32>
    %get3A_43 = arith.constant 0 : index
    %get3A_44 = arith.constant 0 : index
    %get3A_45 = vector.load %arg8[%get3A_43, %get3A_44] : memref<128x128xf32, #tpu.memory_space<vmem>>, vector<128x128xf32>
    %dot_general3A_46 = arith.constant dense<0.000000e+00> : vector<1x128xf32>
    %dot_general3A_47 = tpu.matmul %max3A_34, %get3A_45, %dot_general3A_46 {dimension_numbers = #tpu.dot_dimension_numbers<[1], [1], [0], [0], [0, 0, 1, 0], [], []>, transpose_lhs_hint = false} : vector<1x128xf32>, vector<128x128xf32>, vector<1x128xf32> -> vector<1x128xf32>
    %add3A_48 = vector.broadcast %dot_general3A_47 : vector<1x128xf32> to vector<2000x128xf32>
    %add3A_49 = arith.addf %dot_general3A_42, %add3A_48 : vector<2000x128xf32>
    %get3A_50 = arith.constant 0 : index
    %get3A_51 = arith.constant 0 : index
    %get3A_52 = vector.load %arg9[%get3A_50, %get3A_51] : memref<1x128xf32, #tpu.memory_space<vmem>>, vector<1x128xf32>
    %add3A_53 = vector.broadcast %get3A_52 : vector<1x128xf32> to vector<2000x128xf32>
    %add3A_54 = arith.addf %add3A_49, %add3A_53 : vector<2000x128xf32>
    %get3A_55 = arith.constant 0 : index
    %get3A_56 = arith.constant 0 : index
    %get3A_57 = vector.load %arg10[%get3A_55, %get3A_56] : memref<1x128xf32, #tpu.memory_space<vmem>>, vector<1x128xf32>
    %get3A_58 = arith.constant 0 : index
    %get3A_59 = arith.constant 0 : index
    %get3A_60 = vector.load %arg11[%get3A_58, %get3A_59] : memref<1x128xf32, #tpu.memory_space<vmem>>, vector<1x128xf32>
    %reduce_sum3A_61 = arith.constant dense<0.000000e+00> : vector<2000xf32>
    %reduce_sum3A_62 = vector.multi_reduction <add>, %add3A_54, %reduce_sum3A_61 [1] : vector<2000x128xf32> to vector<2000xf32>
    %broadcast_in_dim3A_63 = vector.shape_cast %reduce_sum3A_62 : vector<2000xf32> to vector<2000x1xf32>
    %div3A_64 = arith.constant 1.280000e+02 : f32
    %div3A_65 = vector.broadcast %div3A_64 : f32 to vector<2000x1xf32>
    %div3A_66 = arith.divf %broadcast_in_dim3A_63, %div3A_65 : vector<2000x1xf32>
    %sub3A_67 = vector.broadcast %div3A_66 : vector<2000x1xf32> to vector<2000x128xf32>
    %sub3A_68 = arith.subf %add3A_54, %sub3A_67 : vector<2000x128xf32>
    %integer_pow3A_69 = arith.mulf %sub3A_68, %sub3A_68 : vector<2000x128xf32>
    %reduce_sum3A_70 = arith.constant dense<0.000000e+00> : vector<2000xf32>
    %reduce_sum3A_71 = vector.multi_reduction <add>, %integer_pow3A_69, %reduce_sum3A_70 [1] : vector<2000x128xf32> to vector<2000xf32>
    %broadcast_in_dim3A_72 = vector.shape_cast %reduce_sum3A_71 : vector<2000xf32> to vector<2000x1xf32>
    %div3A_73 = arith.constant 1.280000e+02 : f32
    %div3A_74 = vector.broadcast %div3A_73 : f32 to vector<2000x1xf32>
    %div3A_75 = arith.divf %broadcast_in_dim3A_72, %div3A_74 : vector<2000x1xf32>
    %sub3A_76 = vector.broadcast %div3A_66 : vector<2000x1xf32> to vector<2000x128xf32>
    %sub3A_77 = arith.subf %add3A_54, %sub3A_76 : vector<2000x128xf32>
    %add3A_78 = arith.constant 9.99999974E-6 : f32
    %add3A_79 = vector.broadcast %add3A_78 : f32 to vector<2000x1xf32>
    %add3A_80 = arith.addf %div3A_75, %add3A_79 : vector<2000x1xf32>
    %rsqrt3A_81 = math.rsqrt %add3A_80 : vector<2000x1xf32>
    %mul3A_82 = vector.broadcast %rsqrt3A_81 : vector<2000x1xf32> to vector<2000x128xf32>
    %mul3A_83 = arith.mulf %sub3A_77, %mul3A_82 : vector<2000x128xf32>
    %mul3A_84 = vector.broadcast %get3A_57 : vector<1x128xf32> to vector<2000x128xf32>
    %mul3A_85 = arith.mulf %mul3A_83, %mul3A_84 : vector<2000x128xf32>
    %add3A_86 = vector.broadcast %get3A_60 : vector<1x128xf32> to vector<2000x128xf32>
    %add3A_87 = arith.addf %mul3A_85, %add3A_86 : vector<2000x128xf32>
    %max3A_88 = arith.constant 0.000000e+00 : f32
    %max3A_89 = vector.broadcast %max3A_88 : f32 to vector<2000x128xf32>
    %max3A_90 = arith.maximumf %add3A_87, %max3A_89 : vector<2000x128xf32>
    %get3A_91 = arith.constant 0 : index
    %get3A_92 = arith.constant 0 : index
    %get3A_93 = vector.load %arg12[%get3A_91, %get3A_92] : memref<128x128xf32, #tpu.memory_space<vmem>>, vector<128x128xf32>
    %dot_general3A_94 = arith.constant dense<0.000000e+00> : vector<1x128xf32>
    %dot_general3A_95 = tpu.matmul %max3A_34, %get3A_93, %dot_general3A_94 {dimension_numbers = #tpu.dot_dimension_numbers<[1], [1], [0], [0], [0, 0, 1, 0], [], []>, transpose_lhs_hint = false} : vector<1x128xf32>, vector<128x128xf32>, vector<1x128xf32> -> vector<1x128xf32>
    %get3A_96 = arith.constant 0 : index
    %get3A_97 = arith.constant 0 : index
    %get3A_98 = vector.load %arg13[%get3A_96, %get3A_97] : memref<1x128xf32, #tpu.memory_space<vmem>>, vector<1x128xf32>
    %add3A_99 = arith.addf %dot_general3A_95, %get3A_98 : vector<1x128xf32>
    %get3A_100 = arith.constant 0 : index
    %get3A_101 = arith.constant 0 : index
    %get3A_102 = vector.load %arg14[%get3A_100, %get3A_101] : memref<128x128xf32, #tpu.memory_space<vmem>>, vector<128x128xf32>
    %dot_general3A_103 = arith.constant dense<0.000000e+00> : vector<1x128xf32>
    %dot_general3A_104 = tpu.matmul %add3A_99, %get3A_102, %dot_general3A_103 {dimension_numbers = #tpu.dot_dimension_numbers<[1], [1], [0], [0], [0, 0, 1, 0], [], []>, transpose_lhs_hint = false} : vector<1x128xf32>, vector<128x128xf32>, vector<1x128xf32> -> vector<1x128xf32>
    %get3A_105 = arith.constant 0 : index
    %get3A_106 = arith.constant 0 : index
    %get3A_107 = vector.load %arg15[%get3A_105, %get3A_106] : memref<1x128xf32, #tpu.memory_space<vmem>>, vector<1x128xf32>
    %add3A_108 = arith.addf %dot_general3A_104, %get3A_107 : vector<1x128xf32>
    %add3A_109 = vector.broadcast %add3A_108 : vector<1x128xf32> to vector<2000x128xf32>
    %add3A_110 = arith.addf %max3A_90, %add3A_109 : vector<2000x128xf32>
    %swap3A = arith.constant 0 : index
    %swap3A_111 = arith.constant 0 : index
    %swap3A_112 = vector.load %arg16[%swap3A, %swap3A_111] : memref<2000x128xf32, #tpu.memory_space<vmem>>, vector<2000x128xf32>
    tpu.vector_store %arg16[%swap3A, %swap3A_111], %add3A_110 {strides = array<i32>} : memref<2000x128xf32, #tpu.memory_space<vmem>>, vector<2000x128xf32>,
    return
  }
  func.func @transform_0(%arg0: i32) -> (i32, i32) {
    %c0_i32 = arith.constant 0 : i32
    %c0_i32_0 = arith.constant 0 : i32
    return %arg0, %c0_i32 : i32, i32
  }
  func.func @transform_1(%arg0: i32) -> (i32, i32) {
    %c0_i32 = arith.constant 0 : i32
    %c0_i32_0 = arith.constant 0 : i32
    %c0_i32_1 = arith.constant 0 : i32
    return %c0_i32, %c0_i32_0 : i32, i32
  }
  func.func @transform_2(%arg0: i32) -> (i32, i32) {
    %c0_i32 = arith.constant 0 : i32
    %c0_i32_0 = arith.constant 0 : i32
    %c0_i32_1 = arith.constant 0 : i32
    return %c0_i32, %c0_i32_0 : i32, i32
  }
  func.func @transform_3(%arg0: i32) -> (i32, i32) {
    %c0_i32 = arith.constant 0 : i32
    %c0_i32_0 = arith.constant 0 : i32
    %c0_i32_1 = arith.constant 0 : i32
    return %c0_i32, %c0_i32_0 : i32, i32
  }
  func.func @transform_4(%arg0: i32) -> (i32, i32) {
    %c0_i32 = arith.constant 0 : i32
    %c0_i32_0 = arith.constant 0 : i32
    %c0_i32_1 = arith.constant 0 : i32
    return %c0_i32, %c0_i32_0 : i32, i32
  }
  func.func @transform_5(%arg0: i32) -> (i32, i32) {
    %c0_i32 = arith.constant 0 : i32
    %c0_i32_0 = arith.constant 0 : i32
    %c0_i32_1 = arith.constant 0 : i32
    return %c0_i32, %c0_i32_0 : i32, i32
  }
  func.func @transform_6(%arg0: i32) -> (i32, i32) {
    %c0_i32 = arith.constant 0 : i32
    %c0_i32_0 = arith.constant 0 : i32
    %c0_i32_1 = arith.constant 0 : i32
    return %c0_i32, %c0_i32_0 : i32, i32
  }
  func.func @transform_7(%arg0: i32) -> (i32, i32) {
    %c0_i32 = arith.constant 0 : i32
    %c0_i32_0 = arith.constant 0 : i32
    %c0_i32_1 = arith.constant 0 : i32
    return %c0_i32, %c0_i32_0 : i32, i32
  }
  func.func @transform_8(%arg0: i32) -> (i32, i32) {
    %c0_i32 = arith.constant 0 : i32
    %c0_i32_0 = arith.constant 0 : i32
    %c0_i32_1 = arith.constant 0 : i32
    return %c0_i32, %c0_i32_0 : i32, i32
  }
  func.func @transform_9(%arg0: i32) -> (i32, i32) {
    %c0_i32 = arith.constant 0 : i32
    %c0_i32_0 = arith.constant 0 : i32
    %c0_i32_1 = arith.constant 0 : i32
    return %c0_i32, %c0_i32_0 : i32, i32
  }
  func.func @transform_10(%arg0: i32) -> (i32, i32) {
    %c0_i32 = arith.constant 0 : i32
    %c0_i32_0 = arith.constant 0 : i32
    %c0_i32_1 = arith.constant 0 : i32
    return %c0_i32, %c0_i32_0 : i32, i32
  }
  func.func @transform_11(%arg0: i32) -> (i32, i32) {
    %c0_i32 = arith.constant 0 : i32
    %c0_i32_0 = arith.constant 0 : i32
    %c0_i32_1 = arith.constant 0 : i32
    return %c0_i32, %c0_i32_0 : i32, i32
  }
  func.func @transform_12(%arg0: i32) -> (i32, i32) {
    %c0_i32 = arith.constant 0 : i32
    %c0_i32_0 = arith.constant 0 : i32
    %c0_i32_1 = arith.constant 0 : i32
    return %c0_i32, %c0_i32_0 : i32, i32
  }
  func.func @transform_13(%arg0: i32) -> (i32, i32) {
    %c0_i32 = arith.constant 0 : i32
    %c0_i32_0 = arith.constant 0 : i32
    %c0_i32_1 = arith.constant 0 : i32
    return %c0_i32, %c0_i32_0 : i32, i32
  }
  func.func @transform_14(%arg0: i32) -> (i32, i32) {
    %c0_i32 = arith.constant 0 : i32
    %c0_i32_0 = arith.constant 0 : i32
    %c0_i32_1 = arith.constant 0 : i32
    return %c0_i32, %c0_i32_0 : i32, i32
  }
  func.func @transform_15(%arg0: i32) -> (i32, i32) {
    %c0_i32 = arith.constant 0 : i32
    %c0_i32_0 = arith.constant 0 : i32
    return %arg0, %c0_i32 : i32, i32
  }
}

module attributes {stable_mosaic.version = 14 : i64} {
  func.func @_layer_body(%arg0: i32, %arg1: memref<2000x128xf32, #tpu.memory_space<vmem>>, %arg2: memref<2x2000x128xbf16, #tpu.memory_space<vmem>>, %arg3: memref<2x2000x16xf32, #tpu.memory_space<vmem>>, %arg4: memref<128x128xf32, #tpu.memory_space<vmem>>, %arg5: memref<128x128xf32, #tpu.memory_space<vmem>>, %arg6: memref<1x128xf32, #tpu.memory_space<vmem>>, %arg7: memref<1x128xf32, #tpu.memory_space<vmem>>, %arg8: memref<1x128xf32, #tpu.memory_space<vmem>>, %arg9: memref<2000x128xf32, #tpu.memory_space<vmem>>) attributes {dimension_semantics = [#tpu.dimension_semantics<arbitrary>], iteration_bounds = array<i64: 5>, scalar_prefetch = 0 : i64, scratch_operands = 0 : i64, tpu.core_type = #tpu.core_type<tc>, window_params = [{transform_indices = @transform_0, window_bounds = array<i64: 2000, 128>}, {transform_indices = @transform_1, window_bounds = array<i64: 2, 2000, 128>}, {transform_indices = @transform_2, window_bounds = array<i64: 2, 2000, 16>}, {pipeline_mode = #tpu.pipeline_mode<synchronous>, transform_indices = @transform_3, window_bounds = array<i64: 128, 128>}, {pipeline_mode = #tpu.pipeline_mode<synchronous>, transform_indices = @transform_4, window_bounds = array<i64: 128, 128>}, {pipeline_mode = #tpu.pipeline_mode<synchronous>, transform_indices = @transform_5, window_bounds = array<i64: 1, 128>}, {pipeline_mode = #tpu.pipeline_mode<synchronous>, transform_indices = @transform_6, window_bounds = array<i64: 1, 128>}, {pipeline_mode = #tpu.pipeline_mode<synchronous>, transform_indices = @transform_7, window_bounds = array<i64: 1, 128>}, {transform_indices = @transform_8, window_bounds = array<i64: 2000, 128>}]} {
    %get3A = arith.constant 0 : index
    %get3A_0 = arith.constant 0 : index
    %get3A_1 = vector.load %arg1[%get3A, %get3A_0] : memref<2000x128xf32, #tpu.memory_space<vmem>>, vector<2000x128xf32>
    %get3A_2 = arith.constant 0 : index
    %get3A_3 = arith.constant 0 : index
    %get3A_4 = arith.constant 0 : index
    %get3A_5 = vector.load %arg2[%get3A_2, %get3A_3, %get3A_4] : memref<2x2000x128xbf16, #tpu.memory_space<vmem>>, vector<1x2000x128xbf16>
    %get3A_6 = vector.shape_cast %get3A_5 : vector<1x2000x128xbf16> to vector<2000x128xbf16>
    %convert_element_type3A = arith.extf %get3A_6 : vector<2000x128xbf16> to vector<2000x128xf32>
    %get3A_7 = arith.constant 1 : index
    %get3A_8 = arith.constant 0 : index
    %get3A_9 = arith.constant 0 : index
    %get3A_10 = vector.load %arg2[%get3A_7, %get3A_8, %get3A_9] : memref<2x2000x128xbf16, #tpu.memory_space<vmem>>, vector<1x2000x128xbf16>
    %get3A_11 = vector.shape_cast %get3A_10 : vector<1x2000x128xbf16> to vector<2000x128xbf16>
    %convert_element_type3A_12 = arith.extf %get3A_11 : vector<2000x128xbf16> to vector<2000x128xf32>
    %add3A = arith.addf %convert_element_type3A, %convert_element_type3A_12 : vector<2000x128xf32>
    %get3A_13 = arith.constant 0 : index
    %get3A_14 = arith.constant 0 : index
    %get3A_15 = arith.constant 0 : index
    %get3A_16 = vector.load %arg3[%get3A_13, %get3A_14, %get3A_15] : memref<2x2000x16xf32, #tpu.memory_space<vmem>>, vector<1x2000x1xf32>
    %get3A_17 = vector.shape_cast %get3A_16 : vector<1x2000x1xf32> to vector<2000x1xf32>
    %get3A_18 = arith.constant 1 : index
    %get3A_19 = arith.constant 0 : index
    %get3A_20 = arith.constant 0 : index
    %get3A_21 = vector.load %arg3[%get3A_18, %get3A_19, %get3A_20] : memref<2x2000x16xf32, #tpu.memory_space<vmem>>, vector<1x2000x1xf32>
    %get3A_22 = vector.shape_cast %get3A_21 : vector<1x2000x1xf32> to vector<2000x1xf32>
    %add3A_23 = arith.addf %get3A_17, %get3A_22 : vector<2000x1xf32>
    %max3A = arith.constant 1.000000e+00 : f32
    %max3A_24 = vector.broadcast %max3A : f32 to vector<2000x1xf32>
    %max3A_25 = arith.maximumf %add3A_23, %max3A_24 : vector<2000x1xf32>
    %div3A = arith.constant 1.000000e+00 : f32
    %div3A_26 = vector.broadcast %div3A : f32 to vector<2000x1xf32>
    %div3A_27 = arith.divf %div3A_26, %max3A_25 : vector<2000x1xf32>
    %get3A_28 = arith.constant 0 : index
    %get3A_29 = arith.constant 0 : index
    %get3A_30 = vector.load %arg4[%get3A_28, %get3A_29] : memref<128x128xf32, #tpu.memory_space<vmem>>, vector<128x128xf32>
    %dot_general3A = arith.constant dense<0.000000e+00> : vector<2000x128xf32>
    %dot_general3A_31 = tpu.matmul %get3A_1, %get3A_30, %dot_general3A {dimension_numbers = #tpu.dot_dimension_numbers<[1], [1], [0], [0], [0, 0, 1, 0], [], []>, transpose_lhs_hint = false} : vector<2000x128xf32>, vector<128x128xf32>, vector<2000x128xf32> -> vector<2000x128xf32>
    %mul3A = vector.broadcast %div3A_27 : vector<2000x1xf32> to vector<2000x128xf32>
    %mul3A_32 = arith.mulf %add3A, %mul3A : vector<2000x128xf32>
    %get3A_33 = arith.constant 0 : index
    %get3A_34 = arith.constant 0 : index
    %get3A_35 = vector.load %arg5[%get3A_33, %get3A_34] : memref<128x128xf32, #tpu.memory_space<vmem>>, vector<128x128xf32>
    %dot_general3A_36 = arith.constant dense<0.000000e+00> : vector<2000x128xf32>
    %dot_general3A_37 = tpu.matmul %mul3A_32, %get3A_35, %dot_general3A_36 {dimension_numbers = #tpu.dot_dimension_numbers<[1], [1], [0], [0], [0, 0, 1, 0], [], []>, transpose_lhs_hint = false} : vector<2000x128xf32>, vector<128x128xf32>, vector<2000x128xf32> -> vector<2000x128xf32>
    %add3A_38 = arith.addf %dot_general3A_31, %dot_general3A_37 : vector<2000x128xf32>
    %get3A_39 = arith.constant 0 : index
    %get3A_40 = arith.constant 0 : index
    %get3A_41 = vector.load %arg6[%get3A_39, %get3A_40] : memref<1x128xf32, #tpu.memory_space<vmem>>, vector<1x128xf32>
    %add3A_42 = vector.broadcast %get3A_41 : vector<1x128xf32> to vector<2000x128xf32>
    %add3A_43 = arith.addf %add3A_38, %add3A_42 : vector<2000x128xf32>
    %gt3A = arith.constant 0.000000e+00 : f32
    %gt3A_44 = vector.broadcast %gt3A : f32 to vector<2000x1xf32>
    %gt3A_45 = arith.cmpf ogt, %add3A_23, %gt3A_44 : vector<2000x1xf32>
    %broadcast_in_dim3A = vector.shape_cast %gt3A_45 : vector<2000x1xi1> to vector<2000x1xi1>
    %broadcast_in_dim3A_46 = vector.broadcast %broadcast_in_dim3A : vector<2000x1xi1> to vector<2000x128xi1>
    %select_n3A = arith.select %broadcast_in_dim3A_46, %add3A_43, %get3A_1 : vector<2000x128xi1>, vector<2000x128xf32>
    %get3A_47 = arith.constant 0 : index
    %get3A_48 = arith.constant 0 : index
    %get3A_49 = vector.load %arg7[%get3A_47, %get3A_48] : memref<1x128xf32, #tpu.memory_space<vmem>>, vector<1x128xf32>
    %get3A_50 = arith.constant 0 : index
    %get3A_51 = arith.constant 0 : index
    %get3A_52 = vector.load %arg8[%get3A_50, %get3A_51] : memref<1x128xf32, #tpu.memory_space<vmem>>, vector<1x128xf32>
    %reduce_sum3A = arith.constant dense<0.000000e+00> : vector<2000xf32>
    %reduce_sum3A_53 = vector.multi_reduction <add>, %select_n3A, %reduce_sum3A [1] : vector<2000x128xf32> to vector<2000xf32>
    %broadcast_in_dim3A_54 = vector.shape_cast %reduce_sum3A_53 : vector<2000xf32> to vector<2000x1xf32>
    %div3A_55 = arith.constant 1.280000e+02 : f32
    %div3A_56 = vector.broadcast %div3A_55 : f32 to vector<2000x1xf32>
    %div3A_57 = arith.divf %broadcast_in_dim3A_54, %div3A_56 : vector<2000x1xf32>
    %sub3A = vector.broadcast %div3A_57 : vector<2000x1xf32> to vector<2000x128xf32>
    %sub3A_58 = arith.subf %select_n3A, %sub3A : vector<2000x128xf32>
    %integer_pow3A = arith.mulf %sub3A_58, %sub3A_58 : vector<2000x128xf32>
    %reduce_sum3A_59 = arith.constant dense<0.000000e+00> : vector<2000xf32>
    %reduce_sum3A_60 = vector.multi_reduction <add>, %integer_pow3A, %reduce_sum3A_59 [1] : vector<2000x128xf32> to vector<2000xf32>
    %broadcast_in_dim3A_61 = vector.shape_cast %reduce_sum3A_60 : vector<2000xf32> to vector<2000x1xf32>
    %div3A_62 = arith.constant 1.280000e+02 : f32
    %div3A_63 = vector.broadcast %div3A_62 : f32 to vector<2000x1xf32>
    %div3A_64 = arith.divf %broadcast_in_dim3A_61, %div3A_63 : vector<2000x1xf32>
    %sub3A_65 = vector.broadcast %div3A_57 : vector<2000x1xf32> to vector<2000x128xf32>
    %sub3A_66 = arith.subf %select_n3A, %sub3A_65 : vector<2000x128xf32>
    %add3A_67 = arith.constant 9.99999974E-6 : f32
    %add3A_68 = vector.broadcast %add3A_67 : f32 to vector<2000x1xf32>
    %add3A_69 = arith.addf %div3A_64, %add3A_68 : vector<2000x1xf32>
    %rsqrt3A = math.rsqrt %add3A_69 : vector<2000x1xf32>
    %mul3A_70 = vector.broadcast %rsqrt3A : vector<2000x1xf32> to vector<2000x128xf32>
    %mul3A_71 = arith.mulf %sub3A_66, %mul3A_70 : vector<2000x128xf32>
    %mul3A_72 = vector.broadcast %get3A_49 : vector<1x128xf32> to vector<2000x128xf32>
    %mul3A_73 = arith.mulf %mul3A_71, %mul3A_72 : vector<2000x128xf32>
    %add3A_74 = vector.broadcast %get3A_52 : vector<1x128xf32> to vector<2000x128xf32>
    %add3A_75 = arith.addf %mul3A_73, %add3A_74 : vector<2000x128xf32>
    %max3A_76 = arith.constant 0.000000e+00 : f32
    %max3A_77 = vector.broadcast %max3A_76 : f32 to vector<2000x128xf32>
    %max3A_78 = arith.maximumf %add3A_75, %max3A_77 : vector<2000x128xf32>
    %swap3A = arith.constant 0 : index
    %swap3A_79 = arith.constant 0 : index
    %swap3A_80 = vector.load %arg9[%swap3A, %swap3A_79] : memref<2000x128xf32, #tpu.memory_space<vmem>>, vector<2000x128xf32>
    tpu.vector_store %arg9[%swap3A, %swap3A_79], %max3A_78 {strides = array<i32>} : memref<2000x128xf32, #tpu.memory_space<vmem>>, vector<2000x128xf32>,
    return
  }
  func.func @transform_0(%arg0: i32) -> (i32, i32) {
    %c0_i32 = arith.constant 0 : i32
    %c0_i32_0 = arith.constant 0 : i32
    return %arg0, %c0_i32 : i32, i32
  }
  func.func @transform_1(%arg0: i32) -> (i32, i32, i32) {
    %c0_i32 = arith.constant 0 : i32
    %c0_i32_0 = arith.constant 0 : i32
    %c0_i32_1 = arith.constant 0 : i32
    return %c0_i32, %arg0, %c0_i32_0 : i32, i32, i32
  }
  func.func @transform_2(%arg0: i32) -> (i32, i32, i32) {
    %c0_i32 = arith.constant 0 : i32
    %c0_i32_0 = arith.constant 0 : i32
    %c0_i32_1 = arith.constant 0 : i32
    return %c0_i32, %arg0, %c0_i32_0 : i32, i32, i32
  }
  func.func @transform_3(%arg0: i32) -> (i32, i32) {
    %c0_i32 = arith.constant 0 : i32
    %c0_i32_0 = arith.constant 0 : i32
    %c0_i32_1 = arith.constant 0 : i32
    return %c0_i32, %c0_i32_0 : i32, i32
  }
  func.func @transform_4(%arg0: i32) -> (i32, i32) {
    %c0_i32 = arith.constant 0 : i32
    %c0_i32_0 = arith.constant 0 : i32
    %c0_i32_1 = arith.constant 0 : i32
    return %c0_i32, %c0_i32_0 : i32, i32
  }
  func.func @transform_5(%arg0: i32) -> (i32, i32) {
    %c0_i32 = arith.constant 0 : i32
    %c0_i32_0 = arith.constant 0 : i32
    %c0_i32_1 = arith.constant 0 : i32
    return %c0_i32, %c0_i32_0 : i32, i32
  }
  func.func @transform_6(%arg0: i32) -> (i32, i32) {
    %c0_i32 = arith.constant 0 : i32
    %c0_i32_0 = arith.constant 0 : i32
    %c0_i32_1 = arith.constant 0 : i32
    return %c0_i32, %c0_i32_0 : i32, i32
  }
  func.func @transform_7(%arg0: i32) -> (i32, i32) {
    %c0_i32 = arith.constant 0 : i32
    %c0_i32_0 = arith.constant 0 : i32
    %c0_i32_1 = arith.constant 0 : i32
    return %c0_i32, %c0_i32_0 : i32, i32
  }
  func.func @transform_8(%arg0: i32) -> (i32, i32) {
    %c0_i32 = arith.constant 0 : i32
    %c0_i32_0 = arith.constant 0 : i32
    return %arg0, %c0_i32 : i32, i32
  }
}

module attributes {stable_mosaic.version = 14 : i64} {
  func.func @_heads_body(%arg0: i32, %arg1: memref<2000x128xf32, #tpu.memory_space<vmem>>, %arg2: memref<2000x1xf32, #tpu.memory_space<vmem>>, %arg3: memref<128x128xf32, #tpu.memory_space<vmem>>, %arg4: memref<1x128xf32, #tpu.memory_space<vmem>>, %arg5: memref<64x128xf32, #tpu.memory_space<vmem>>, %arg6: memref<1x64xf32, #tpu.memory_space<vmem>>, %arg7: memref<1x64xf32, #tpu.memory_space<vmem>>, %arg8: memref<1x1xf32, #tpu.memory_space<vmem>>, %arg9: memref<1x32xf32, #tpu.memory_space<vmem>>, %arg10: memref<1x32xf32, #tpu.memory_space<vmem>>, %arg11: memref<128x32xf32, #tpu.memory_space<vmem>>, %arg12: memref<128x128xf32, #tpu.memory_space<vmem>>, %arg13: memref<1x128xf32, #tpu.memory_space<vmem>>, %arg14: memref<64x128xf32, #tpu.memory_space<vmem>>, %arg15: memref<1x64xf32, #tpu.memory_space<vmem>>, %arg16: memref<1x64xf32, #tpu.memory_space<vmem>>, %arg17: memref<1x1xf32, #tpu.memory_space<vmem>>, %arg18: memref<2000x1xf32, #tpu.memory_space<vmem>>, %arg19: memref<2000x1xf32, #tpu.memory_space<vmem>>) attributes {dimension_semantics = [#tpu.dimension_semantics<arbitrary>], iteration_bounds = array<i64: 5>, scalar_prefetch = 0 : i64, scratch_operands = 0 : i64, tpu.core_type = #tpu.core_type<tc>, window_params = [{transform_indices = @transform_0, window_bounds = array<i64: 2000, 128>}, {transform_indices = @transform_1, window_bounds = array<i64: 2000, 1>}, {pipeline_mode = #tpu.pipeline_mode<synchronous>, transform_indices = @transform_2, window_bounds = array<i64: 128, 128>}, {pipeline_mode = #tpu.pipeline_mode<synchronous>, transform_indices = @transform_3, window_bounds = array<i64: 1, 128>}, {pipeline_mode = #tpu.pipeline_mode<synchronous>, transform_indices = @transform_4, window_bounds = array<i64: 64, 128>}, {pipeline_mode = #tpu.pipeline_mode<synchronous>, transform_indices = @transform_5, window_bounds = array<i64: 1, 64>}, {pipeline_mode = #tpu.pipeline_mode<synchronous>, transform_indices = @transform_6, window_bounds = array<i64: 1, 64>}, {pipeline_mode = #tpu.pipeline_mode<synchronous>, transform_indices = @transform_7, window_bounds = array<i64: 1, 1>}, {pipeline_mode = #tpu.pipeline_mode<synchronous>, transform_indices = @transform_8, window_bounds = array<i64: 1, 32>}, {pipeline_mode = #tpu.pipeline_mode<synchronous>, transform_indices = @transform_9, window_bounds = array<i64: 1, 32>}, {pipeline_mode = #tpu.pipeline_mode<synchronous>, transform_indices = @transform_10, window_bounds = array<i64: 128, 32>}, {pipeline_mode = #tpu.pipeline_mode<synchronous>, transform_indices = @transform_11, window_bounds = array<i64: 128, 128>}, {pipeline_mode = #tpu.pipeline_mode<synchronous>, transform_indices = @transform_12, window_bounds = array<i64: 1, 128>}, {pipeline_mode = #tpu.pipeline_mode<synchronous>, transform_indices = @transform_13, window_bounds = array<i64: 64, 128>}, {pipeline_mode = #tpu.pipeline_mode<synchronous>, transform_indices = @transform_14, window_bounds = array<i64: 1, 64>}, {pipeline_mode = #tpu.pipeline_mode<synchronous>, transform_indices = @transform_15, window_bounds = array<i64: 1, 64>}, {pipeline_mode = #tpu.pipeline_mode<synchronous>, transform_indices = @transform_16, window_bounds = array<i64: 1, 1>}, {transform_indices = @transform_17, window_bounds = array<i64: 2000, 1>}, {transform_indices = @transform_18, window_bounds = array<i64: 2000, 1>}]} {
    %get3A = arith.constant 0 : index
    %get3A_0 = arith.constant 0 : index
    %get3A_1 = vector.load %arg1[%get3A, %get3A_0] : memref<2000x128xf32, #tpu.memory_space<vmem>>, vector<2000x128xf32>
    %get3A_2 = arith.constant 0 : index
    %get3A_3 = arith.constant 0 : index
    %get3A_4 = vector.load %arg2[%get3A_2, %get3A_3] : memref<2000x1xf32, #tpu.memory_space<vmem>>, vector<2000x1xf32>
    %get3A_5 = arith.constant 0 : index
    %get3A_6 = arith.constant 0 : index
    %get3A_7 = vector.load %arg3[%get3A_5, %get3A_6] : memref<128x128xf32, #tpu.memory_space<vmem>>, vector<128x128xf32>
    %dot_general3A = arith.constant dense<0.000000e+00> : vector<2000x128xf32>
    %dot_general3A_8 = tpu.matmul %get3A_1, %get3A_7, %dot_general3A {dimension_numbers = #tpu.dot_dimension_numbers<[1], [1], [0], [0], [0, 0, 1, 0], [], []>, transpose_lhs_hint = false} : vector<2000x128xf32>, vector<128x128xf32>, vector<2000x128xf32> -> vector<2000x128xf32>
    %get3A_9 = arith.constant 0 : index
    %get3A_10 = arith.constant 0 : index
    %get3A_11 = vector.load %arg4[%get3A_9, %get3A_10] : memref<1x128xf32, #tpu.memory_space<vmem>>, vector<1x128xf32>
    %add3A = vector.broadcast %get3A_11 : vector<1x128xf32> to vector<2000x128xf32>
    %add3A_12 = arith.addf %dot_general3A_8, %add3A : vector<2000x128xf32>
    %max3A = arith.constant 0.000000e+00 : f32
    %max3A_13 = vector.broadcast %max3A : f32 to vector<2000x128xf32>
    %max3A_14 = arith.maximumf %add3A_12, %max3A_13 : vector<2000x128xf32>
    %get3A_15 = arith.constant 0 : index
    %get3A_16 = arith.constant 0 : index
    %get3A_17 = vector.load %arg5[%get3A_15, %get3A_16] : memref<64x128xf32, #tpu.memory_space<vmem>>, vector<64x128xf32>
    %dot_general3A_18 = arith.constant dense<0.000000e+00> : vector<2000x64xf32>
    %dot_general3A_19 = tpu.matmul %max3A_14, %get3A_17, %dot_general3A_18 {dimension_numbers = #tpu.dot_dimension_numbers<[1], [1], [0], [0], [0, 0, 1, 0], [], []>, transpose_lhs_hint = false} : vector<2000x128xf32>, vector<64x128xf32>, vector<2000x64xf32> -> vector<2000x64xf32>
    %get3A_20 = arith.constant 0 : index
    %get3A_21 = arith.constant 0 : index
    %get3A_22 = vector.load %arg6[%get3A_20, %get3A_21] : memref<1x64xf32, #tpu.memory_space<vmem>>, vector<1x64xf32>
    %add3A_23 = vector.broadcast %get3A_22 : vector<1x64xf32> to vector<2000x64xf32>
    %add3A_24 = arith.addf %dot_general3A_19, %add3A_23 : vector<2000x64xf32>
    %max3A_25 = arith.constant 0.000000e+00 : f32
    %max3A_26 = vector.broadcast %max3A_25 : f32 to vector<2000x64xf32>
    %max3A_27 = arith.maximumf %add3A_24, %max3A_26 : vector<2000x64xf32>
    %get3A_28 = arith.constant 0 : index
    %get3A_29 = arith.constant 0 : index
    %get3A_30 = vector.load %arg7[%get3A_28, %get3A_29] : memref<1x64xf32, #tpu.memory_space<vmem>>, vector<1x64xf32>
    %mul3A = vector.broadcast %get3A_30 : vector<1x64xf32> to vector<2000x64xf32>
    %mul3A_31 = arith.mulf %max3A_27, %mul3A : vector<2000x64xf32>
    %reduce_sum3A = arith.constant dense<0.000000e+00> : vector<2000xf32>
    %reduce_sum3A_32 = vector.multi_reduction <add>, %mul3A_31, %reduce_sum3A [1] : vector<2000x64xf32> to vector<2000xf32>
    %broadcast_in_dim3A = vector.shape_cast %reduce_sum3A_32 : vector<2000xf32> to vector<2000x1xf32>
    %get3A_33 = arith.constant 0 : index
    %get3A_34 = arith.constant 0 : index
    %get3A_35 = vector.load %arg8[%get3A_33, %get3A_34] : memref<1x1xf32, #tpu.memory_space<vmem>>, vector<1x1xf32>
    %add3A_36 = vector.broadcast %get3A_35 : vector<1x1xf32> to vector<2000x1xf32>
    %add3A_37 = arith.addf %broadcast_in_dim3A, %add3A_36 : vector<2000x1xf32>
    %neg3A = arith.constant 0.000000e+00 : f32
    %neg3A_38 = vector.broadcast %neg3A : f32 to vector<2000x1xf32>
    %neg3A_39 = arith.subf %neg3A_38, %add3A_37 : vector<2000x1xf32>
    %exp3A = math.exp %neg3A_39 : vector<2000x1xf32>
    %add3A_40 = arith.constant 1.000000e+00 : f32
    %add3A_41 = vector.broadcast %add3A_40 : f32 to vector<2000x1xf32>
    %add3A_42 = arith.addf %add3A_41, %exp3A : vector<2000x1xf32>
    %div3A = arith.constant 1.000000e+00 : f32
    %div3A_43 = vector.broadcast %div3A : f32 to vector<2000x1xf32>
    %div3A_44 = arith.divf %div3A_43, %add3A_42 : vector<2000x1xf32>
    %swap3A = arith.constant 0 : index
    %swap3A_45 = arith.constant 0 : index
    %swap3A_46 = vector.load %arg18[%swap3A, %swap3A_45] : memref<2000x1xf32, #tpu.memory_space<vmem>>, vector<2000x1xf32>
    tpu.vector_store %arg18[%swap3A, %swap3A_45], %div3A_44 {strides = array<i32>} : memref<2000x1xf32, #tpu.memory_space<vmem>>, vector<2000x1xf32>,
    %get3A_47 = arith.constant 0 : index
    %get3A_48 = arith.constant 0 : index
    %get3A_49 = vector.load %arg9[%get3A_47, %get3A_48] : memref<1x32xf32, #tpu.memory_space<vmem>>, vector<1x32xf32>
    %mul3A_50 = vector.broadcast %get3A_4 : vector<2000x1xf32> to vector<2000x32xf32>
    %mul3A_51 = vector.broadcast %get3A_49 : vector<1x32xf32> to vector<2000x32xf32>
    %mul3A_52 = arith.mulf %mul3A_50, %mul3A_51 : vector<2000x32xf32>
    %get3A_53 = arith.constant 0 : index
    %get3A_54 = arith.constant 0 : index
    %get3A_55 = vector.load %arg10[%get3A_53, %get3A_54] : memref<1x32xf32, #tpu.memory_space<vmem>>, vector<1x32xf32>
    %add3A_56 = vector.broadcast %get3A_55 : vector<1x32xf32> to vector<2000x32xf32>
    %add3A_57 = arith.addf %mul3A_52, %add3A_56 : vector<2000x32xf32>
    %get3A_58 = arith.constant 0 : index
    %get3A_59 = arith.constant 0 : index
    %get3A_60 = vector.load %arg12[%get3A_58, %get3A_59] : memref<128x128xf32, #tpu.memory_space<vmem>>, vector<128x128xf32>
    %dot_general3A_61 = arith.constant dense<0.000000e+00> : vector<2000x128xf32>
    %dot_general3A_62 = tpu.matmul %get3A_1, %get3A_60, %dot_general3A_61 {dimension_numbers = #tpu.dot_dimension_numbers<[1], [1], [0], [0], [0, 0, 1, 0], [], []>, transpose_lhs_hint = false} : vector<2000x128xf32>, vector<128x128xf32>, vector<2000x128xf32> -> vector<2000x128xf32>
    %get3A_63 = arith.constant 0 : index
    %get3A_64 = arith.constant 0 : index
    %get3A_65 = vector.load %arg11[%get3A_63, %get3A_64] : memref<128x32xf32, #tpu.memory_space<vmem>>, vector<128x32xf32>
    %dot_general3A_66 = arith.constant dense<0.000000e+00> : vector<2000x128xf32>
    %dot_general3A_67 = tpu.matmul %add3A_57, %get3A_65, %dot_general3A_66 {dimension_numbers = #tpu.dot_dimension_numbers<[1], [1], [0], [0], [0, 0, 1, 0], [], []>, transpose_lhs_hint = false} : vector<2000x32xf32>, vector<128x32xf32>, vector<2000x128xf32> -> vector<2000x128xf32>
    %sub3A = arith.subf %dot_general3A_62, %dot_general3A_67 : vector<2000x128xf32>
    %get3A_68 = arith.constant 0 : index
    %get3A_69 = arith.constant 0 : index
    %get3A_70 = vector.load %arg13[%get3A_68, %get3A_69] : memref<1x128xf32, #tpu.memory_space<vmem>>, vector<1x128xf32>
    %add3A_71 = vector.broadcast %get3A_70 : vector<1x128xf32> to vector<2000x128xf32>
    %add3A_72 = arith.addf %sub3A, %add3A_71 : vector<2000x128xf32>
    %max3A_73 = arith.constant 0.000000e+00 : f32
    %max3A_74 = vector.broadcast %max3A_73 : f32 to vector<2000x128xf32>
    %max3A_75 = arith.maximumf %add3A_72, %max3A_74 : vector<2000x128xf32>
    %get3A_76 = arith.constant 0 : index
    %get3A_77 = arith.constant 0 : index
    %get3A_78 = vector.load %arg14[%get3A_76, %get3A_77] : memref<64x128xf32, #tpu.memory_space<vmem>>, vector<64x128xf32>
    %dot_general3A_79 = arith.constant dense<0.000000e+00> : vector<2000x64xf32>
    %dot_general3A_80 = tpu.matmul %max3A_75, %get3A_78, %dot_general3A_79 {dimension_numbers = #tpu.dot_dimension_numbers<[1], [1], [0], [0], [0, 0, 1, 0], [], []>, transpose_lhs_hint = false} : vector<2000x128xf32>, vector<64x128xf32>, vector<2000x64xf32> -> vector<2000x64xf32>
    %get3A_81 = arith.constant 0 : index
    %get3A_82 = arith.constant 0 : index
    %get3A_83 = vector.load %arg15[%get3A_81, %get3A_82] : memref<1x64xf32, #tpu.memory_space<vmem>>, vector<1x64xf32>
    %add3A_84 = vector.broadcast %get3A_83 : vector<1x64xf32> to vector<2000x64xf32>
    %add3A_85 = arith.addf %dot_general3A_80, %add3A_84 : vector<2000x64xf32>
    %max3A_86 = arith.constant 0.000000e+00 : f32
    %max3A_87 = vector.broadcast %max3A_86 : f32 to vector<2000x64xf32>
    %max3A_88 = arith.maximumf %add3A_85, %max3A_87 : vector<2000x64xf32>
    %get3A_89 = arith.constant 0 : index
    %get3A_90 = arith.constant 0 : index
    %get3A_91 = vector.load %arg16[%get3A_89, %get3A_90] : memref<1x64xf32, #tpu.memory_space<vmem>>, vector<1x64xf32>
    %mul3A_92 = vector.broadcast %get3A_91 : vector<1x64xf32> to vector<2000x64xf32>
    %mul3A_93 = arith.mulf %max3A_88, %mul3A_92 : vector<2000x64xf32>
    %reduce_sum3A_94 = arith.constant dense<0.000000e+00> : vector<2000xf32>
    %reduce_sum3A_95 = vector.multi_reduction <add>, %mul3A_93, %reduce_sum3A_94 [1] : vector<2000x64xf32> to vector<2000xf32>
    %broadcast_in_dim3A_96 = vector.shape_cast %reduce_sum3A_95 : vector<2000xf32> to vector<2000x1xf32>
    %get3A_97 = arith.constant 0 : index
    %get3A_98 = arith.constant 0 : index
    %get3A_99 = vector.load %arg17[%get3A_97, %get3A_98] : memref<1x1xf32, #tpu.memory_space<vmem>>, vector<1x1xf32>
    %add3A_100 = vector.broadcast %get3A_99 : vector<1x1xf32> to vector<2000x1xf32>
    %add3A_101 = arith.addf %broadcast_in_dim3A_96, %add3A_100 : vector<2000x1xf32>
    %neg3A_102 = arith.constant 0.000000e+00 : f32
    %neg3A_103 = vector.broadcast %neg3A_102 : f32 to vector<2000x1xf32>
    %neg3A_104 = arith.subf %neg3A_103, %add3A_101 : vector<2000x1xf32>
    %exp3A_105 = math.exp %neg3A_104 : vector<2000x1xf32>
    %add3A_106 = arith.constant 1.000000e+00 : f32
    %add3A_107 = vector.broadcast %add3A_106 : f32 to vector<2000x1xf32>
    %add3A_108 = arith.addf %add3A_107, %exp3A_105 : vector<2000x1xf32>
    %div3A_109 = arith.constant 1.000000e+00 : f32
    %div3A_110 = vector.broadcast %div3A_109 : f32 to vector<2000x1xf32>
    %div3A_111 = arith.divf %div3A_110, %add3A_108 : vector<2000x1xf32>
    %sub3A_112 = arith.constant 1.000000e+00 : f32
    %sub3A_113 = vector.broadcast %sub3A_112 : f32 to vector<2000x1xf32>
    %sub3A_114 = arith.subf %sub3A_113, %get3A_4 : vector<2000x1xf32>
    %mul3A_115 = arith.mulf %div3A_111, %sub3A_114 : vector<2000x1xf32>
    %swap3A_116 = arith.constant 0 : index
    %swap3A_117 = arith.constant 0 : index
    %swap3A_118 = vector.load %arg19[%swap3A_116, %swap3A_117] : memref<2000x1xf32, #tpu.memory_space<vmem>>, vector<2000x1xf32>
    tpu.vector_store %arg19[%swap3A_116, %swap3A_117], %mul3A_115 {strides = array<i32>} : memref<2000x1xf32, #tpu.memory_space<vmem>>, vector<2000x1xf32>,
    return
  }
  func.func @transform_0(%arg0: i32) -> (i32, i32) {
    %c0_i32 = arith.constant 0 : i32
    %c0_i32_0 = arith.constant 0 : i32
    return %arg0, %c0_i32 : i32, i32
  }
  func.func @transform_1(%arg0: i32) -> (i32, i32) {
    %c0_i32 = arith.constant 0 : i32
    %c0_i32_0 = arith.constant 0 : i32
    return %arg0, %c0_i32 : i32, i32
  }
  func.func @transform_2(%arg0: i32) -> (i32, i32) {
    %c0_i32 = arith.constant 0 : i32
    %c0_i32_0 = arith.constant 0 : i32
    %c0_i32_1 = arith.constant 0 : i32
    return %c0_i32, %c0_i32_0 : i32, i32
  }
  func.func @transform_3(%arg0: i32) -> (i32, i32) {
    %c0_i32 = arith.constant 0 : i32
    %c0_i32_0 = arith.constant 0 : i32
    %c0_i32_1 = arith.constant 0 : i32
    return %c0_i32, %c0_i32_0 : i32, i32
  }
  func.func @transform_4(%arg0: i32) -> (i32, i32) {
    %c0_i32 = arith.constant 0 : i32
    %c0_i32_0 = arith.constant 0 : i32
    %c0_i32_1 = arith.constant 0 : i32
    return %c0_i32, %c0_i32_0 : i32, i32
  }
  func.func @transform_5(%arg0: i32) -> (i32, i32) {
    %c0_i32 = arith.constant 0 : i32
    %c0_i32_0 = arith.constant 0 : i32
    %c0_i32_1 = arith.constant 0 : i32
    return %c0_i32, %c0_i32_0 : i32, i32
  }
  func.func @transform_6(%arg0: i32) -> (i32, i32) {
    %c0_i32 = arith.constant 0 : i32
    %c0_i32_0 = arith.constant 0 : i32
    %c0_i32_1 = arith.constant 0 : i32
    return %c0_i32, %c0_i32_0 : i32, i32
  }
  func.func @transform_7(%arg0: i32) -> (i32, i32) {
    %c0_i32 = arith.constant 0 : i32
    %c0_i32_0 = arith.constant 0 : i32
    %c0_i32_1 = arith.constant 0 : i32
    return %c0_i32, %c0_i32_0 : i32, i32
  }
  func.func @transform_8(%arg0: i32) -> (i32, i32) {
    %c0_i32 = arith.constant 0 : i32
    %c0_i32_0 = arith.constant 0 : i32
    %c0_i32_1 = arith.constant 0 : i32
    return %c0_i32, %c0_i32_0 : i32, i32
  }
  func.func @transform_9(%arg0: i32) -> (i32, i32) {
    %c0_i32 = arith.constant 0 : i32
    %c0_i32_0 = arith.constant 0 : i32
    %c0_i32_1 = arith.constant 0 : i32
    return %c0_i32, %c0_i32_0 : i32, i32
  }
  func.func @transform_10(%arg0: i32) -> (i32, i32) {
    %c0_i32 = arith.constant 0 : i32
    %c0_i32_0 = arith.constant 0 : i32
    %c0_i32_1 = arith.constant 0 : i32
    return %c0_i32, %c0_i32_0 : i32, i32
  }
  func.func @transform_11(%arg0: i32) -> (i32, i32) {
    %c0_i32 = arith.constant 0 : i32
    %c0_i32_0 = arith.constant 0 : i32
    %c0_i32_1 = arith.constant 0 : i32
    return %c0_i32, %c0_i32_0 : i32, i32
  }
  func.func @transform_12(%arg0: i32) -> (i32, i32) {
    %c0_i32 = arith.constant 0 : i32
    %c0_i32_0 = arith.constant 0 : i32
    %c0_i32_1 = arith.constant 0 : i32
    return %c0_i32, %c0_i32_0 : i32, i32
  }
  func.func @transform_13(%arg0: i32) -> (i32, i32) {
    %c0_i32 = arith.constant 0 : i32
    %c0_i32_0 = arith.constant 0 : i32
    %c0_i32_1 = arith.constant 0 : i32
    return %c0_i32, %c0_i32_0 : i32, i32
  }
  func.func @transform_14(%arg0: i32) -> (i32, i32) {
    %c0_i32 = arith.constant 0 : i32
    %c0_i32_0 = arith.constant 0 : i32
    %c0_i32_1 = arith.constant 0 : i32
    return %c0_i32, %c0_i32_0 : i32, i32
  }
  func.func @transform_15(%arg0: i32) -> (i32, i32) {
    %c0_i32 = arith.constant 0 : i32
    %c0_i32_0 = arith.constant 0 : i32
    %c0_i32_1 = arith.constant 0 : i32
    return %c0_i32, %c0_i32_0 : i32, i32
  }
  func.func @transform_16(%arg0: i32) -> (i32, i32) {
    %c0_i32 = arith.constant 0 : i32
    %c0_i32_0 = arith.constant 0 : i32
    %c0_i32_1 = arith.constant 0 : i32
    return %c0_i32, %c0_i32_0 : i32, i32
  }
  func.func @transform_17(%arg0: i32) -> (i32, i32) {
    %c0_i32 = arith.constant 0 : i32
    %c0_i32_0 = arith.constant 0 : i32
    return %arg0, %c0_i32 : i32, i32
  }
  func.func @transform_18(%arg0: i32) -> (i32, i32) {
    %c0_i32 = arith.constant 0 : i32
    %c0_i32_0 = arith.constant 0 : i32
    return %arg0, %c0_i32 : i32, i32
  }
}

</mosaic_0001>

<sc_bundles>
// kernel: kernel.12.cloned.1.call-start
scs
__scs_entry_jumppad:
0x0: {  	(pc) =	sbr.rel $0x88, $3  }
0x1: {  	(tag) =	ssettag $0x0;
	lr =	simm.s32 $0x1  }
0x2: {  	[smem:$0x3F7F] =	sst lr;
	_ =	strace $0xD0000000  }
0x3: {  	_ = 	snop  }
0x4: {  	_ = 	snop  }
0x5: {  	_ = 	snop  }
0x6: {  	_ = 	snop  }
0x7: {  	_ = 	snop  }
__scs_overlays_trampoline_lowered:
0x8: {  	[smem:$0x3F8E] =	sst s0  }
0x9: {  	[smem:$0x3F8F] =	sst s1  }
0xa: {  	[smem:$0x3F90] =	sst s2  }
0xb: {  	[smem:$0x3F91] =	sst s3  }
0xc: {  	[smem:$0x3F92] =	sst s4  }
0xd: {  	[smem:$0x3F93] =	sst s5  }
0xe: {  	[smem:$0x3F94] =	sst s6  }
0xf: {  	[smem:$0x3F95] =	sst s7  }
0x10: {  	[smem:$0x3F96] =	sst s8  }
0x11: {  	[smem:$0x3F97] =	sst s9;
	s0 =	simm.s32 @!p0 $0x0  }
0x12: {  	s1 =	sld [smem:$0x3F7D];
	s0 =	simm.s32 @p0 $0x1  }
0x13: {  	[smem:$0x3F98] =	sst s0;
	s0 =	simm.s32 @!p1 $0x0  }
0x14: {  	s2 =	sld [smem:$0x3F7C];
	s0 =	simm.s32 @p1 $0x1  }
0x15: {  	[smem:$0x3F99] =	sst s0;
	s0 =	simm.s32 @!p2 $0x0  }
0x16: {  	s3 =	sld [smem:$0x3FDB];
	s0 =	simm.s32 @p2 $0x1  }
0x17: {  	s4 =	simm.s32 $0x1BF5;
	[smem:$0x3F9B] =	sst s0  }
0x18: {  	s0 =	sld [smem:$0x3F7E];
	_ =	swait.ge [sflag:s4], $0x0  }
0x19: {  	s7 =	sld [smem:$0x3F7F]  }
0x1a: {  	s8 =	sadd.s32 $0xFFFFE003, lr  }
0x1b: {  	s9 =	sadd.s32 $0xFFFFFEF7, lr;
	s5 =	simm.s32 $0xFFFFFFFF;
	p2 =	slt.u32 s8, $0xFFFFF086  }
0x1c: {  	p1 =	slt.u32 s9, $0xF7A;
	s5 =	simm.s32 @!p2 $0x0  }
0x1d: {  	s5 =	simm.s32 @p1 $0x1;
	p0 =	seq.s32 s7, s2  }
0x1e: {  	s7 =	smul.u32 @!p0 $0xF7A, s2;
	p2 =	seq.s32 @!p0 s5, $0x0  }
0x1f: {  	s9 =	smul.u32 $0xF7A, s1;
	s8 =	simm.s32 @!p0 $0x1BF5;
	p2 =	por !p2, p0  }
0x20: {  	[sflag:s8] =	ssyncset.s32 @!p0 $0xFFFFF086;
	s6 =	sadd.s32 @!p0 s3, s7;
	s7 =	simm.s32 @!p0 $0x108  }
0x21: {  	s3 =	sadd.s32 s3, s9;
	s6 =	sadd.s32 @!p0 $0x88, s6;
	s7 =	simm.s32 @p2 $0x1082  }
0x22: {  	[simem:s7], [sflag:s8] =	dma.local @!p0 [hbm:s6], $0xF7A  }
0x23: {  	s9 =	sor.u32 $0xD0000000, s2;
	s6 =	simm.s32 $0x108;
	_ =	swait.ge @!p0 [sflag:s8], $0x0  }
0x24: {  	s3 =	sadd.s32 $0x88, s3;
	s6 =	simm.s32 @!p1 $0x1082;
	[sflag:s4] =	ssyncset.s32 $0xFFFFF086  }
0x25: {  	[simem:s6], [sflag:s4] =	dma.local [hbm:s3], $0xF7A  }
0x26: {  	[smem:$0x3F7F] =	sst s1;
	(tag) =	ssettag s2;
	_ =	strace s9  }
0x27: {  	s1 =	sld [smem:$0x3F8F]  }
0x28: {  	s2 =	sld [smem:$0x3F90]  }
0x29: {  	s4 =	sld [smem:$0x3F92]  }
0x2a: {  	p0 =	seq.s32 s5, $0x0;
	s5 =	sld [smem:$0x3F93]  }
0x2b: {  	s6 =	sld [smem:$0x3F94]  }
0x2c: {  	s7 =	sld [smem:$0x3F95]  }
0x2d: {  	s3 =	simm.s32 $0x108;
	s8 =	sld [smem:$0x3F96]  }
0x2e: {  	s3 =	simm.s32 @!p0 $0x1082;
	s9 =	sld [smem:$0x3F97]  }
0x2f: {  	lr =	sadd.s32 s0, s3;
	s0 =	sld [smem:$0x3F8E]  }
0x30: {  	s3 =	sld [smem:$0x3F91]  }
0x31: {  	[smem:$0x3F9A] =	sst s10  }
0x32: {  	s10 =	sld [smem:$0x3F98];
	_ =	sdelay $0x3  }
0x33: {  	p0 =	seq.s32 s10, $0x1;
	s10 =	sld [smem:$0x3F9A];
	_ =	sdelay $0x3  }
0x34: {  	[smem:$0x3F9A] =	sst s10  }
0x35: {  	s10 =	sld [smem:$0x3F99];
	_ =	sdelay $0x3  }
0x36: {  	p1 =	seq.s32 s10, $0x1;
	s10 =	sld [smem:$0x3F9A];
	_ =	sdelay $0x3  }
0x37: {  	[smem:$0x3F9A] =	sst s10  }
0x38: {  	s10 =	sld [smem:$0x3F9B]  }
0x39: {  	_ = 	snop;
	(pc) =	sbr.ind lr, $3  }
0x3a: {  	_ = 	snop  }
0x3b: {  	_ = 	snop  }
0x3c: {  	p2 =	seq.s32 s10, $0x1;
	s10 =	sld [smem:$0x3F9A]  }
0x3d: {  	_ =	shalt  }
0x3e: {  	_ =	shalt  }
0x3f: {  	_ =	shalt  }
0x40: {  	_ =	shalt  }
0x41: {  	_ =	shalt  }
0x42: {  	_ =	shalt  }
0x43: {  	_ =	shalt  }
0x44: {  	_ =	shalt  }
0x45: {  	_ =	shalt  }
0x46: {  	_ =	shalt  }
0x47: {  	_ =	shalt  }
0x48: {  	_ =	shalt  }
0x49: {  	_ =	shalt  }
0x4a: {  	_ =	shalt  }
0x4b: {  	_ =	shalt  }
0x4c: {  	_ =	shalt  }
0x4d: {  	_ =	shalt  }
0x4e: {  	_ =	shalt  }
0x4f: {  	_ =	shalt  }
0x50: {  	_ =	shalt  }
0x51: {  	_ =	shalt  }
0x52: {  	_ =	shalt  }
0x53: {  	_ =	shalt  }
0x54: {  	_ =	shalt  }
0x55: {  	_ =	shalt  }
0x56: {  	_ =	shalt  }
0x57: {  	_ =	shalt  }
0x58: {  	_ =	shalt  }
0x59: {  	_ =	shalt  }
0x5a: {  	_ =	shalt  }
0x5b: {  	_ =	shalt  }
0x5c: {  	_ =	shalt  }
0x5d: {  	_ =	shalt  }
0x5e: {  	_ =	shalt  }
0x5f: {  	_ =	shalt  }
0x60: {  	_ =	shalt  }
0x61: {  	_ =	shalt  }
0x62: {  	_ =	shalt  }
0x63: {  	_ =	shalt  }
0x64: {  	_ =	shalt  }
0x65: {  	_ =	shalt  }
0x66: {  	_ =	shalt  }
0x67: {  	_ =	shalt  }
0x68: {  	_ =	shalt  }
0x69: {  	_ =	shalt  }
0x6a: {  	_ =	shalt  }
0x6b: {  	_ =	shalt  }
0x6c: {  	_ =	shalt  }
0x6d: {  	_ =	shalt  }
0x6e: {  	_ =	shalt  }
0x6f: {  	_ =	shalt  }
0x70: {  	_ =	shalt  }
0x71: {  	_ =	shalt  }
0x72: {  	_ =	shalt  }
0x73: {  	_ =	shalt  }
0x74: {  	_ =	shalt  }
0x75: {  	_ =	shalt  }
0x76: {  	_ =	shalt  }
0x77: {  	_ =	shalt  }
0x78: {  	_ =	shalt  }
0x79: {  	_ =	shalt  }
0x7a: {  	_ =	shalt  }
0x7b: {  	_ =	shalt  }
0x7c: {  	_ =	shalt  }
0x7d: {  	_ =	shalt  }
0x7e: {  	_ =	shalt  }
0x7f: {  	_ =	shalt  }
0x80: {  	_ =	shalt  }
0x81: {  	_ =	shalt  }
0x82: {  	_ =	shalt  }
0x83: {  	_ =	shalt  }
0x84: {  	_ =	shalt  }
0x85: {  	_ =	shalt  }
0x86: {  	_ =	shalt  }
0x87: {  	_ =	shalt  }
.Lfunc_end0:
.L_simem_size_0:
called_computation_lowered:
.L_overlay_start_0:
0x88: {  	s2 =	sld [smem:$0x3FD9]  }
0x89: {  	s3 =	sld [smem:$0x3FFE];
	_ =	sdelay $0x1  }
0x8a: {  	s1 =	srdreg.scid  }
0x8b: {  	s0 =	sand.u32 $0x1, s1  }
0x8c: {  	s14 =	sshll.u32 s0, $0xA;
	s2 =	sadd.s32 s3, s2  }
0x8d: {  	s2 =	sadd.s32 s2, s14  }
0x8e: {  	[smem:$0x3FA6] =	sst s2  }
0x8f: {  	_ = 	snop  }
0x90: {  	s2 =	sld [smem:$0x3FD0];
	_ =	sdelay $0x2  }
0x91: {  	s15 =	simm.s32 $0xA;
	s4 =	simm.s32 $0x10  }
0x92: {  	[smem:s4], [sflag:s15] =	dma.local [hbm:s2], $0x1  }
0x93: {  	_ =	swait.eq [sflag:s15], $0x1  }
0x94: {  	[sflag:s15] =	ssyncset.done $0x0  }
0x95: {  	[sflag:s15] =	ssyncadd.s32 $0xFFFFFFFF  }
0x96: {  	s16 =	sld [smem:$0x11];
	(tm) =	ssettm $0x1  }
0x97: {  	s17 =	sld [smem:$0x3FFB];
	_ =	sdelay $0x3  }
0x98: {  	_ =	strace s17  }
0x99: {  	s3 =	sld [smem:$0x3FFC];
	_ =	sdelay $0x3  }
0x9a: {  	_ =	strace s3  }
0x9b: {  	s3 =	sld [smem:$0x3FFD];
	_ =	sdelay $0x3  }
0x9c: {  	_ =	strace s3  }
0x9d: {  	_ =	strace $0x8FFFFFFF  }
0x9e: {  	s18 =	sld [smem:$0x3FDB];
	_ =	sdelay $0x1  }
0x9f: {  	s19 =	simm.s32 $_scs_section_size  }
0xa0: {  	s5 =	simm.s32 $_size__tile_overlayer_lowered;
	s6 =	simm.s32 $_tile_overlayer_lowered  }
0xa1: {  	s22 =	simm.s32 $0x1BFF;
	s21 =	sshll.u32 s6, $0x1;
	s3 =	sadd.s32 s19, s18  }
0xa2: {  	s7 =	simm.s32 $0x0;
	s20 =	sshll.u32 s5, $0x1;
	s5 =	sadd.s32 s21, s3  }
0xa3: {  	[timem:s7], [sflag:s22] =	dma.local [hbm:s5], s20  }
0xa4: {  	_ =	swait.ge [sflag:s22], s20  }
0xa5: {  	s4 =	ssub.s32 $0x0, s20;
	[sflag:s22] =	ssyncset.done $0x0  }
0xa6: {  	[sflag:s22] =	ssyncadd.s32 s4;
	_ =	sdelay $0x1  }
0xa7: {  	s23 =	simm.s32 $0x1B8B  }
0xa8: {  	_ =	swait.ge [sflag:s23], $0x1  }
0xa9: {  	[sflag:s23] =	ssyncset.done $0x0  }
0xaa: {  	s25 =	simm.s32 $0x1B8E;
	s24 =	sld [smem:$0x3FFE];
	[sflag:s23] =	ssyncadd.s32 $0xFFFFFFFF  }
0xab: {  	s26 =	simm.s32 $execute0_lowered;
	[smem:$0x3FD2] =	sst s25  }
0xac: {  	s5 =	sshll.u32 s26, $0x1;
	_ =	strace $0x80000046;
	[dreg:$0x1] =	wrdreg $0xFFFFFFFF  }
0xad: {  	s28 =	simm.s32 $_size_execute0_lowered;
	s3 =	sadd.s32 s3, s5;
	[dreg:$0x0] =	wrdreg $0x0  }
0xae: {  	s5 =	sshll.u32 s28, $0x1;
	[dreg:$0x2] =	wrdreg s3  }
0xaf: {  	[dreg:$0x3] =	wrdreg s5  }
0xb0: {  	[dreg:$0x4] =	wrdreg $0xC0  }
0xb1: {  	_ =	task [dreg:s7], $0x5FFFF  }
0xb2: {  	[dreg:$0x1] =	wrdreg $0xFFFFFFFF  }
0xb3: {  	[dreg:$0x0] =	wrdreg $0x60  }
0xb4: {  	[dreg:$0x2] =	wrdreg s24  }
0xb5: {  	[dreg:$0x3] =	wrdreg s16  }
0xb6: {  	[dreg:$0x4] =	wrdreg $0xD0000  }
0xb7: {  	[dreg:$0x5] =	wrdreg $0x180000  }
0xb8: {  	[dreg:$0x6] =	wrdreg $0x9  }
0xb9: {  	_ =	task.clear_ibuf [dreg:s7], $0x7FFFF;
	_ =	strace $0x90000046  }
0xba: {  	s29 =	simm.s32 $0x9;
	_ =	strace $0x80000048  }
0xbb: {  	_ =	swait.ge [sflag:s29], $0x1  }
0xbc: {  	[sflag:s29] =	ssyncadd.s32 $0xFFFFFFFF  }
0xbd: {  	_ =	strace $0x90000048  }
0xbe: {  	_ =	sfence  }
0xbf: {  	s30 =	sld [smem:$0x0];
	_ =	sdelay $0x2  }
0xc0: {  	s31 =	sshll.u32 s1, $0xD;
	s1 =	sshrl.u32 s1, $0x2  }
0xc1: {  	s3 =	sand.u32 $0x4000, s31;
	s1 =	sadd.s32 s1, s30  }
0xc2: {  	s0 =	sor.u32 s3, s0;
	s1 =	sshll.u32 s1, $0x11  }
0xc3: {  	s0 =	sor.u32 s1, s0  }
0xc4: {  	s0 =	sadd.s32 $0x8F2B, s0  }
0xc5: {  	[sflag:s0] =	ssyncadd.remote.s32 $0x1  }
0xc6: {  	_ =	sfence.sel $0xFFFF  }
0xc7: {  	[dreg:$0x0] =	wrdreg $0xFFFFFFFF;
	(pc) =	sbr.abs _section_cstart, $3  }
0xc8: {  	[dreg:$0x1] =	wrdreg $0xFFFFFFFF  }
0xc9: {  	_ =	task.clear_ibuf [dreg:s7], $0x2FFFF;
	_ =	strace $0x9FFFFFFF  }
0xca: {  	(tm) =	ssettm $0x7FFFFFFF  }
0xcb: {  	_ =	shalt  }
tec
execute0_lowered:
.L_overlay_start_1:
0x0: {  	(tag) =	ssettag $0x1  }
0x1: {  	s0 =	srdreg.scid  }
0x2: {  	s2 =	stileid.u32;
	s1 =	rddreg [dreg:$0x0];
	s5 =	simm.s32 $0x0  }
0x3: {  	s15 =	simm.s32 $0x2800;
	s18 =	simm.s32 $0x17000;
	s20 =	simm.s32 $0x100  }
0x4: {  	s21 =	simm.s32 $0x5000;
	s22 =	simm.s32 $0x2900;
	s23 =	simm.s32 $0x9000  }
0x5: {  	s28 =	simm.s32 $0x4;
	s29 =	simm.s32 $0x2600;
	s30 =	simm.s32 $0x2700  }
0x6: {  	s31 =	simm.s32 $0x0;
	s0 =	sand.u32 $0x1, s0;
	s10 =	smul.u32 $0x14000, s2  }
0x7: {  	s3 =	sshll.u32 s2, $0x1;
	[smem:$0x7FF] =	sst s5;
	s11 =	smul.u32 $0x2800, s2  }
0x8: {  	s6 =	sadd.s32 $0x5C00, s1;
	s8 =	sadd.s32 $0x2EA00, s1;
	s26 =	sshll.u32 s2, $0x6  }
0x9: {  	s4 =	sor.u32 s0, s3;
	s3 =	rddreg [dreg:$0x2];
	s9 =	smul.u32 $0x140000, s0  }
0xa: {  	s12 =	smul.u32 $0x28000, s0;
	s0 =	ssub.s32 $0x2, s0;
	s16 =	sor.u32 $0x1C05, s26  }
0xb: {  	s26 =	simm.s32 $0x2;
	s7 =	smul.u32 $0x500, s4;
	s4 =	rddreg [dreg:$0x3]  }
0xc: {  	_ =	strace $0x80000047;
	s24 =	sshrl.u32 s0, $0x1;
	s25 =	sshrl.u32 s10, $0x1  }
0xd: {  	s9 =	sadd.s32 s10, s9;
	s12 =	sadd.s32 s11, s12;
	s0 =	ssub.s32 s0, s24  }
0xe: {  	s17 =	sadd.s32 s25, s3;
	s19 =	sadd.s32 s11, s4;
	s24 =	simm.s32 $0x1  }
0xf: {  	s25 =	simm.s32 $0x3;
	s13 =	sadd.s32 s7, s1;
	s7 =	sadd.s32 $0x19600, s1  }
0x10: {  	s9 =	sshrl.u32 s9, $0x4;
	s12 =	sshrl.u32 s12, $0x3;
	s17 =	sshrl.u32 s17, $0x3  }
0x11: {  	s19 =	sshrl.u32 s19, $0x3;
	s14 =	sadd.s32 s9, s1;
	s1 =	sadd.s32 s12, s1  }
0x12: {  	s9 =	sadd.s32 $0x24A00, s13;
	s10 =	sadd.s32 $0x1AA00, s13;
	s13 =	smax.u32 s0, $0x1  }
0x13: {  	s11 =	sadd.s32 $0x39000, s14;
	s12 =	sadd.s32 $0x2F000, s1;
	s14 =	simm.s32 $0x5  }
.LBB2_1:
0x14: {  	[tilespmem:s5], [sflag:$0x5] =	stream.linear.gather [hbm4b:s9+s5], $0x2800, $0x38;
	[tilespmem:$0x1A800] =	vst v63  }
0x15: {  	_ =	swait.ge [sflag:s14], $0x2800  }
0x16: {  	[sflag:s14] =	ssyncset.done $0x0  }
0x17: {  	[sflag:s14] =	ssyncadd.s32 $0xFFFFD800  }
0x18: {  	[tilespmem:s15], [sflag:$0x5] =	stream.linear.gather [hbm4b:s10+s5], $0x2800, $0x38;
	[tilespmem:$0x1A800] =	vst v63  }
0x19: {  	_ =	swait.ge [sflag:s14], $0x2800  }
0x1a: {  	[sflag:s14] =	ssyncset.done $0x0  }
0x1b: {  	[sflag:s14] =	ssyncadd.s32 $0xFFFFD800  }
0x1c: {  	[spmem:s17], [sflag:s16] =	dma.local [hbm:s7], $0x1400  }
0x1d: {  	_ =	swait.ge [sflag:s14], $0x1400  }
0x1e: {  	[sflag:s14] =	ssyncset.done $0x0  }
0x1f: {  	[sflag:s14] =	ssyncadd.s32 $0xFFFFEC00  }
0x20: {  	s0 =	rddreg [dreg:$0x1]  }
0x21: {  	[tilespmem:s18], [sflag:$0x5] =	stream.linear.gather [hbm4b:s0+s5], $0x1000, $0x38;
	[tilespmem:$0x1A800] =	vst v63  }
0x22: {  	_ =	swait.ge [sflag:s14], $0x1000  }
0x23: {  	[sflag:s14] =	ssyncset.done $0x0  }
0x24: {  	[sflag:s14] =	ssyncadd.s32 $0xFFFFF000  }
0x25: {  	[spmem:s19], [sflag:s16] =	dma.local [hbm:s8], $0x500  }
0x26: {  	_ =	swait.ge [sflag:s14], $0x500  }
0x27: {  	[sflag:s14] =	ssyncset.done $0x0  }
0x28: {  	[sflag:s14] =	ssyncadd.s32 $0xFFFFFB00  }
0x29: {  	[bflag:$0x0] =	sbarrier.arrive $0xFFFF  }
0x2a: {  	[tilespmem:s21], [sflag:$0x1] =	stream.indirect.gather [hbm4b:s6+s20], $0x40, s15, s20, $0xb8;
	[tilespmem:$0x1A800] =	vst v63  }
0x2b: {  	_ = 	snop  }
0x2c: {  	[tilespmem:s23], [sflag:$0x2] =	stream.indirect.gather [hbm4b:s6+s20], $0x40, s22, s20, $0xb8;
	[tilespmem:$0x1A800] =	vst v63  }
0x2d: {  	_ =	swait.ge [sflag:s24], $0x4000  }
0x2e: {  	[sflag:s24] =	ssyncset.done $0x0  }
0x2f: {  	s2 =	simm.s32 $0x0;
	[sflag:s24] =	ssyncadd.s32 $0xFFFFC000  }
0x30: {  	[spmem:s3] =	stream.indirect.scatter.add.bf16 [tilespmem:s21], [sflag:$0x3], $0x40, s2, s20, $0xb8;
	[tilespmem:$0x1A800] =	vst v63  }
0x31: {  	_ = 	snop  }
0x32: {  	[spmem:s4] =	stream.indirect.scatter.add.f32 [tilespmem:s18], [sflag:$0x5], $0x10, s2, s20, $0xb8;
	[tilespmem:$0x1A800] =	vst v63  }
0x33: {  	_ =	swait.ge [sflag:s14], $0x1000  }
0x34: {  	[sflag:s14] =	ssyncset.done $0x0  }
0x35: {  	[sflag:s14] =	ssyncadd.s32 $0xFFFFF000  }
0x36: {  	_ =	swait.ge [sflag:s25], $0x4000  }
0x37: {  	[sflag:s25] =	ssyncset.done $0x0  }
0x38: {  	s1 =	simm.s32 $0x2A00;
	[sflag:s25] =	ssyncadd.s32 $0xFFFFC000  }
0x39: {  	[tilespmem:s21], [sflag:$0x1] =	stream.indirect.gather [hbm4b:s6+s20], $0x40, s1, s20, $0xb8;
	[tilespmem:$0x1A800] =	vst v63  }
0x3a: {  	_ =	swait.ge [sflag:s26], $0x4000  }
0x3b: {  	[sflag:s26] =	ssyncset.done $0x0  }
0x3c: {  	s2 =	simm.s32 $0x100;
	[sflag:s26] =	ssyncadd.s32 $0xFFFFC000  }
0x3d: {  	[spmem:s3] =	stream.indirect.scatter.add.bf16 [tilespmem:s23], [sflag:$0x4], $0x40, s2, s20, $0xb8;
	[tilespmem:$0x1A800] =	vst v63  }
0x3e: {  	_ = 	snop  }
0x3f: {  	[spmem:s4] =	stream.indirect.scatter.add.f32 [tilespmem:s18], [sflag:$0x5], $0x10, s2, s20, $0xb8;
	[tilespmem:$0x1A800] =	vst v63  }
0x40: {  	_ =	swait.ge [sflag:s14], $0x1000  }
0x41: {  	[sflag:s14] =	ssyncset.done $0x0  }
0x42: {  	[sflag:s14] =	ssyncadd.s32 $0xFFFFF000  }
0x43: {  	_ =	swait.ge [sflag:s28], $0x4000  }
0x44: {  	[sflag:s28] =	ssyncset.done $0x0  }
0x45: {  	s0 =	simm.s32 $0x2B00;
	s1 =	simm.s32 $0x800;
	[sflag:s28] =	ssyncadd.s32 $0xFFFFC000  }
.LBB2_2:
0x46: {  	[tilespmem:s23], [sflag:$0x2] =	stream.indirect.gather [hbm4b:s6+s20], $0x40, s0, s20, $0xb8;
	[tilespmem:$0x1A800] =	vst v63  }
0x47: {  	s0 =	smov.u32 s1  }
0x48: {  	p0 =	sne.s32 s1, $0x9000;
	s1 =	sadd.s32 $0x800, s1;
	_ =	swait.ge [sflag:s24], $0x4000  }
0x49: {  	[sflag:s24] =	ssyncset.done $0x0  }
0x4a: {  	s0 =	sshra.s32 s0, $0x2;
	[sflag:s24] =	ssyncadd.s32 $0xFFFFC000  }
0x4b: {  	[spmem:s3] =	stream.indirect.scatter.add.bf16 [tilespmem:s21], [sflag:$0x3], $0x40, s0, s20, $0xb8;
	[tilespmem:$0x1A800] =	vst v63  }
0x4c: {  	_ = 	snop  }
0x4d: {  	[spmem:s4] =	stream.indirect.scatter.add.f32 [tilespmem:s18], [sflag:$0x5], $0x10, s0, s20, $0xb8;
	[tilespmem:$0x1A800] =	vst v63  }
0x4e: {  	_ =	swait.ge [sflag:s14], $0x1000  }
0x4f: {  	[sflag:s14] =	ssyncset.done $0x0  }
0x50: {  	[sflag:s14] =	ssyncadd.s32 $0xFFFFF000  }
0x51: {  	_ =	swait.ge [sflag:s25], $0x4000  }
0x52: {  	[sflag:s25] =	ssyncset.done $0x0  }
0x53: {  	s2 =	sadd.s32 $0x2A00, s0;
	[sflag:s25] =	ssyncadd.s32 $0xFFFFC000  }
0x54: {  	[tilespmem:s21], [sflag:$0x1] =	stream.indirect.gather [hbm4b:s6+s20], $0x40, s2, s20, $0xb8;
	[tilespmem:$0x1A800] =	vst v63  }
0x55: {  	_ =	swait.ge [sflag:s26], $0x4000  }
0x56: {  	[sflag:s26] =	ssyncset.done $0x0  }
0x57: {  	s2 =	sadd.s32 $0x100, s0;
	[sflag:s26] =	ssyncadd.s32 $0xFFFFC000  }
0x58: {  	[spmem:s3] =	stream.indirect.scatter.add.bf16 [tilespmem:s23], [sflag:$0x4], $0x40, s2, s20, $0xb8;
	[tilespmem:$0x1A800] =	vst v63  }
0x59: {  	_ = 	snop  }
0x5a: {  	[spmem:s4] =	stream.indirect.scatter.add.f32 [tilespmem:s18], [sflag:$0x5], $0x10, s2, s20, $0xb8;
	[tilespmem:$0x1A800] =	vst v63  }
0x5b: {  	_ =	swait.ge [sflag:s14], $0x1000  }
.Ltmp0:
0x5c: {  	[sflag:s14] =	ssyncset.done $0x0;
	(pc) =	sbr.rel @p0 .LBB2_2-.Ltmp0, $4  }
0x5d: {  	[sflag:s14] =	ssyncadd.s32 $0xFFFFF000  }
0x5e: {  	_ =	swait.ge [sflag:s28], $0x4000  }
0x5f: {  	[sflag:s28] =	ssyncset.done $0x0  }
0x60: {  	s0 =	sadd.s32 $0x2B00, s0;
	[sflag:s28] =	ssyncadd.s32 $0xFFFFC000  }
0x61: {  	[tilespmem:s23], [sflag:$0x2] =	stream.indirect.gather [hbm4b:s6+s20], $0x40, s0, s20, $0xb8;
	[tilespmem:$0x1A800] =	vst v63  }
0x62: {  	_ =	swait.ge [sflag:s24], $0x4000  }
0x63: {  	[sflag:s24] =	ssyncset.done $0x0  }
0x64: {  	[sflag:s24] =	ssyncadd.s32 $0xFFFFC000  }
0x65: {  	[spmem:s3] =	stream.indirect.scatter.add.bf16 [tilespmem:s21], [sflag:$0x3], $0x40, s29, s20, $0xb8;
	[tilespmem:$0x1A800] =	vst v63  }
0x66: {  	_ = 	snop  }
0x67: {  	[spmem:s4] =	stream.indirect.scatter.add.f32 [tilespmem:s18], [sflag:$0x5], $0x10, s29, s20, $0xb8;
	[tilespmem:$0x1A800] =	vst v63  }
0x68: {  	_ =	swait.ge [sflag:s14], $0x1000  }
0x69: {  	[sflag:s14] =	ssyncset.done $0x0  }
0x6a: {  	[sflag:s14] =	ssyncadd.s32 $0xFFFFF000  }
0x6b: {  	_ =	swait.ge [sflag:s25], $0x4000  }
0x6c: {  	[sflag:s25] =	ssyncset.done $0x0  }
0x6d: {  	[sflag:s25] =	ssyncadd.s32 $0xFFFFC000  }
0x6e: {  	_ =	swait.ge [sflag:s26], $0x4000  }
0x6f: {  	[sflag:s26] =	ssyncset.done $0x0  }
0x70: {  	[sflag:s26] =	ssyncadd.s32 $0xFFFFC000  }
0x71: {  	[spmem:s3] =	stream.indirect.scatter.add.bf16 [tilespmem:s23], [sflag:$0x4], $0x40, s30, s20, $0xb8;
	[tilespmem:$0x1A800] =	vst v63  }
0x72: {  	_ = 	snop  }
0x73: {  	[spmem:s4] =	stream.indirect.scatter.add.f32 [tilespmem:s18], [sflag:$0x5], $0x10, s30, s20, $0xb8;
	[tilespmem:$0x1A800] =	vst v63  }
0x74: {  	_ =	swait.ge [sflag:s14], $0x1000  }
0x75: {  	[sflag:s14] =	ssyncset.done $0x0  }
0x76: {  	[sflag:s14] =	ssyncadd.s32 $0xFFFFF000  }
0x77: {  	_ =	swait.ge [sflag:s28], $0x4000  }
0x78: {  	[sflag:s28] =	ssyncset.done $0x0  }
0x79: {  	[sflag:s28] =	ssyncadd.s32 $0xFFFFC000  }
0x7a: {  	[bflag:$0x0] =	sbarrier.arrive $0xFFFF  }
0x7b: {  	[hbm:s11], [sflag:s16] =	dma.local [spmem:s17], $0x1400  }
0x7c: {  	s31 =	sadd.s32 $0x1, s31;
	_ =	swait.ge [sflag:s14], $0x1400  }
0x7d: {  	p0 =	sne.s32 s31, s13;
	[sflag:s14] =	ssyncset.done $0x0  }
.Ltmp1:
0x7e: {  	[sflag:s14] =	ssyncadd.s32 $0xFFFFEC00;
	(pc) =	sbr.rel @p0 .LBB2_1-.Ltmp1, $4  }
0x7f: {  	[hbm:s12], [sflag:s16] =	dma.local [spmem:s19], $0x500  }
0x80: {  	_ =	swait.ge [sflag:s14], $0x500  }
0x81: {  	[sflag:s14] =	ssyncset.done $0x0  }
0x82: {  	[sflag:s14] =	ssyncadd.s32 $0xFFFFFB00  }
0x83: {  	_ =	sfence.sel $0x180000  }
0x84: {  	[bflag:$0x0] =	sbarrier.arrive $0xFFFF  }
0x85: {  	_ =	strace $0x90000047  }
0x86: {  	s0 =	stileid.u32;
	[bflag:$0x2] =	sbarrier.arrive $0xFFFF  }
0x87: {  	p0 =	sne.s32 s0, $0x0;
	s0 =	rddreg [dreg:$0x4]  }
0x88: {  	s0 =	sadd.s32 @!p0 $0x100000, s0  }
0x89: {  	[sflag:s0] =	ssyncadd.tile.s32 @!p0 $0x1;
	_ =	shalt  }
.Lfunc_end2:
_tile_overlayer_lowered:
.L_overlay_start_2:
0x8a: {  	(tag) =	ssettag $0x2  }
0x8b: {  	s0 =	rddreg [dreg:$0x0];
	s2 =	stileid.u32  }
0x8c: {  	s1 =	rddreg [dreg:$0x1];
	p0 =	sne.s32 s2, $0x0  }
0x8d: {  	s3 =	rddreg [dreg:$0x2];
	[bflag:$0x3] =	sbarrier.arrive $0xFFFF;
	s2 =	simm.s32 @!p0 $0x1C05  }
0x8e: {  	[timem:s3], [sflag:s2] =	dma.local @!p0 [hbm:s0], s1  }
0x8f: {  	s0 =	simm.s32 @!p0 $0x5  }
0x90: {  	_ =	swait.ge @!p0 [sflag:s0], s1  }
0x91: {  	s1 =	ssub.s32 @!p0 $0x0, s1;
	[sflag:s0] =	ssyncset.done @!p0 $0x0  }
0x92: {  	[sflag:s0] =	ssyncadd.s32 @!p0 s1  }
0x93: {  	[bflag:$0x3] =	sbarrier.arrive $0xFFFF  }
0x94: {  	_ =	shalt  }

// kernel: kernel.15.cloned.1.call-start
scs
__scs_entry_jumppad:
0x0: {  	(pc) =	sbr.rel $0x88, $3  }
0x1: {  	(tag) =	ssettag $0x0;
	lr =	simm.s32 $0x1  }
0x2: {  	[smem:$0x3F7F] =	sst lr;
	_ =	strace $0xD0000000  }
0x3: {  	_ = 	snop  }
0x4: {  	_ = 	snop  }
0x5: {  	_ = 	snop  }
0x6: {  	_ = 	snop  }
0x7: {  	_ = 	snop  }
__scs_overlays_trampoline_lowered:
0x8: {  	[smem:$0x3F8E] =	sst s0  }
0x9: {  	[smem:$0x3F8F] =	sst s1  }
0xa: {  	[smem:$0x3F90] =	sst s2  }
0xb: {  	[smem:$0x3F91] =	sst s3  }
0xc: {  	[smem:$0x3F92] =	sst s4  }
0xd: {  	[smem:$0x3F93] =	sst s5  }
0xe: {  	[smem:$0x3F94] =	sst s6  }
0xf: {  	[smem:$0x3F95] =	sst s7  }
0x10: {  	[smem:$0x3F96] =	sst s8  }
0x11: {  	[smem:$0x3F97] =	sst s9;
	s0 =	simm.s32 @!p0 $0x0  }
0x12: {  	s1 =	sld [smem:$0x3F7D];
	s0 =	simm.s32 @p0 $0x1  }
0x13: {  	[smem:$0x3F98] =	sst s0;
	s0 =	simm.s32 @!p1 $0x0  }
0x14: {  	s2 =	sld [smem:$0x3F7C];
	s0 =	simm.s32 @p1 $0x1  }
0x15: {  	[smem:$0x3F99] =	sst s0;
	s0 =	simm.s32 @!p2 $0x0  }
0x16: {  	s3 =	sld [smem:$0x3FDB];
	s0 =	simm.s32 @p2 $0x1  }
0x17: {  	s4 =	simm.s32 $0x1BF5;
	[smem:$0x3F9B] =	sst s0  }
0x18: {  	s0 =	sld [smem:$0x3F7E];
	_ =	swait.ge [sflag:s4], $0x0  }
0x19: {  	s7 =	sld [smem:$0x3F7F]  }
0x1a: {  	s8 =	sadd.s32 $0xFFFFE003, lr  }
0x1b: {  	s9 =	sadd.s32 $0xFFFFFEF7, lr;
	s5 =	simm.s32 $0xFFFFFFFF;
	p2 =	slt.u32 s8, $0xFFFFF086  }
0x1c: {  	p1 =	slt.u32 s9, $0xF7A;
	s5 =	simm.s32 @!p2 $0x0  }
0x1d: {  	s5 =	simm.s32 @p1 $0x1;
	p0 =	seq.s32 s7, s2  }
0x1e: {  	s7 =	smul.u32 @!p0 $0xF7A, s2;
	p2 =	seq.s32 @!p0 s5, $0x0  }
0x1f: {  	s9 =	smul.u32 $0xF7A, s1;
	s8 =	simm.s32 @!p0 $0x1BF5;
	p2 =	por !p2, p0  }
0x20: {  	[sflag:s8] =	ssyncset.s32 @!p0 $0xFFFFF086;
	s6 =	sadd.s32 @!p0 s3, s7;
	s7 =	simm.s32 @!p0 $0x108  }
0x21: {  	s3 =	sadd.s32 s3, s9;
	s6 =	sadd.s32 @!p0 $0x88, s6;
	s7 =	simm.s32 @p2 $0x1082  }
0x22: {  	[simem:s7], [sflag:s8] =	dma.local @!p0 [hbm:s6], $0xF7A  }
0x23: {  	s9 =	sor.u32 $0xD0000000, s2;
	s6 =	simm.s32 $0x108;
	_ =	swait.ge @!p0 [sflag:s8], $0x0  }
0x24: {  	s3 =	sadd.s32 $0x88, s3;
	s6 =	simm.s32 @!p1 $0x1082;
	[sflag:s4] =	ssyncset.s32 $0xFFFFF086  }
0x25: {  	[simem:s6], [sflag:s4] =	dma.local [hbm:s3], $0xF7A  }
0x26: {  	[smem:$0x3F7F] =	sst s1;
	(tag) =	ssettag s2;
	_ =	strace s9  }
0x27: {  	s1 =	sld [smem:$0x3F8F]  }
0x28: {  	s2 =	sld [smem:$0x3F90]  }
0x29: {  	s4 =	sld [smem:$0x3F92]  }
0x2a: {  	p0 =	seq.s32 s5, $0x0;
	s5 =	sld [smem:$0x3F93]  }
0x2b: {  	s6 =	sld [smem:$0x3F94]  }
0x2c: {  	s7 =	sld [smem:$0x3F95]  }
0x2d: {  	s3 =	simm.s32 $0x108;
	s8 =	sld [smem:$0x3F96]  }
0x2e: {  	s3 =	simm.s32 @!p0 $0x1082;
	s9 =	sld [smem:$0x3F97]  }
0x2f: {  	lr =	sadd.s32 s0, s3;
	s0 =	sld [smem:$0x3F8E]  }
0x30: {  	s3 =	sld [smem:$0x3F91]  }
0x31: {  	[smem:$0x3F9A] =	sst s10  }
0x32: {  	s10 =	sld [smem:$0x3F98];
	_ =	sdelay $0x3  }
0x33: {  	p0 =	seq.s32 s10, $0x1;
	s10 =	sld [smem:$0x3F9A];
	_ =	sdelay $0x3  }
0x34: {  	[smem:$0x3F9A] =	sst s10  }
0x35: {  	s10 =	sld [smem:$0x3F99];
	_ =	sdelay $0x3  }
0x36: {  	p1 =	seq.s32 s10, $0x1;
	s10 =	sld [smem:$0x3F9A];
	_ =	sdelay $0x3  }
0x37: {  	[smem:$0x3F9A] =	sst s10  }
0x38: {  	s10 =	sld [smem:$0x3F9B]  }
0x39: {  	_ = 	snop;
	(pc) =	sbr.ind lr, $3  }
0x3a: {  	_ = 	snop  }
0x3b: {  	_ = 	snop  }
0x3c: {  	p2 =	seq.s32 s10, $0x1;
	s10 =	sld [smem:$0x3F9A]  }
0x3d: {  	_ =	shalt  }
0x3e: {  	_ =	shalt  }
0x3f: {  	_ =	shalt  }
0x40: {  	_ =	shalt  }
0x41: {  	_ =	shalt  }
0x42: {  	_ =	shalt  }
0x43: {  	_ =	shalt  }
0x44: {  	_ =	shalt  }
0x45: {  	_ =	shalt  }
0x46: {  	_ =	shalt  }
0x47: {  	_ =	shalt  }
0x48: {  	_ =	shalt  }
0x49: {  	_ =	shalt  }
0x4a: {  	_ =	shalt  }
0x4b: {  	_ =	shalt  }
0x4c: {  	_ =	shalt  }
0x4d: {  	_ =	shalt  }
0x4e: {  	_ =	shalt  }
0x4f: {  	_ =	shalt  }
0x50: {  	_ =	shalt  }
0x51: {  	_ =	shalt  }
0x52: {  	_ =	shalt  }
0x53: {  	_ =	shalt  }
0x54: {  	_ =	shalt  }
0x55: {  	_ =	shalt  }
0x56: {  	_ =	shalt  }
0x57: {  	_ =	shalt  }
0x58: {  	_ =	shalt  }
0x59: {  	_ =	shalt  }
0x5a: {  	_ =	shalt  }
0x5b: {  	_ =	shalt  }
0x5c: {  	_ =	shalt  }
0x5d: {  	_ =	shalt  }
0x5e: {  	_ =	shalt  }
0x5f: {  	_ =	shalt  }
0x60: {  	_ =	shalt  }
0x61: {  	_ =	shalt  }
0x62: {  	_ =	shalt  }
0x63: {  	_ =	shalt  }
0x64: {  	_ =	shalt  }
0x65: {  	_ =	shalt  }
0x66: {  	_ =	shalt  }
0x67: {  	_ =	shalt  }
0x68: {  	_ =	shalt  }
0x69: {  	_ =	shalt  }
0x6a: {  	_ =	shalt  }
0x6b: {  	_ =	shalt  }
0x6c: {  	_ =	shalt  }
0x6d: {  	_ =	shalt  }
0x6e: {  	_ =	shalt  }
0x6f: {  	_ =	shalt  }
0x70: {  	_ =	shalt  }
0x71: {  	_ =	shalt  }
0x72: {  	_ =	shalt  }
0x73: {  	_ =	shalt  }
0x74: {  	_ =	shalt  }
0x75: {  	_ =	shalt  }
0x76: {  	_ =	shalt  }
0x77: {  	_ =	shalt  }
0x78: {  	_ =	shalt  }
0x79: {  	_ =	shalt  }
0x7a: {  	_ =	shalt  }
0x7b: {  	_ =	shalt  }
0x7c: {  	_ =	shalt  }
0x7d: {  	_ =	shalt  }
0x7e: {  	_ =	shalt  }
0x7f: {  	_ =	shalt  }
0x80: {  	_ =	shalt  }
0x81: {  	_ =	shalt  }
0x82: {  	_ =	shalt  }
0x83: {  	_ =	shalt  }
0x84: {  	_ =	shalt  }
0x85: {  	_ =	shalt  }
0x86: {  	_ =	shalt  }
0x87: {  	_ =	shalt  }
.Lfunc_end0:
.L_simem_size_0:
called_computation.1_lowered:
.L_overlay_start_0:
0x88: {  	s2 =	sld [smem:$0x3FD9]  }
0x89: {  	s3 =	sld [smem:$0x3FFE];
	_ =	sdelay $0x1  }
0x8a: {  	s1 =	srdreg.scid  }
0x8b: {  	s0 =	sand.u32 $0x1, s1  }
0x8c: {  	s16 =	sshll.u32 s0, $0xA;
	s2 =	sadd.s32 s3, s2  }
0x8d: {  	s2 =	sadd.s32 s2, s16  }
0x8e: {  	[smem:$0x3FA6] =	sst s2  }
0x8f: {  	_ = 	snop  }
0x90: {  	(tm) =	ssettm $0x1  }
0x91: {  	s17 =	sld [smem:$0x3FFB];
	_ =	sdelay $0x3  }
0x92: {  	_ =	strace s17  }
0x93: {  	s2 =	sld [smem:$0x3FFC];
	_ =	sdelay $0x3  }
0x94: {  	_ =	strace s2  }
0x95: {  	s2 =	sld [smem:$0x3FFD];
	_ =	sdelay $0x3  }
0x96: {  	_ =	strace s2  }
0x97: {  	_ =	strace $0x8FFFFFFF  }
0x98: {  	s18 =	sld [smem:$0x3FDB];
	_ =	sdelay $0x1  }
0x99: {  	s19 =	simm.s32 $_scs_section_size  }
0x9a: {  	s4 =	simm.s32 $_size__tile_overlayer_lowered;
	s5 =	simm.s32 $_tile_overlayer_lowered  }
0x9b: {  	s22 =	simm.s32 $0x1BFF;
	s21 =	sshll.u32 s5, $0x1;
	s2 =	sadd.s32 s19, s18  }
0x9c: {  	s6 =	simm.s32 $0x0;
	s20 =	sshll.u32 s4, $0x1;
	s4 =	sadd.s32 s21, s2  }
0x9d: {  	[timem:s6], [sflag:s22] =	dma.local [hbm:s4], s20  }
0x9e: {  	_ =	swait.ge [sflag:s22], s20  }
0x9f: {  	s3 =	ssub.s32 $0x0, s20;
	[sflag:s22] =	ssyncset.done $0x0  }
0xa0: {  	[sflag:s22] =	ssyncadd.s32 s3;
	_ =	sdelay $0x1  }
0xa1: {  	s23 =	simm.s32 $0x1B8B  }
0xa2: {  	_ =	swait.ge [sflag:s23], $0x1  }
0xa3: {  	[sflag:s23] =	ssyncset.done $0x0  }
0xa4: {  	s25 =	simm.s32 $0x1B8E;
	s24 =	sld [smem:$0x3FFE];
	[sflag:s23] =	ssyncadd.s32 $0xFFFFFFFF  }
0xa5: {  	s26 =	simm.s32 $execute0_lowered;
	[smem:$0x3FD2] =	sst s25  }
0xa6: {  	s4 =	sshll.u32 s26, $0x1;
	_ =	strace $0x80000049;
	[dreg:$0x1] =	wrdreg $0xFFFFFFFF  }
0xa7: {  	s28 =	simm.s32 $_size_execute0_lowered;
	s2 =	sadd.s32 s2, s4;
	[dreg:$0x0] =	wrdreg $0x0  }
0xa8: {  	s4 =	sshll.u32 s28, $0x1;
	[dreg:$0x2] =	wrdreg s2  }
0xa9: {  	[dreg:$0x3] =	wrdreg s4  }
0xaa: {  	[dreg:$0x4] =	wrdreg $0xC0  }
0xab: {  	_ =	task [dreg:s6], $0x5FFFF  }
0xac: {  	[dreg:$0x1] =	wrdreg $0xFFFFFFFF  }
0xad: {  	[dreg:$0x0] =	wrdreg $0x60  }
0xae: {  	[dreg:$0x2] =	wrdreg s24  }
0xaf: {  	[dreg:$0x3] =	wrdreg $0xD0000  }
0xb0: {  	[dreg:$0x4] =	wrdreg $0x9  }
0xb1: {  	_ =	task.clear_ibuf [dreg:s6], $0x5FFFF;
	_ =	strace $0x90000049  }
0xb2: {  	s29 =	simm.s32 $0x9;
	_ =	strace $0x8000004B  }
0xb3: {  	_ =	swait.ge [sflag:s29], $0x1  }
0xb4: {  	[sflag:s29] =	ssyncadd.s32 $0xFFFFFFFF  }
0xb5: {  	_ =	strace $0x9000004B  }
0xb6: {  	_ =	sfence  }
0xb7: {  	s30 =	sld [smem:$0x0];
	_ =	sdelay $0x2  }
0xb8: {  	s31 =	sshll.u32 s1, $0xD;
	s1 =	sshrl.u32 s1, $0x2  }
0xb9: {  	s3 =	sand.u32 $0x4000, s31;
	s1 =	sadd.s32 s1, s30  }
0xba: {  	s0 =	sor.u32 s3, s0;
	s1 =	sshll.u32 s1, $0x11  }
0xbb: {  	s0 =	sor.u32 s1, s0  }
0xbc: {  	s0 =	sadd.s32 $0x8F2B, s0  }
0xbd: {  	[sflag:s0] =	ssyncadd.remote.s32 $0x1  }
0xbe: {  	_ =	sfence.sel $0xFFFF  }
0xbf: {  	[dreg:$0x0] =	wrdreg $0xFFFFFFFF;
	(pc) =	sbr.abs _section_cstart, $3  }
0xc0: {  	[dreg:$0x1] =	wrdreg $0xFFFFFFFF  }
0xc1: {  	_ =	task.clear_ibuf [dreg:s6], $0x2FFFF;
	_ =	strace $0x9FFFFFFF  }
0xc2: {  	(tm) =	ssettm $0x7FFFFFFF  }
0xc3: {  	_ =	shalt  }
tec
execute0_lowered:
.L_overlay_start_1:
0x0: {  	(tag) =	ssettag $0x1  }
0x1: {  	s1 =	srdreg.scid  }
0x2: {  	s0 =	stileid.u32;
	s6 =	rddreg [dreg:$0x0]  }
0x3: {  	s2 =	rddreg [dreg:$0x1];
	s3 =	simm.s32 $0x0;
	s14 =	simm.s32 $0x100  }
0x4: {  	s15 =	simm.s32 $0x5000;
	s16 =	simm.s32 $0x2900;
	s17 =	simm.s32 $0x9000  }
0x5: {  	s18 =	simm.s32 $0x1;
	s19 =	simm.s32 $0x3;
	s20 =	simm.s32 $0x2  }
0x6: {  	s21 =	simm.s32 $0x4;
	s22 =	simm.s32 $0x2600;
	s23 =	simm.s32 $0x2700  }
0x7: {  	s24 =	simm.s32 $0x0;
	s5 =	sand.u32 $0x1, s1;
	s31 =	sshll.u32 s0, $0x1  }
0x8: {  	s8 =	smul.u32 $0x14000, s0;
	[smem:$0x7FF] =	sst s3;
	s4 =	sadd.s32 $0x5C00, s6  }
0x9: {  	s12 =	sshll.u32 s0, $0x6;
	s1 =	sor.u32 s5, s31;
	s9 =	smul.u32 $0x140000, s5  }
0xa: {  	s10 =	ssub.s32 $0x2, s5;
	s5 =	sadd.s32 $0x19600, s6;
	s12 =	sor.u32 $0x1C05, s12  }
0xb: {  	s7 =	smul.u32 $0x500, s1;
	s1 =	rddreg [dreg:$0x2];
	s11 =	sshrl.u32 s10, $0x1  }
0xc: {  	_ =	strace $0x8000004A;
	s9 =	sadd.s32 s8, s9;
	s10 =	ssub.s32 s10, s11  }
0xd: {  	s8 =	sshrl.u32 s8, $0x1;
	s11 =	simm.s32 $0x2800;
	s9 =	sshrl.u32 s9, $0x4  }
0xe: {  	s7 =	sadd.s32 s7, s6;
	s13 =	sadd.s32 s8, s2;
	s9 =	sadd.s32 s9, s6  }
0xf: {  	s6 =	sadd.s32 $0x24A00, s7;
	s7 =	sadd.s32 $0x1AA00, s7;
	s13 =	sshrl.u32 s13, $0x3  }
0x10: {  	s8 =	sadd.s32 $0x2EA00, s9;
	s9 =	smax.u32 s10, $0x1;
	s10 =	simm.s32 $0x5  }
.LBB2_1:
0x11: {  	[tilespmem:s3], [sflag:$0x5] =	stream.linear.gather [hbm4b:s6+s3], $0x2800, $0x38;
	[tilespmem:$0x17000] =	vst v63  }
0x12: {  	_ =	swait.ge [sflag:s10], $0x2800  }
0x13: {  	[sflag:s10] =	ssyncset.done $0x0  }
0x14: {  	[sflag:s10] =	ssyncadd.s32 $0xFFFFD800  }
0x15: {  	[tilespmem:s11], [sflag:$0x5] =	stream.linear.gather [hbm4b:s7+s3], $0x2800, $0x38;
	[tilespmem:$0x17000] =	vst v63  }
0x16: {  	_ =	swait.ge [sflag:s10], $0x2800  }
0x17: {  	[sflag:s10] =	ssyncset.done $0x0  }
0x18: {  	[sflag:s10] =	ssyncadd.s32 $0xFFFFD800  }
0x19: {  	[spmem:s13], [sflag:s12] =	dma.local [hbm:s5], $0x1400  }
0x1a: {  	_ =	swait.ge [sflag:s10], $0x1400  }
0x1b: {  	[sflag:s10] =	ssyncset.done $0x0  }
0x1c: {  	[sflag:s10] =	ssyncadd.s32 $0xFFFFEC00  }
0x1d: {  	[bflag:$0x0] =	sbarrier.arrive $0xFFFF  }
0x1e: {  	[tilespmem:s15], [sflag:$0x1] =	stream.indirect.gather [hbm4b:s4+s14], $0x40, s11, s14, $0xb8;
	[tilespmem:$0x17000] =	vst v63  }
0x1f: {  	_ = 	snop  }
0x20: {  	[tilespmem:s17], [sflag:$0x2] =	stream.indirect.gather [hbm4b:s4+s14], $0x40, s16, s14, $0xb8;
	[tilespmem:$0x17000] =	vst v63  }
0x21: {  	_ =	swait.ge [sflag:s18], $0x4000  }
0x22: {  	[sflag:s18] =	ssyncset.done $0x0  }
0x23: {  	s25 =	simm.s32 $0x0;
	[sflag:s18] =	ssyncadd.s32 $0xFFFFC000  }
0x24: {  	[spmem:s2] =	stream.indirect.scatter.add.bf16 [tilespmem:s15], [sflag:$0x3], $0x40, s25, s14, $0xb8;
	[tilespmem:$0x17000] =	vst v63  }
0x25: {  	_ =	swait.ge [sflag:s19], $0x4000  }
0x26: {  	[sflag:s19] =	ssyncset.done $0x0  }
0x27: {  	s30 =	simm.s32 $0x2A00;
	[sflag:s19] =	ssyncadd.s32 $0xFFFFC000  }
0x28: {  	[tilespmem:s15], [sflag:$0x1] =	stream.indirect.gather [hbm4b:s4+s14], $0x40, s30, s14, $0xb8;
	[tilespmem:$0x17000] =	vst v63  }
0x29: {  	_ =	swait.ge [sflag:s20], $0x4000  }
0x2a: {  	[sflag:s20] =	ssyncset.done $0x0  }
0x2b: {  	s31 =	simm.s32 $0x100;
	[sflag:s20] =	ssyncadd.s32 $0xFFFFC000  }
0x2c: {  	[spmem:s2] =	stream.indirect.scatter.add.bf16 [tilespmem:s17], [sflag:$0x4], $0x40, s31, s14, $0xb8;
	[tilespmem:$0x17000] =	vst v63  }
0x2d: {  	_ =	swait.ge [sflag:s21], $0x4000  }
0x2e: {  	[sflag:s21] =	ssyncset.done $0x0  }
0x2f: {  	s26 =	simm.s32 $0x2B00;
	s25 =	simm.s32 $0x800;
	[sflag:s21] =	ssyncadd.s32 $0xFFFFC000  }
.LBB2_2:
0x30: {  	[tilespmem:s17], [sflag:$0x2] =	stream.indirect.gather [hbm4b:s4+s14], $0x40, s26, s14, $0xb8;
	[tilespmem:$0x17000] =	vst v63  }
0x31: {  	s26 =	smov.u32 s25  }
0x32: {  	p0 =	sne.s32 s25, $0x9000;
	s25 =	sadd.s32 $0x800, s25;
	_ =	swait.ge [sflag:s18], $0x4000  }
0x33: {  	[sflag:s18] =	ssyncset.done $0x0  }
0x34: {  	s26 =	sshra.s32 s26, $0x2;
	[sflag:s18] =	ssyncadd.s32 $0xFFFFC000  }
0x35: {  	[spmem:s2] =	stream.indirect.scatter.add.bf16 [tilespmem:s15], [sflag:$0x3], $0x40, s26, s14, $0xb8;
	[tilespmem:$0x17000] =	vst v63  }
0x36: {  	_ =	swait.ge [sflag:s19], $0x4000  }
0x37: {  	[sflag:s19] =	ssyncset.done $0x0  }
0x38: {  	s28 =	sadd.s32 $0x2A00, s26;
	[sflag:s19] =	ssyncadd.s32 $0xFFFFC000  }
0x39: {  	[tilespmem:s15], [sflag:$0x1] =	stream.indirect.gather [hbm4b:s4+s14], $0x40, s28, s14, $0xb8;
	[tilespmem:$0x17000] =	vst v63  }
0x3a: {  	_ =	swait.ge [sflag:s20], $0x4000  }
0x3b: {  	[sflag:s20] =	ssyncset.done $0x0  }
.Ltmp0:
0x3c: {  	s28 =	sadd.s32 $0x100, s26;
	[sflag:s20] =	ssyncadd.s32 $0xFFFFC000;
	(pc) =	sbr.rel @p0 .LBB2_2-.Ltmp0, $4  }
0x3d: {  	[spmem:s2] =	stream.indirect.scatter.add.bf16 [tilespmem:s17], [sflag:$0x4], $0x40, s28, s14, $0xb8;
	[tilespmem:$0x17000] =	vst v63  }
0x3e: {  	_ =	swait.ge [sflag:s21], $0x4000  }
0x3f: {  	[sflag:s21] =	ssyncset.done $0x0  }
0x40: {  	s26 =	sadd.s32 $0x2B00, s26;
	[sflag:s21] =	ssyncadd.s32 $0xFFFFC000  }
0x41: {  	[tilespmem:s17], [sflag:$0x2] =	stream.indirect.gather [hbm4b:s4+s14], $0x40, s26, s14, $0xb8;
	[tilespmem:$0x17000] =	vst v63  }
0x42: {  	_ =	swait.ge [sflag:s18], $0x4000  }
0x43: {  	[sflag:s18] =	ssyncset.done $0x0  }
0x44: {  	[sflag:s18] =	ssyncadd.s32 $0xFFFFC000  }
0x45: {  	[spmem:s2] =	stream.indirect.scatter.add.bf16 [tilespmem:s15], [sflag:$0x3], $0x40, s22, s14, $0xb8;
	[tilespmem:$0x17000] =	vst v63  }
0x46: {  	_ =	swait.ge [sflag:s19], $0x4000  }
0x47: {  	[sflag:s19] =	ssyncset.done $0x0  }
0x48: {  	[sflag:s19] =	ssyncadd.s32 $0xFFFFC000  }
0x49: {  	_ =	swait.ge [sflag:s20], $0x4000  }
0x4a: {  	[sflag:s20] =	ssyncset.done $0x0  }
0x4b: {  	[sflag:s20] =	ssyncadd.s32 $0xFFFFC000  }
0x4c: {  	[spmem:s2] =	stream.indirect.scatter.add.bf16 [tilespmem:s17], [sflag:$0x4], $0x40, s23, s14, $0xb8;
	[tilespmem:$0x17000] =	vst v63  }
0x4d: {  	_ =	swait.ge [sflag:s21], $0x4000  }
0x4e: {  	s24 =	sadd.s32 $0x1, s24;
	[sflag:s21] =	ssyncset.done $0x0  }
0x4f: {  	p0 =	sne.s32 s24, s9;
	[sflag:s21] =	ssyncadd.s32 $0xFFFFC000  }
.Ltmp1:
0x50: {  	[bflag:$0x0] =	sbarrier.arrive $0xFFFF;
	(pc) =	sbr.rel @p0 .LBB2_1-.Ltmp1, $4  }
0x51: {  	[hbm:s8], [sflag:s12] =	dma.local [spmem:s13], $0x1400  }
0x52: {  	_ =	swait.ge [sflag:s10], $0x1400  }
0x53: {  	[sflag:s10] =	ssyncset.done $0x0  }
0x54: {  	[sflag:s10] =	ssyncadd.s32 $0xFFFFEC00  }
0x55: {  	_ =	sfence.sel $0x180000  }
0x56: {  	[bflag:$0x0] =	sbarrier.arrive $0xFFFF  }
0x57: {  	p0 =	sne.s32 s0, $0x0;
	_ =	strace $0x9000004A  }
0x58: {  	s0 =	sadd.s32 @!p0 $0x100000, s1;
	[bflag:$0x2] =	sbarrier.arrive $0xFFFF  }
0x59: {  	[sflag:s0] =	ssyncadd.tile.s32 @!p0 $0x1;
	_ =	shalt  }
.Lfunc_end2:
_tile_overlayer_lowered:
.L_overlay_start_2:
0x5a: {  	(tag) =	ssettag $0x2  }
0x5b: {  	s0 =	rddreg [dreg:$0x0];
	s2 =	stileid.u32  }
0x5c: {  	s1 =	rddreg [dreg:$0x1];
	p0 =	sne.s32 s2, $0x0  }
0x5d: {  	s3 =	rddreg [dreg:$0x2];
	[bflag:$0x3] =	sbarrier.arrive $0xFFFF;
	s2 =	simm.s32 @!p0 $0x1C05  }
0x5e: {  	[timem:s3], [sflag:s2] =	dma.local @!p0 [hbm:s0], s1  }
0x5f: {  	s0 =	simm.s32 @!p0 $0x5  }
0x60: {  	_ =	swait.ge @!p0 [sflag:s0], s1  }
0x61: {  	s1 =	ssub.s32 @!p0 $0x0, s1;
	[sflag:s0] =	ssyncset.done @!p0 $0x0  }
0x62: {  	[sflag:s0] =	ssyncadd.s32 @!p0 s1  }
0x63: {  	[bflag:$0x3] =	sbarrier.arrive $0xFFFF  }
0x64: {  	_ =	shalt  }

// kernel: kernel.18.cloned.1.call-start
scs
__scs_entry_jumppad:
0x0: {  	(pc) =	sbr.rel $0x88, $3  }
0x1: {  	(tag) =	ssettag $0x0;
	lr =	simm.s32 $0x1  }
0x2: {  	[smem:$0x3F7F] =	sst lr;
	_ =	strace $0xD0000000  }
0x3: {  	_ = 	snop  }
0x4: {  	_ = 	snop  }
0x5: {  	_ = 	snop  }
0x6: {  	_ = 	snop  }
0x7: {  	_ = 	snop  }
__scs_overlays_trampoline_lowered:
0x8: {  	[smem:$0x3F8E] =	sst s0  }
0x9: {  	[smem:$0x3F8F] =	sst s1  }
0xa: {  	[smem:$0x3F90] =	sst s2  }
0xb: {  	[smem:$0x3F91] =	sst s3  }
0xc: {  	[smem:$0x3F92] =	sst s4  }
0xd: {  	[smem:$0x3F93] =	sst s5  }
0xe: {  	[smem:$0x3F94] =	sst s6  }
0xf: {  	[smem:$0x3F95] =	sst s7  }
0x10: {  	[smem:$0x3F96] =	sst s8  }
0x11: {  	[smem:$0x3F97] =	sst s9;
	s0 =	simm.s32 @!p0 $0x0  }
0x12: {  	s1 =	sld [smem:$0x3F7D];
	s0 =	simm.s32 @p0 $0x1  }
0x13: {  	[smem:$0x3F98] =	sst s0;
	s0 =	simm.s32 @!p1 $0x0  }
0x14: {  	s2 =	sld [smem:$0x3F7C];
	s0 =	simm.s32 @p1 $0x1  }
0x15: {  	[smem:$0x3F99] =	sst s0;
	s0 =	simm.s32 @!p2 $0x0  }
0x16: {  	s3 =	sld [smem:$0x3FDB];
	s0 =	simm.s32 @p2 $0x1  }
0x17: {  	s4 =	simm.s32 $0x1BF5;
	[smem:$0x3F9B] =	sst s0  }
0x18: {  	s0 =	sld [smem:$0x3F7E];
	_ =	swait.ge [sflag:s4], $0x0  }
0x19: {  	s7 =	sld [smem:$0x3F7F]  }
0x1a: {  	s8 =	sadd.s32 $0xFFFFE003, lr  }
0x1b: {  	s9 =	sadd.s32 $0xFFFFFEF7, lr;
	s5 =	simm.s32 $0xFFFFFFFF;
	p2 =	slt.u32 s8, $0xFFFFF086  }
0x1c: {  	p1 =	slt.u32 s9, $0xF7A;
	s5 =	simm.s32 @!p2 $0x0  }
0x1d: {  	s5 =	simm.s32 @p1 $0x1;
	p0 =	seq.s32 s7, s2  }
0x1e: {  	s7 =	smul.u32 @!p0 $0xF7A, s2;
	p2 =	seq.s32 @!p0 s5, $0x0  }
0x1f: {  	s9 =	smul.u32 $0xF7A, s1;
	s8 =	simm.s32 @!p0 $0x1BF5;
	p2 =	por !p2, p0  }
0x20: {  	[sflag:s8] =	ssyncset.s32 @!p0 $0xFFFFF086;
	s6 =	sadd.s32 @!p0 s3, s7;
	s7 =	simm.s32 @!p0 $0x108  }
0x21: {  	s3 =	sadd.s32 s3, s9;
	s6 =	sadd.s32 @!p0 $0x88, s6;
	s7 =	simm.s32 @p2 $0x1082  }
0x22: {  	[simem:s7], [sflag:s8] =	dma.local @!p0 [hbm:s6], $0xF7A  }
0x23: {  	s9 =	sor.u32 $0xD0000000, s2;
	s6 =	simm.s32 $0x108;
	_ =	swait.ge @!p0 [sflag:s8], $0x0  }
0x24: {  	s3 =	sadd.s32 $0x88, s3;
	s6 =	simm.s32 @!p1 $0x1082;
	[sflag:s4] =	ssyncset.s32 $0xFFFFF086  }
0x25: {  	[simem:s6], [sflag:s4] =	dma.local [hbm:s3], $0xF7A  }
0x26: {  	[smem:$0x3F7F] =	sst s1;
	(tag) =	ssettag s2;
	_ =	strace s9  }
0x27: {  	s1 =	sld [smem:$0x3F8F]  }
0x28: {  	s2 =	sld [smem:$0x3F90]  }
0x29: {  	s4 =	sld [smem:$0x3F92]  }
0x2a: {  	p0 =	seq.s32 s5, $0x0;
	s5 =	sld [smem:$0x3F93]  }
0x2b: {  	s6 =	sld [smem:$0x3F94]  }
0x2c: {  	s7 =	sld [smem:$0x3F95]  }
0x2d: {  	s3 =	simm.s32 $0x108;
	s8 =	sld [smem:$0x3F96]  }
0x2e: {  	s3 =	simm.s32 @!p0 $0x1082;
	s9 =	sld [smem:$0x3F97]  }
0x2f: {  	lr =	sadd.s32 s0, s3;
	s0 =	sld [smem:$0x3F8E]  }
0x30: {  	s3 =	sld [smem:$0x3F91]  }
0x31: {  	[smem:$0x3F9A] =	sst s10  }
0x32: {  	s10 =	sld [smem:$0x3F98];
	_ =	sdelay $0x3  }
0x33: {  	p0 =	seq.s32 s10, $0x1;
	s10 =	sld [smem:$0x3F9A];
	_ =	sdelay $0x3  }
0x34: {  	[smem:$0x3F9A] =	sst s10  }
0x35: {  	s10 =	sld [smem:$0x3F99];
	_ =	sdelay $0x3  }
0x36: {  	p1 =	seq.s32 s10, $0x1;
	s10 =	sld [smem:$0x3F9A];
	_ =	sdelay $0x3  }
0x37: {  	[smem:$0x3F9A] =	sst s10  }
0x38: {  	s10 =	sld [smem:$0x3F9B]  }
0x39: {  	_ = 	snop;
	(pc) =	sbr.ind lr, $3  }
0x3a: {  	_ = 	snop  }
0x3b: {  	_ = 	snop  }
0x3c: {  	p2 =	seq.s32 s10, $0x1;
	s10 =	sld [smem:$0x3F9A]  }
0x3d: {  	_ =	shalt  }
0x3e: {  	_ =	shalt  }
0x3f: {  	_ =	shalt  }
0x40: {  	_ =	shalt  }
0x41: {  	_ =	shalt  }
0x42: {  	_ =	shalt  }
0x43: {  	_ =	shalt  }
0x44: {  	_ =	shalt  }
0x45: {  	_ =	shalt  }
0x46: {  	_ =	shalt  }
0x47: {  	_ =	shalt  }
0x48: {  	_ =	shalt  }
0x49: {  	_ =	shalt  }
0x4a: {  	_ =	shalt  }
0x4b: {  	_ =	shalt  }
0x4c: {  	_ =	shalt  }
0x4d: {  	_ =	shalt  }
0x4e: {  	_ =	shalt  }
0x4f: {  	_ =	shalt  }
0x50: {  	_ =	shalt  }
0x51: {  	_ =	shalt  }
0x52: {  	_ =	shalt  }
0x53: {  	_ =	shalt  }
0x54: {  	_ =	shalt  }
0x55: {  	_ =	shalt  }
0x56: {  	_ =	shalt  }
0x57: {  	_ =	shalt  }
0x58: {  	_ =	shalt  }
0x59: {  	_ =	shalt  }
0x5a: {  	_ =	shalt  }
0x5b: {  	_ =	shalt  }
0x5c: {  	_ =	shalt  }
0x5d: {  	_ =	shalt  }
0x5e: {  	_ =	shalt  }
0x5f: {  	_ =	shalt  }
0x60: {  	_ =	shalt  }
0x61: {  	_ =	shalt  }
0x62: {  	_ =	shalt  }
0x63: {  	_ =	shalt  }
0x64: {  	_ =	shalt  }
0x65: {  	_ =	shalt  }
0x66: {  	_ =	shalt  }
0x67: {  	_ =	shalt  }
0x68: {  	_ =	shalt  }
0x69: {  	_ =	shalt  }
0x6a: {  	_ =	shalt  }
0x6b: {  	_ =	shalt  }
0x6c: {  	_ =	shalt  }
0x6d: {  	_ =	shalt  }
0x6e: {  	_ =	shalt  }
0x6f: {  	_ =	shalt  }
0x70: {  	_ =	shalt  }
0x71: {  	_ =	shalt  }
0x72: {  	_ =	shalt  }
0x73: {  	_ =	shalt  }
0x74: {  	_ =	shalt  }
0x75: {  	_ =	shalt  }
0x76: {  	_ =	shalt  }
0x77: {  	_ =	shalt  }
0x78: {  	_ =	shalt  }
0x79: {  	_ =	shalt  }
0x7a: {  	_ =	shalt  }
0x7b: {  	_ =	shalt  }
0x7c: {  	_ =	shalt  }
0x7d: {  	_ =	shalt  }
0x7e: {  	_ =	shalt  }
0x7f: {  	_ =	shalt  }
0x80: {  	_ =	shalt  }
0x81: {  	_ =	shalt  }
0x82: {  	_ =	shalt  }
0x83: {  	_ =	shalt  }
0x84: {  	_ =	shalt  }
0x85: {  	_ =	shalt  }
0x86: {  	_ =	shalt  }
0x87: {  	_ =	shalt  }
.Lfunc_end0:
.L_simem_size_0:
called_computation.2_lowered:
.L_overlay_start_0:
0x88: {  	s2 =	sld [smem:$0x3FD9]  }
0x89: {  	s3 =	sld [smem:$0x3FFE];
	_ =	sdelay $0x1  }
0x8a: {  	s1 =	srdreg.scid  }
0x8b: {  	s0 =	sand.u32 $0x1, s1  }
0x8c: {  	s16 =	sshll.u32 s0, $0xA;
	s2 =	sadd.s32 s3, s2  }
0x8d: {  	s2 =	sadd.s32 s2, s16  }
0x8e: {  	[smem:$0x3FA6] =	sst s2  }
0x8f: {  	_ = 	snop  }
0x90: {  	(tm) =	ssettm $0x1  }
0x91: {  	s17 =	sld [smem:$0x3FFB];
	_ =	sdelay $0x3  }
0x92: {  	_ =	strace s17  }
0x93: {  	s2 =	sld [smem:$0x3FFC];
	_ =	sdelay $0x3  }
0x94: {  	_ =	strace s2  }
0x95: {  	s2 =	sld [smem:$0x3FFD];
	_ =	sdelay $0x3  }
0x96: {  	_ =	strace s2  }
0x97: {  	_ =	strace $0x8FFFFFFF  }
0x98: {  	s18 =	sld [smem:$0x3FDB];
	_ =	sdelay $0x1  }
0x99: {  	s19 =	simm.s32 $_scs_section_size  }
0x9a: {  	s4 =	simm.s32 $_size__tile_overlayer_lowered;
	s5 =	simm.s32 $_tile_overlayer_lowered  }
0x9b: {  	s22 =	simm.s32 $0x1BFF;
	s21 =	sshll.u32 s5, $0x1;
	s2 =	sadd.s32 s19, s18  }
0x9c: {  	s6 =	simm.s32 $0x0;
	s20 =	sshll.u32 s4, $0x1;
	s4 =	sadd.s32 s21, s2  }
0x9d: {  	[timem:s6], [sflag:s22] =	dma.local [hbm:s4], s20  }
0x9e: {  	_ =	swait.ge [sflag:s22], s20  }
0x9f: {  	s3 =	ssub.s32 $0x0, s20;
	[sflag:s22] =	ssyncset.done $0x0  }
0xa0: {  	[sflag:s22] =	ssyncadd.s32 s3;
	_ =	sdelay $0x1  }
0xa1: {  	s23 =	simm.s32 $0x1B8B  }
0xa2: {  	_ =	swait.ge [sflag:s23], $0x1  }
0xa3: {  	[sflag:s23] =	ssyncset.done $0x0  }
0xa4: {  	s25 =	simm.s32 $0x1B8E;
	s24 =	sld [smem:$0x3FFE];
	[sflag:s23] =	ssyncadd.s32 $0xFFFFFFFF  }
0xa5: {  	s26 =	simm.s32 $execute0_lowered;
	[smem:$0x3FD2] =	sst s25  }
0xa6: {  	s4 =	sshll.u32 s26, $0x1;
	_ =	strace $0x8000004C;
	[dreg:$0x1] =	wrdreg $0xFFFFFFFF  }
0xa7: {  	s28 =	simm.s32 $_size_execute0_lowered;
	s2 =	sadd.s32 s2, s4;
	[dreg:$0x0] =	wrdreg $0x0  }
0xa8: {  	s4 =	sshll.u32 s28, $0x1;
	[dreg:$0x2] =	wrdreg s2  }
0xa9: {  	[dreg:$0x3] =	wrdreg s4  }
0xaa: {  	[dreg:$0x4] =	wrdreg $0xC0  }
0xab: {  	_ =	task [dreg:s6], $0x5FFFF  }
0xac: {  	[dreg:$0x1] =	wrdreg $0xFFFFFFFF  }
0xad: {  	[dreg:$0x0] =	wrdreg $0x60  }
0xae: {  	[dreg:$0x2] =	wrdreg s24  }
0xaf: {  	[dreg:$0x3] =	wrdreg $0xD0000  }
0xb0: {  	[dreg:$0x4] =	wrdreg $0x9  }
0xb1: {  	_ =	task.clear_ibuf [dreg:s6], $0x5FFFF;
	_ =	strace $0x9000004C  }
0xb2: {  	s29 =	simm.s32 $0x9;
	_ =	strace $0x8000004E  }
0xb3: {  	_ =	swait.ge [sflag:s29], $0x1  }
0xb4: {  	[sflag:s29] =	ssyncadd.s32 $0xFFFFFFFF  }
0xb5: {  	_ =	strace $0x9000004E  }
0xb6: {  	_ =	sfence  }
0xb7: {  	s30 =	sld [smem:$0x0];
	_ =	sdelay $0x2  }
0xb8: {  	s31 =	sshll.u32 s1, $0xD;
	s1 =	sshrl.u32 s1, $0x2  }
0xb9: {  	s3 =	sand.u32 $0x4000, s31;
	s1 =	sadd.s32 s1, s30  }
0xba: {  	s0 =	sor.u32 s3, s0;
	s1 =	sshll.u32 s1, $0x11  }
0xbb: {  	s0 =	sor.u32 s1, s0  }
0xbc: {  	s0 =	sadd.s32 $0x8F2B, s0  }
0xbd: {  	[sflag:s0] =	ssyncadd.remote.s32 $0x1  }
0xbe: {  	_ =	sfence.sel $0xFFFF  }
0xbf: {  	[dreg:$0x0] =	wrdreg $0xFFFFFFFF;
	(pc) =	sbr.abs _section_cstart, $3  }
0xc0: {  	[dreg:$0x1] =	wrdreg $0xFFFFFFFF  }
0xc1: {  	_ =	task.clear_ibuf [dreg:s6], $0x2FFFF;
	_ =	strace $0x9FFFFFFF  }
0xc2: {  	(tm) =	ssettm $0x7FFFFFFF  }
0xc3: {  	_ =	shalt  }
tec
execute0_lowered:
.L_overlay_start_1:
0x0: {  	(tag) =	ssettag $0x1  }
0x1: {  	s1 =	srdreg.scid  }
0x2: {  	s0 =	stileid.u32;
	s6 =	rddreg [dreg:$0x0]  }
0x3: {  	s2 =	rddreg [dreg:$0x1];
	s3 =	simm.s32 $0x0;
	s14 =	simm.s32 $0x100  }
0x4: {  	s15 =	simm.s32 $0x5000;
	s16 =	simm.s32 $0x2900;
	s17 =	simm.s32 $0x9000  }
0x5: {  	s18 =	simm.s32 $0x1;
	s19 =	simm.s32 $0x3;
	s20 =	simm.s32 $0x2  }
0x6: {  	s21 =	simm.s32 $0x4;
	s22 =	simm.s32 $0x2600;
	s23 =	simm.s32 $0x2700  }
0x7: {  	s24 =	simm.s32 $0x0;
	s5 =	sand.u32 $0x1, s1;
	s31 =	sshll.u32 s0, $0x1  }
0x8: {  	s8 =	smul.u32 $0x14000, s0;
	[smem:$0x7FF] =	sst s3;
	s4 =	sadd.s32 $0x5C00, s6  }
0x9: {  	s12 =	sshll.u32 s0, $0x6;
	s1 =	sor.u32 s5, s31;
	s9 =	smul.u32 $0x140000, s5  }
0xa: {  	s10 =	ssub.s32 $0x2, s5;
	s5 =	sadd.s32 $0x19600, s6;
	s12 =	sor.u32 $0x1C05, s12  }
0xb: {  	s7 =	smul.u32 $0x500, s1;
	s1 =	rddreg [dreg:$0x2];
	s11 =	sshrl.u32 s10, $0x1  }
0xc: {  	_ =	strace $0x8000004D;
	s9 =	sadd.s32 s8, s9;
	s10 =	ssub.s32 s10, s11  }
0xd: {  	s8 =	sshrl.u32 s8, $0x1;
	s11 =	simm.s32 $0x2800;
	s9 =	sshrl.u32 s9, $0x4  }
0xe: {  	s7 =	sadd.s32 s7, s6;
	s13 =	sadd.s32 s8, s2;
	s9 =	sadd.s32 s9, s6  }
0xf: {  	s6 =	sadd.s32 $0x24A00, s7;
	s7 =	sadd.s32 $0x1AA00, s7;
	s13 =	sshrl.u32 s13, $0x3  }
0x10: {  	s8 =	sadd.s32 $0x2EA00, s9;
	s9 =	smax.u32 s10, $0x1;
	s10 =	simm.s32 $0x5  }
.LBB2_1:
0x11: {  	[tilespmem:s3], [sflag:$0x5] =	stream.linear.gather [hbm4b:s6+s3], $0x2800, $0x38;
	[tilespmem:$0x17000] =	vst v63  }
0x12: {  	_ =	swait.ge [sflag:s10], $0x2800  }
0x13: {  	[sflag:s10] =	ssyncset.done $0x0  }
0x14: {  	[sflag:s10] =	ssyncadd.s32 $0xFFFFD800  }
0x15: {  	[tilespmem:s11], [sflag:$0x5] =	stream.linear.gather [hbm4b:s7+s3], $0x2800, $0x38;
	[tilespmem:$0x17000] =	vst v63  }
0x16: {  	_ =	swait.ge [sflag:s10], $0x2800  }
0x17: {  	[sflag:s10] =	ssyncset.done $0x0  }
0x18: {  	[sflag:s10] =	ssyncadd.s32 $0xFFFFD800  }
0x19: {  	[spmem:s13], [sflag:s12] =	dma.local [hbm:s5], $0x1400  }
0x1a: {  	_ =	swait.ge [sflag:s10], $0x1400  }
0x1b: {  	[sflag:s10] =	ssyncset.done $0x0  }
0x1c: {  	[sflag:s10] =	ssyncadd.s32 $0xFFFFEC00  }
0x1d: {  	[bflag:$0x0] =	sbarrier.arrive $0xFFFF  }
0x1e: {  	[tilespmem:s15], [sflag:$0x1] =	stream.indirect.gather [hbm4b:s4+s14], $0x40, s11, s14, $0xb8;
	[tilespmem:$0x17000] =	vst v63  }
0x1f: {  	_ = 	snop  }
0x20: {  	[tilespmem:s17], [sflag:$0x2] =	stream.indirect.gather [hbm4b:s4+s14], $0x40, s16, s14, $0xb8;
	[tilespmem:$0x17000] =	vst v63  }
0x21: {  	_ =	swait.ge [sflag:s18], $0x4000  }
0x22: {  	[sflag:s18] =	ssyncset.done $0x0  }
0x23: {  	s25 =	simm.s32 $0x0;
	[sflag:s18] =	ssyncadd.s32 $0xFFFFC000  }
0x24: {  	[spmem:s2] =	stream.indirect.scatter.add.bf16 [tilespmem:s15], [sflag:$0x3], $0x40, s25, s14, $0xb8;
	[tilespmem:$0x17000] =	vst v63  }
0x25: {  	_ =	swait.ge [sflag:s19], $0x4000  }
0x26: {  	[sflag:s19] =	ssyncset.done $0x0  }
0x27: {  	s30 =	simm.s32 $0x2A00;
	[sflag:s19] =	ssyncadd.s32 $0xFFFFC000  }
0x28: {  	[tilespmem:s15], [sflag:$0x1] =	stream.indirect.gather [hbm4b:s4+s14], $0x40, s30, s14, $0xb8;
	[tilespmem:$0x17000] =	vst v63  }
0x29: {  	_ =	swait.ge [sflag:s20], $0x4000  }
0x2a: {  	[sflag:s20] =	ssyncset.done $0x0  }
0x2b: {  	s31 =	simm.s32 $0x100;
	[sflag:s20] =	ssyncadd.s32 $0xFFFFC000  }
0x2c: {  	[spmem:s2] =	stream.indirect.scatter.add.bf16 [tilespmem:s17], [sflag:$0x4], $0x40, s31, s14, $0xb8;
	[tilespmem:$0x17000] =	vst v63  }
0x2d: {  	_ =	swait.ge [sflag:s21], $0x4000  }
0x2e: {  	[sflag:s21] =	ssyncset.done $0x0  }
0x2f: {  	s26 =	simm.s32 $0x2B00;
	s25 =	simm.s32 $0x800;
	[sflag:s21] =	ssyncadd.s32 $0xFFFFC000  }
.LBB2_2:
0x30: {  	[tilespmem:s17], [sflag:$0x2] =	stream.indirect.gather [hbm4b:s4+s14], $0x40, s26, s14, $0xb8;
	[tilespmem:$0x17000] =	vst v63  }
0x31: {  	s26 =	smov.u32 s25  }
0x32: {  	p0 =	sne.s32 s25, $0x9000;
	s25 =	sadd.s32 $0x800, s25;
	_ =	swait.ge [sflag:s18], $0x4000  }
0x33: {  	[sflag:s18] =	ssyncset.done $0x0  }
0x34: {  	s26 =	sshra.s32 s26, $0x2;
	[sflag:s18] =	ssyncadd.s32 $0xFFFFC000  }
0x35: {  	[spmem:s2] =	stream.indirect.scatter.add.bf16 [tilespmem:s15], [sflag:$0x3], $0x40, s26, s14, $0xb8;
	[tilespmem:$0x17000] =	vst v63  }
0x36: {  	_ =	swait.ge [sflag:s19], $0x4000  }
0x37: {  	[sflag:s19] =	ssyncset.done $0x0  }
0x38: {  	s28 =	sadd.s32 $0x2A00, s26;
	[sflag:s19] =	ssyncadd.s32 $0xFFFFC000  }
0x39: {  	[tilespmem:s15], [sflag:$0x1] =	stream.indirect.gather [hbm4b:s4+s14], $0x40, s28, s14, $0xb8;
	[tilespmem:$0x17000] =	vst v63  }
0x3a: {  	_ =	swait.ge [sflag:s20], $0x4000  }
0x3b: {  	[sflag:s20] =	ssyncset.done $0x0  }
.Ltmp0:
0x3c: {  	s28 =	sadd.s32 $0x100, s26;
	[sflag:s20] =	ssyncadd.s32 $0xFFFFC000;
	(pc) =	sbr.rel @p0 .LBB2_2-.Ltmp0, $4  }
0x3d: {  	[spmem:s2] =	stream.indirect.scatter.add.bf16 [tilespmem:s17], [sflag:$0x4], $0x40, s28, s14, $0xb8;
	[tilespmem:$0x17000] =	vst v63  }
0x3e: {  	_ =	swait.ge [sflag:s21], $0x4000  }
0x3f: {  	[sflag:s21] =	ssyncset.done $0x0  }
0x40: {  	s26 =	sadd.s32 $0x2B00, s26;
	[sflag:s21] =	ssyncadd.s32 $0xFFFFC000  }
0x41: {  	[tilespmem:s17], [sflag:$0x2] =	stream.indirect.gather [hbm4b:s4+s14], $0x40, s26, s14, $0xb8;
	[tilespmem:$0x17000] =	vst v63  }
0x42: {  	_ =	swait.ge [sflag:s18], $0x4000  }
0x43: {  	[sflag:s18] =	ssyncset.done $0x0  }
0x44: {  	[sflag:s18] =	ssyncadd.s32 $0xFFFFC000  }
0x45: {  	[spmem:s2] =	stream.indirect.scatter.add.bf16 [tilespmem:s15], [sflag:$0x3], $0x40, s22, s14, $0xb8;
	[tilespmem:$0x17000] =	vst v63  }
0x46: {  	_ =	swait.ge [sflag:s19], $0x4000  }
0x47: {  	[sflag:s19] =	ssyncset.done $0x0  }
0x48: {  	[sflag:s19] =	ssyncadd.s32 $0xFFFFC000  }
0x49: {  	_ =	swait.ge [sflag:s20], $0x4000  }
0x4a: {  	[sflag:s20] =	ssyncset.done $0x0  }
0x4b: {  	[sflag:s20] =	ssyncadd.s32 $0xFFFFC000  }
0x4c: {  	[spmem:s2] =	stream.indirect.scatter.add.bf16 [tilespmem:s17], [sflag:$0x4], $0x40, s23, s14, $0xb8;
	[tilespmem:$0x17000] =	vst v63  }
0x4d: {  	_ =	swait.ge [sflag:s21], $0x4000  }
0x4e: {  	s24 =	sadd.s32 $0x1, s24;
	[sflag:s21] =	ssyncset.done $0x0  }
0x4f: {  	p0 =	sne.s32 s24, s9;
	[sflag:s21] =	ssyncadd.s32 $0xFFFFC000  }
.Ltmp1:
0x50: {  	[bflag:$0x0] =	sbarrier.arrive $0xFFFF;
	(pc) =	sbr.rel @p0 .LBB2_1-.Ltmp1, $4  }
0x51: {  	[hbm:s8], [sflag:s12] =	dma.local [spmem:s13], $0x1400  }
0x52: {  	_ =	swait.ge [sflag:s10], $0x1400  }
0x53: {  	[sflag:s10] =	ssyncset.done $0x0  }
0x54: {  	[sflag:s10] =	ssyncadd.s32 $0xFFFFEC00  }
0x55: {  	_ =	sfence.sel $0x180000  }
0x56: {  	[bflag:$0x0] =	sbarrier.arrive $0xFFFF  }
0x57: {  	p0 =	sne.s32 s0, $0x0;
	_ =	strace $0x9000004D  }
0x58: {  	s0 =	sadd.s32 @!p0 $0x100000, s1;
	[bflag:$0x2] =	sbarrier.arrive $0xFFFF  }
0x59: {  	[sflag:s0] =	ssyncadd.tile.s32 @!p0 $0x1;
	_ =	shalt  }
.Lfunc_end2:
_tile_overlayer_lowered:
.L_overlay_start_2:
0x5a: {  	(tag) =	ssettag $0x2  }
0x5b: {  	s0 =	rddreg [dreg:$0x0];
	s2 =	stileid.u32  }
0x5c: {  	s1 =	rddreg [dreg:$0x1];
	p0 =	sne.s32 s2, $0x0  }
0x5d: {  	s3 =	rddreg [dreg:$0x2];
	[bflag:$0x3] =	sbarrier.arrive $0xFFFF;
	s2 =	simm.s32 @!p0 $0x1C05  }
0x5e: {  	[timem:s3], [sflag:s2] =	dma.local @!p0 [hbm:s0], s1  }
0x5f: {  	s0 =	simm.s32 @!p0 $0x5  }
0x60: {  	_ =	swait.ge @!p0 [sflag:s0], s1  }
0x61: {  	s1 =	ssub.s32 @!p0 $0x0, s1;
	[sflag:s0] =	ssyncset.done @!p0 $0x0  }
0x62: {  	[sflag:s0] =	ssyncadd.s32 @!p0 s1  }
0x63: {  	[bflag:$0x3] =	sbarrier.arrive $0xFFFF  }
0x64: {  	_ =	shalt  }

// kernel: kernel.21.cloned.1.call-start
scs
__scs_entry_jumppad:
0x0: {  	(pc) =	sbr.rel $0x88, $3  }
0x1: {  	(tag) =	ssettag $0x0;
	lr =	simm.s32 $0x1  }
0x2: {  	[smem:$0x3F7F] =	sst lr;
	_ =	strace $0xD0000000  }
0x3: {  	_ = 	snop  }
0x4: {  	_ = 	snop  }
0x5: {  	_ = 	snop  }
0x6: {  	_ = 	snop  }
0x7: {  	_ = 	snop  }
__scs_overlays_trampoline_lowered:
0x8: {  	[smem:$0x3F8E] =	sst s0  }
0x9: {  	[smem:$0x3F8F] =	sst s1  }
0xa: {  	[smem:$0x3F90] =	sst s2  }
0xb: {  	[smem:$0x3F91] =	sst s3  }
0xc: {  	[smem:$0x3F92] =	sst s4  }
0xd: {  	[smem:$0x3F93] =	sst s5  }
0xe: {  	[smem:$0x3F94] =	sst s6  }
0xf: {  	[smem:$0x3F95] =	sst s7  }
0x10: {  	[smem:$0x3F96] =	sst s8  }
0x11: {  	[smem:$0x3F97] =	sst s9;
	s0 =	simm.s32 @!p0 $0x0  }
0x12: {  	s1 =	sld [smem:$0x3F7D];
	s0 =	simm.s32 @p0 $0x1  }
0x13: {  	[smem:$0x3F98] =	sst s0;
	s0 =	simm.s32 @!p1 $0x0  }
0x14: {  	s2 =	sld [smem:$0x3F7C];
	s0 =	simm.s32 @p1 $0x1  }
0x15: {  	[smem:$0x3F99] =	sst s0;
	s0 =	simm.s32 @!p2 $0x0  }
0x16: {  	s3 =	sld [smem:$0x3FDB];
	s0 =	simm.s32 @p2 $0x1  }
0x17: {  	s4 =	simm.s32 $0x1BF5;
	[smem:$0x3F9B] =	sst s0  }
0x18: {  	s0 =	sld [smem:$0x3F7E];
	_ =	swait.ge [sflag:s4], $0x0  }
0x19: {  	s7 =	sld [smem:$0x3F7F]  }
0x1a: {  	s8 =	sadd.s32 $0xFFFFE003, lr  }
0x1b: {  	s9 =	sadd.s32 $0xFFFFFEF7, lr;
	s5 =	simm.s32 $0xFFFFFFFF;
	p2 =	slt.u32 s8, $0xFFFFF086  }
0x1c: {  	p1 =	slt.u32 s9, $0xF7A;
	s5 =	simm.s32 @!p2 $0x0  }
0x1d: {  	s5 =	simm.s32 @p1 $0x1;
	p0 =	seq.s32 s7, s2  }
0x1e: {  	s7 =	smul.u32 @!p0 $0xF7A, s2;
	p2 =	seq.s32 @!p0 s5, $0x0  }
0x1f: {  	s9 =	smul.u32 $0xF7A, s1;
	s8 =	simm.s32 @!p0 $0x1BF5;
	p2 =	por !p2, p0  }
0x20: {  	[sflag:s8] =	ssyncset.s32 @!p0 $0xFFFFF086;
	s6 =	sadd.s32 @!p0 s3, s7;
	s7 =	simm.s32 @!p0 $0x108  }
0x21: {  	s3 =	sadd.s32 s3, s9;
	s6 =	sadd.s32 @!p0 $0x88, s6;
	s7 =	simm.s32 @p2 $0x1082  }
0x22: {  	[simem:s7], [sflag:s8] =	dma.local @!p0 [hbm:s6], $0xF7A  }
0x23: {  	s9 =	sor.u32 $0xD0000000, s2;
	s6 =	simm.s32 $0x108;
	_ =	swait.ge @!p0 [sflag:s8], $0x0  }
0x24: {  	s3 =	sadd.s32 $0x88, s3;
	s6 =	simm.s32 @!p1 $0x1082;
	[sflag:s4] =	ssyncset.s32 $0xFFFFF086  }
0x25: {  	[simem:s6], [sflag:s4] =	dma.local [hbm:s3], $0xF7A  }
0x26: {  	[smem:$0x3F7F] =	sst s1;
	(tag) =	ssettag s2;
	_ =	strace s9  }
0x27: {  	s1 =	sld [smem:$0x3F8F]  }
0x28: {  	s2 =	sld [smem:$0x3F90]  }
0x29: {  	s4 =	sld [smem:$0x3F92]  }
0x2a: {  	p0 =	seq.s32 s5, $0x0;
	s5 =	sld [smem:$0x3F93]  }
0x2b: {  	s6 =	sld [smem:$0x3F94]  }
0x2c: {  	s7 =	sld [smem:$0x3F95]  }
0x2d: {  	s3 =	simm.s32 $0x108;
	s8 =	sld [smem:$0x3F96]  }
0x2e: {  	s3 =	simm.s32 @!p0 $0x1082;
	s9 =	sld [smem:$0x3F97]  }
0x2f: {  	lr =	sadd.s32 s0, s3;
	s0 =	sld [smem:$0x3F8E]  }
0x30: {  	s3 =	sld [smem:$0x3F91]  }
0x31: {  	[smem:$0x3F9A] =	sst s10  }
0x32: {  	s10 =	sld [smem:$0x3F98];
	_ =	sdelay $0x3  }
0x33: {  	p0 =	seq.s32 s10, $0x1;
	s10 =	sld [smem:$0x3F9A];
	_ =	sdelay $0x3  }
0x34: {  	[smem:$0x3F9A] =	sst s10  }
0x35: {  	s10 =	sld [smem:$0x3F99];
	_ =	sdelay $0x3  }
0x36: {  	p1 =	seq.s32 s10, $0x1;
	s10 =	sld [smem:$0x3F9A];
	_ =	sdelay $0x3  }
0x37: {  	[smem:$0x3F9A] =	sst s10  }
0x38: {  	s10 =	sld [smem:$0x3F9B]  }
0x39: {  	_ = 	snop;
	(pc) =	sbr.ind lr, $3  }
0x3a: {  	_ = 	snop  }
0x3b: {  	_ = 	snop  }
0x3c: {  	p2 =	seq.s32 s10, $0x1;
	s10 =	sld [smem:$0x3F9A]  }
0x3d: {  	_ =	shalt  }
0x3e: {  	_ =	shalt  }
0x3f: {  	_ =	shalt  }
0x40: {  	_ =	shalt  }
0x41: {  	_ =	shalt  }
0x42: {  	_ =	shalt  }
0x43: {  	_ =	shalt  }
0x44: {  	_ =	shalt  }
0x45: {  	_ =	shalt  }
0x46: {  	_ =	shalt  }
0x47: {  	_ =	shalt  }
0x48: {  	_ =	shalt  }
0x49: {  	_ =	shalt  }
0x4a: {  	_ =	shalt  }
0x4b: {  	_ =	shalt  }
0x4c: {  	_ =	shalt  }
0x4d: {  	_ =	shalt  }
0x4e: {  	_ =	shalt  }
0x4f: {  	_ =	shalt  }
0x50: {  	_ =	shalt  }
0x51: {  	_ =	shalt  }
0x52: {  	_ =	shalt  }
0x53: {  	_ =	shalt  }
0x54: {  	_ =	shalt  }
0x55: {  	_ =	shalt  }
0x56: {  	_ =	shalt  }
0x57: {  	_ =	shalt  }
0x58: {  	_ =	shalt  }
0x59: {  	_ =	shalt  }
0x5a: {  	_ =	shalt  }
0x5b: {  	_ =	shalt  }
0x5c: {  	_ =	shalt  }
0x5d: {  	_ =	shalt  }
0x5e: {  	_ =	shalt  }
0x5f: {  	_ =	shalt  }
0x60: {  	_ =	shalt  }
0x61: {  	_ =	shalt  }
0x62: {  	_ =	shalt  }
0x63: {  	_ =	shalt  }
0x64: {  	_ =	shalt  }
0x65: {  	_ =	shalt  }
0x66: {  	_ =	shalt  }
0x67: {  	_ =	shalt  }
0x68: {  	_ =	shalt  }
0x69: {  	_ =	shalt  }
0x6a: {  	_ =	shalt  }
0x6b: {  	_ =	shalt  }
0x6c: {  	_ =	shalt  }
0x6d: {  	_ =	shalt  }
0x6e: {  	_ =	shalt  }
0x6f: {  	_ =	shalt  }
0x70: {  	_ =	shalt  }
0x71: {  	_ =	shalt  }
0x72: {  	_ =	shalt  }
0x73: {  	_ =	shalt  }
0x74: {  	_ =	shalt  }
0x75: {  	_ =	shalt  }
0x76: {  	_ =	shalt  }
0x77: {  	_ =	shalt  }
0x78: {  	_ =	shalt  }
0x79: {  	_ =	shalt  }
0x7a: {  	_ =	shalt  }
0x7b: {  	_ =	shalt  }
0x7c: {  	_ =	shalt  }
0x7d: {  	_ =	shalt  }
0x7e: {  	_ =	shalt  }
0x7f: {  	_ =	shalt  }
0x80: {  	_ =	shalt  }
0x81: {  	_ =	shalt  }
0x82: {  	_ =	shalt  }
0x83: {  	_ =	shalt  }
0x84: {  	_ =	shalt  }
0x85: {  	_ =	shalt  }
0x86: {  	_ =	shalt  }
0x87: {  	_ =	shalt  }
.Lfunc_end0:
.L_simem_size_0:
called_computation.3_lowered:
.L_overlay_start_0:
0x88: {  	s2 =	sld [smem:$0x3FD9]  }
0x89: {  	s3 =	sld [smem:$0x3FFE];
	_ =	sdelay $0x1  }
0x8a: {  	s1 =	srdreg.scid  }
0x8b: {  	s0 =	sand.u32 $0x1, s1  }
0x8c: {  	s16 =	sshll.u32 s0, $0xA;
	s2 =	sadd.s32 s3, s2  }
0x8d: {  	s2 =	sadd.s32 s2, s16  }
0x8e: {  	[smem:$0x3FA6] =	sst s2  }
0x8f: {  	_ = 	snop  }
0x90: {  	(tm) =	ssettm $0x1  }
0x91: {  	s17 =	sld [smem:$0x3FFB];
	_ =	sdelay $0x3  }
0x92: {  	_ =	strace s17  }
0x93: {  	s2 =	sld [smem:$0x3FFC];
	_ =	sdelay $0x3  }
0x94: {  	_ =	strace s2  }
0x95: {  	s2 =	sld [smem:$0x3FFD];
	_ =	sdelay $0x3  }
0x96: {  	_ =	strace s2  }
0x97: {  	_ =	strace $0x8FFFFFFF  }
0x98: {  	s18 =	sld [smem:$0x3FDB];
	_ =	sdelay $0x1  }
0x99: {  	s19 =	simm.s32 $_scs_section_size  }
0x9a: {  	s4 =	simm.s32 $_size__tile_overlayer_lowered;
	s5 =	simm.s32 $_tile_overlayer_lowered  }
0x9b: {  	s22 =	simm.s32 $0x1BFF;
	s21 =	sshll.u32 s5, $0x1;
	s2 =	sadd.s32 s19, s18  }
0x9c: {  	s6 =	simm.s32 $0x0;
	s20 =	sshll.u32 s4, $0x1;
	s4 =	sadd.s32 s21, s2  }
0x9d: {  	[timem:s6], [sflag:s22] =	dma.local [hbm:s4], s20  }
0x9e: {  	_ =	swait.ge [sflag:s22], s20  }
0x9f: {  	s3 =	ssub.s32 $0x0, s20;
	[sflag:s22] =	ssyncset.done $0x0  }
0xa0: {  	[sflag:s22] =	ssyncadd.s32 s3;
	_ =	sdelay $0x1  }
0xa1: {  	s23 =	simm.s32 $0x1B8B  }
0xa2: {  	_ =	swait.ge [sflag:s23], $0x1  }
0xa3: {  	[sflag:s23] =	ssyncset.done $0x0  }
0xa4: {  	s25 =	simm.s32 $0x1B8E;
	s24 =	sld [smem:$0x3FFE];
	[sflag:s23] =	ssyncadd.s32 $0xFFFFFFFF  }
0xa5: {  	s26 =	simm.s32 $execute0_lowered;
	[smem:$0x3FD2] =	sst s25  }
0xa6: {  	s4 =	sshll.u32 s26, $0x1;
	_ =	strace $0x8000004F;
	[dreg:$0x1] =	wrdreg $0xFFFFFFFF  }
0xa7: {  	s28 =	simm.s32 $_size_execute0_lowered;
	s2 =	sadd.s32 s2, s4;
	[dreg:$0x0] =	wrdreg $0x0  }
0xa8: {  	s4 =	sshll.u32 s28, $0x1;
	[dreg:$0x2] =	wrdreg s2  }
0xa9: {  	[dreg:$0x3] =	wrdreg s4  }
0xaa: {  	[dreg:$0x4] =	wrdreg $0xC0  }
0xab: {  	_ =	task [dreg:s6], $0x5FFFF  }
0xac: {  	[dreg:$0x1] =	wrdreg $0xFFFFFFFF  }
0xad: {  	[dreg:$0x0] =	wrdreg $0x60  }
0xae: {  	[dreg:$0x2] =	wrdreg s24  }
0xaf: {  	[dreg:$0x3] =	wrdreg $0xD0000  }
0xb0: {  	[dreg:$0x4] =	wrdreg $0x9  }
0xb1: {  	_ =	task.clear_ibuf [dreg:s6], $0x5FFFF;
	_ =	strace $0x9000004F  }
0xb2: {  	s29 =	simm.s32 $0x9;
	_ =	strace $0x80000051  }
0xb3: {  	_ =	swait.ge [sflag:s29], $0x1  }
0xb4: {  	[sflag:s29] =	ssyncadd.s32 $0xFFFFFFFF  }
0xb5: {  	_ =	strace $0x90000051  }
0xb6: {  	_ =	sfence  }
0xb7: {  	s30 =	sld [smem:$0x0];
	_ =	sdelay $0x2  }
0xb8: {  	s31 =	sshll.u32 s1, $0xD;
	s1 =	sshrl.u32 s1, $0x2  }
0xb9: {  	s3 =	sand.u32 $0x4000, s31;
	s1 =	sadd.s32 s1, s30  }
0xba: {  	s0 =	sor.u32 s3, s0;
	s1 =	sshll.u32 s1, $0x11  }
0xbb: {  	s0 =	sor.u32 s1, s0  }
0xbc: {  	s0 =	sadd.s32 $0x8F2B, s0  }
0xbd: {  	[sflag:s0] =	ssyncadd.remote.s32 $0x1  }
0xbe: {  	_ =	sfence.sel $0xFFFF  }
0xbf: {  	[dreg:$0x0] =	wrdreg $0xFFFFFFFF;
	(pc) =	sbr.abs _section_cstart, $3  }
0xc0: {  	[dreg:$0x1] =	wrdreg $0xFFFFFFFF  }
0xc1: {  	_ =	task.clear_ibuf [dreg:s6], $0x2FFFF;
	_ =	strace $0x9FFFFFFF  }
0xc2: {  	(tm) =	ssettm $0x7FFFFFFF  }
0xc3: {  	_ =	shalt  }
tec
execute0_lowered:
.L_overlay_start_1:
0x0: {  	(tag) =	ssettag $0x1  }
0x1: {  	s1 =	srdreg.scid  }
0x2: {  	s0 =	stileid.u32;
	s6 =	rddreg [dreg:$0x0]  }
0x3: {  	s2 =	rddreg [dreg:$0x1];
	s3 =	simm.s32 $0x0;
	s14 =	simm.s32 $0x100  }
0x4: {  	s15 =	simm.s32 $0x5000;
	s16 =	simm.s32 $0x2900;
	s17 =	simm.s32 $0x9000  }
0x5: {  	s18 =	simm.s32 $0x1;
	s19 =	simm.s32 $0x3;
	s20 =	simm.s32 $0x2  }
0x6: {  	s21 =	simm.s32 $0x4;
	s22 =	simm.s32 $0x2600;
	s23 =	simm.s32 $0x2700  }
0x7: {  	s24 =	simm.s32 $0x0;
	s5 =	sand.u32 $0x1, s1;
	s31 =	sshll.u32 s0, $0x1  }
0x8: {  	s8 =	smul.u32 $0x14000, s0;
	[smem:$0x7FF] =	sst s3;
	s4 =	sadd.s32 $0x5C00, s6  }
0x9: {  	s12 =	sshll.u32 s0, $0x6;
	s1 =	sor.u32 s5, s31;
	s9 =	smul.u32 $0x140000, s5  }
0xa: {  	s10 =	ssub.s32 $0x2, s5;
	s5 =	sadd.s32 $0x19600, s6;
	s12 =	sor.u32 $0x1C05, s12  }
0xb: {  	s7 =	smul.u32 $0x500, s1;
	s1 =	rddreg [dreg:$0x2];
	s11 =	sshrl.u32 s10, $0x1  }
0xc: {  	_ =	strace $0x80000050;
	s9 =	sadd.s32 s8, s9;
	s10 =	ssub.s32 s10, s11  }
0xd: {  	s8 =	sshrl.u32 s8, $0x1;
	s11 =	simm.s32 $0x2800;
	s9 =	sshrl.u32 s9, $0x4  }
0xe: {  	s7 =	sadd.s32 s7, s6;
	s13 =	sadd.s32 s8, s2;
	s9 =	sadd.s32 s9, s6  }
0xf: {  	s6 =	sadd.s32 $0x24A00, s7;
	s7 =	sadd.s32 $0x1AA00, s7;
	s13 =	sshrl.u32 s13, $0x3  }
0x10: {  	s8 =	sadd.s32 $0x2EA00, s9;
	s9 =	smax.u32 s10, $0x1;
	s10 =	simm.s32 $0x5  }
.LBB2_1:
0x11: {  	[tilespmem:s3], [sflag:$0x5] =	stream.linear.gather [hbm4b:s6+s3], $0x2800, $0x38;
	[tilespmem:$0x17000] =	vst v63  }
0x12: {  	_ =	swait.ge [sflag:s10], $0x2800  }
0x13: {  	[sflag:s10] =	ssyncset.done $0x0  }
0x14: {  	[sflag:s10] =	ssyncadd.s32 $0xFFFFD800  }
0x15: {  	[tilespmem:s11], [sflag:$0x5] =	stream.linear.gather [hbm4b:s7+s3], $0x2800, $0x38;
	[tilespmem:$0x17000] =	vst v63  }
0x16: {  	_ =	swait.ge [sflag:s10], $0x2800  }
0x17: {  	[sflag:s10] =	ssyncset.done $0x0  }
0x18: {  	[sflag:s10] =	ssyncadd.s32 $0xFFFFD800  }
0x19: {  	[spmem:s13], [sflag:s12] =	dma.local [hbm:s5], $0x1400  }
0x1a: {  	_ =	swait.ge [sflag:s10], $0x1400  }
0x1b: {  	[sflag:s10] =	ssyncset.done $0x0  }
0x1c: {  	[sflag:s10] =	ssyncadd.s32 $0xFFFFEC00  }
0x1d: {  	[bflag:$0x0] =	sbarrier.arrive $0xFFFF  }
0x1e: {  	[tilespmem:s15], [sflag:$0x1] =	stream.indirect.gather [hbm4b:s4+s14], $0x40, s11, s14, $0xb8;
	[tilespmem:$0x17000] =	vst v63  }
0x1f: {  	_ = 	snop  }
0x20: {  	[tilespmem:s17], [sflag:$0x2] =	stream.indirect.gather [hbm4b:s4+s14], $0x40, s16, s14, $0xb8;
	[tilespmem:$0x17000] =	vst v63  }
0x21: {  	_ =	swait.ge [sflag:s18], $0x4000  }
0x22: {  	[sflag:s18] =	ssyncset.done $0x0  }
0x23: {  	s25 =	simm.s32 $0x0;
	[sflag:s18] =	ssyncadd.s32 $0xFFFFC000  }
0x24: {  	[spmem:s2] =	stream.indirect.scatter.add.bf16 [tilespmem:s15], [sflag:$0x3], $0x40, s25, s14, $0xb8;
	[tilespmem:$0x17000] =	vst v63  }
0x25: {  	_ =	swait.ge [sflag:s19], $0x4000  }
0x26: {  	[sflag:s19] =	ssyncset.done $0x0  }
0x27: {  	s30 =	simm.s32 $0x2A00;
	[sflag:s19] =	ssyncadd.s32 $0xFFFFC000  }
0x28: {  	[tilespmem:s15], [sflag:$0x1] =	stream.indirect.gather [hbm4b:s4+s14], $0x40, s30, s14, $0xb8;
	[tilespmem:$0x17000] =	vst v63  }
0x29: {  	_ =	swait.ge [sflag:s20], $0x4000  }
0x2a: {  	[sflag:s20] =	ssyncset.done $0x0  }
0x2b: {  	s31 =	simm.s32 $0x100;
	[sflag:s20] =	ssyncadd.s32 $0xFFFFC000  }
0x2c: {  	[spmem:s2] =	stream.indirect.scatter.add.bf16 [tilespmem:s17], [sflag:$0x4], $0x40, s31, s14, $0xb8;
	[tilespmem:$0x17000] =	vst v63  }
0x2d: {  	_ =	swait.ge [sflag:s21], $0x4000  }
0x2e: {  	[sflag:s21] =	ssyncset.done $0x0  }
0x2f: {  	s26 =	simm.s32 $0x2B00;
	s25 =	simm.s32 $0x800;
	[sflag:s21] =	ssyncadd.s32 $0xFFFFC000  }
.LBB2_2:
0x30: {  	[tilespmem:s17], [sflag:$0x2] =	stream.indirect.gather [hbm4b:s4+s14], $0x40, s26, s14, $0xb8;
	[tilespmem:$0x17000] =	vst v63  }
0x31: {  	s26 =	smov.u32 s25  }
0x32: {  	p0 =	sne.s32 s25, $0x9000;
	s25 =	sadd.s32 $0x800, s25;
	_ =	swait.ge [sflag:s18], $0x4000  }
0x33: {  	[sflag:s18] =	ssyncset.done $0x0  }
0x34: {  	s26 =	sshra.s32 s26, $0x2;
	[sflag:s18] =	ssyncadd.s32 $0xFFFFC000  }
0x35: {  	[spmem:s2] =	stream.indirect.scatter.add.bf16 [tilespmem:s15], [sflag:$0x3], $0x40, s26, s14, $0xb8;
	[tilespmem:$0x17000] =	vst v63  }
0x36: {  	_ =	swait.ge [sflag:s19], $0x4000  }
0x37: {  	[sflag:s19] =	ssyncset.done $0x0  }
0x38: {  	s28 =	sadd.s32 $0x2A00, s26;
	[sflag:s19] =	ssyncadd.s32 $0xFFFFC000  }
0x39: {  	[tilespmem:s15], [sflag:$0x1] =	stream.indirect.gather [hbm4b:s4+s14], $0x40, s28, s14, $0xb8;
	[tilespmem:$0x17000] =	vst v63  }
0x3a: {  	_ =	swait.ge [sflag:s20], $0x4000  }
0x3b: {  	[sflag:s20] =	ssyncset.done $0x0  }
.Ltmp0:
0x3c: {  	s28 =	sadd.s32 $0x100, s26;
	[sflag:s20] =	ssyncadd.s32 $0xFFFFC000;
	(pc) =	sbr.rel @p0 .LBB2_2-.Ltmp0, $4  }
0x3d: {  	[spmem:s2] =	stream.indirect.scatter.add.bf16 [tilespmem:s17], [sflag:$0x4], $0x40, s28, s14, $0xb8;
	[tilespmem:$0x17000] =	vst v63  }
0x3e: {  	_ =	swait.ge [sflag:s21], $0x4000  }
0x3f: {  	[sflag:s21] =	ssyncset.done $0x0  }
0x40: {  	s26 =	sadd.s32 $0x2B00, s26;
	[sflag:s21] =	ssyncadd.s32 $0xFFFFC000  }
0x41: {  	[tilespmem:s17], [sflag:$0x2] =	stream.indirect.gather [hbm4b:s4+s14], $0x40, s26, s14, $0xb8;
	[tilespmem:$0x17000] =	vst v63  }
0x42: {  	_ =	swait.ge [sflag:s18], $0x4000  }
0x43: {  	[sflag:s18] =	ssyncset.done $0x0  }
0x44: {  	[sflag:s18] =	ssyncadd.s32 $0xFFFFC000  }
0x45: {  	[spmem:s2] =	stream.indirect.scatter.add.bf16 [tilespmem:s15], [sflag:$0x3], $0x40, s22, s14, $0xb8;
	[tilespmem:$0x17000] =	vst v63  }
0x46: {  	_ =	swait.ge [sflag:s19], $0x4000  }
0x47: {  	[sflag:s19] =	ssyncset.done $0x0  }
0x48: {  	[sflag:s19] =	ssyncadd.s32 $0xFFFFC000  }
0x49: {  	_ =	swait.ge [sflag:s20], $0x4000  }
0x4a: {  	[sflag:s20] =	ssyncset.done $0x0  }
0x4b: {  	[sflag:s20] =	ssyncadd.s32 $0xFFFFC000  }
0x4c: {  	[spmem:s2] =	stream.indirect.scatter.add.bf16 [tilespmem:s17], [sflag:$0x4], $0x40, s23, s14, $0xb8;
	[tilespmem:$0x17000] =	vst v63  }
0x4d: {  	_ =	swait.ge [sflag:s21], $0x4000  }
0x4e: {  	s24 =	sadd.s32 $0x1, s24;
	[sflag:s21] =	ssyncset.done $0x0  }
0x4f: {  	p0 =	sne.s32 s24, s9;
	[sflag:s21] =	ssyncadd.s32 $0xFFFFC000  }
.Ltmp1:
0x50: {  	[bflag:$0x0] =	sbarrier.arrive $0xFFFF;
	(pc) =	sbr.rel @p0 .LBB2_1-.Ltmp1, $4  }
0x51: {  	[hbm:s8], [sflag:s12] =	dma.local [spmem:s13], $0x1400  }
0x52: {  	_ =	swait.ge [sflag:s10], $0x1400  }
0x53: {  	[sflag:s10] =	ssyncset.done $0x0  }
0x54: {  	[sflag:s10] =	ssyncadd.s32 $0xFFFFEC00  }
0x55: {  	_ =	sfence.sel $0x180000  }
0x56: {  	[bflag:$0x0] =	sbarrier.arrive $0xFFFF  }
0x57: {  	p0 =	sne.s32 s0, $0x0;
	_ =	strace $0x90000050  }
0x58: {  	s0 =	sadd.s32 @!p0 $0x100000, s1;
	[bflag:$0x2] =	sbarrier.arrive $0xFFFF  }
0x59: {  	[sflag:s0] =	ssyncadd.tile.s32 @!p0 $0x1;
	_ =	shalt  }
.Lfunc_end2:
_tile_overlayer_lowered:
.L_overlay_start_2:
0x5a: {  	(tag) =	ssettag $0x2  }
0x5b: {  	s0 =	rddreg [dreg:$0x0];
	s2 =	stileid.u32  }
0x5c: {  	s1 =	rddreg [dreg:$0x1];
	p0 =	sne.s32 s2, $0x0  }
0x5d: {  	s3 =	rddreg [dreg:$0x2];
	[bflag:$0x3] =	sbarrier.arrive $0xFFFF;
	s2 =	simm.s32 @!p0 $0x1C05  }
0x5e: {  	[timem:s3], [sflag:s2] =	dma.local @!p0 [hbm:s0], s1  }
0x5f: {  	s0 =	simm.s32 @!p0 $0x5  }
0x60: {  	_ =	swait.ge @!p0 [sflag:s0], s1  }
0x61: {  	s1 =	ssub.s32 @!p0 $0x0, s1;
	[sflag:s0] =	ssyncset.done @!p0 $0x0  }
0x62: {  	[sflag:s0] =	ssyncadd.s32 @!p0 s1  }
0x63: {  	[bflag:$0x3] =	sbarrier.arrive $0xFFFF  }
0x64: {  	_ =	shalt  }

</sc_bundles>
